<compile_context>
chip_gen: v7x
topology: tpu7x:2x2x1
jax: 0.10.2.dev20260603
libtpu: 0.0.44.dev20260713+nightly
codegen_flags: <defaults>
</compile_context>

<pallas_src>
import functools

import jax
import jax.numpy as jnp
from jax import lax
from jax.experimental import pallas as pl
from jax.experimental.pallas import tpu as pltpu
from jax.experimental.pallas import tpu_sc as plsc

N = 10000
E = 320000
D = 128
L = 3
EPS = 1e-5

NC = 2
NS = 16
K = 64
NR = 4
NP = 10240
HN = NP // NC
RPT = HN // NS
ZB = 64
EPT = E // NS
NCHF = EPT // K
KR = EPT - NCHF * K


def _sc_body(m_hbm, src_hbm, dst_hbm, out_hbm,
             rsrc_v, rdst_v, fsrc_v, fdst_v, frem_v, rows_v, rowr_v, acc_sh,
             gsem0, gsem1, gsem2, gsem3, ssem0, ssem1, ssem2, ssem3):
    gsem = (gsem0, gsem1, gsem2, gsem3)
    ssem = (ssem0, ssem1, ssem2, ssem3)
    cid = lax.axis_index("c")
    sid = lax.axis_index("s")
    rbase = sid * RPT
    lo = cid * HN
    ebase = sid * EPT
    neg1 = jnp.full((16,), -1, jnp.int32)
    zeros16 = jnp.zeros((16,), jnp.float32)

    def zrow(r, carry):
        for j in range(D // 16):
            rows_v[0, r, pl.ds(j * 16, 16)] = zeros16
        return carry
    lax.fori_loop(0, ZB, zrow, 0)
    for q in range(RPT // ZB):
        pltpu.sync_copy(rows_v.at[0, pl.ds(0, ZB)],
                        acc_sh.at[pl.ds(rbase + q * ZB, ZB)])

    pltpu.sync_copy(src_hbm.at[pl.ds(ebase, EPT)], rsrc_v)
    pltpu.sync_copy(dst_hbm.at[pl.ds(ebase, EPT)], rdst_v)

    def filter_chunk(c, t):
        for j in range(K // 16):
            sl = pl.ds(c * K + j * 16, 16)
            dvl = rdst_v[sl] - lo
            ok = (dvl >= 0) & (dvl < HN)
            fsrc_v[t, pl.ds(j * 16, 16)] = jnp.where(ok, rsrc_v[sl], neg1)
            fdst_v[t, pl.ds(j * 16, 16)] = jnp.where(ok, dvl, neg1)

    def fire_gather(t):
        pltpu.async_copy(
            m_hbm.at[plsc.Indices(fsrc_v.at[t], ignored_value=-1)],
            rows_v.at[t], gsem[t])

    def drain_gather(t):
        pltpu.make_async_copy(
            m_hbm.at[plsc.Indices(fsrc_v.at[t], ignored_value=-1)],
            rows_v.at[t], gsem[t]).wait()

    def fire_scatter(t):
        pltpu.async_copy(
            rows_v.at[t],
            acc_sh.at[plsc.Indices(fdst_v.at[t], ignored_value=-1)],
            ssem[t], add=True)

    def drain_scatter(t):
        pltpu.make_async_copy(
            rows_v.at[t],
            acc_sh.at[plsc.Indices(fdst_v.at[t], ignored_value=-1)],
            ssem[t]).wait()

    filter_chunk(0, 0)
    fire_gather(0)
    filter_chunk(1, 1)
    fire_gather(1)
    plsc.subcore_barrier()

    def body(c4, carry):
        for u in range(NR):
            c = c4 * NR + u
            t = u
            tp2 = (u + 2) % NR

            @pl.when(c >= 2)
            def _():
                drain_scatter(tp2)

            @pl.when(c + 2 < NCHF)
            def _():
                filter_chunk(c + 2, tp2)
            drain_gather(t)

            fire_scatter(t)

            @pl.when(c + 2 < NCHF)
            def _():
                fire_gather(tp2)
        return carry

    lax.fori_loop(0, NCHF // NR, body, 0)
    drain_scatter(2)
    drain_scatter(3)

    for j in range(KR // 16):
        sl = pl.ds(NCHF * K + j * 16, 16)
        dvl = rdst_v[sl] - lo
        ok = (dvl >= 0) & (dvl < HN)
        frem_v[0, pl.ds(j * 16, 16)] = jnp.where(ok, rsrc_v[sl], neg1)
        frem_v[1, pl.ds(j * 16, 16)] = jnp.where(ok, dvl, neg1)
    pltpu.async_copy(
        m_hbm.at[plsc.Indices(frem_v.at[0], ignored_value=-1)],
        rowr_v, gsem[0]).wait()
    pltpu.async_copy(
        rowr_v, acc_sh.at[plsc.Indices(frem_v.at[1], ignored_value=-1)],
        ssem[0], add=True).wait()
    plsc.subcore_barrier()

    for q in range(RPT // ZB):
        pltpu.sync_copy(acc_sh.at[pl.ds(rbase + q * ZB, ZB)],
                        rows_v.at[0, pl.ds(0, ZB)])
        pltpu.sync_copy(rows_v.at[0, pl.ds(0, ZB)],
                        out_hbm.at[pl.ds(lo + rbase + q * ZB, ZB)])


@functools.cache
def _sc_segsum_kernel():
    return pl.kernel(
        _sc_body,
        out_type=jax.ShapeDtypeStruct((NP, D), jnp.float32),
        mesh=plsc.VectorSubcoreMesh(
            core_axis_name="c", subcore_axis_name="s",
            num_cores=NC, num_subcores=NS),
        scratch_types=[
            pltpu.VMEM((EPT,), jnp.int32),
            pltpu.VMEM((EPT,), jnp.int32),
            pltpu.VMEM((NR, K), jnp.int32),
            pltpu.VMEM((NR, K), jnp.int32),
            pltpu.VMEM((2, KR), jnp.int32),
            pltpu.VMEM((NR, K, D), jnp.float32),
            pltpu.VMEM((KR, D), jnp.float32),
            pltpu.VMEM_SHARED((HN, D), jnp.float32),
            pltpu.SemaphoreType.DMA,
            pltpu.SemaphoreType.DMA,
            pltpu.SemaphoreType.DMA,
            pltpu.SemaphoreType.DMA,
            pltpu.SemaphoreType.DMA,
            pltpu.SemaphoreType.DMA,
            pltpu.SemaphoreType.DMA,
            pltpu.SemaphoreType.DMA,
        ],
    )


def _sc_segsum(m, src, dst):
    return _sc_segsum_kernel()(m, src, dst)


R = 1000


def _pre_body(x_ref, w1_ref, b1_ref, g1_ref, be1_ref, g0_ref, h_ref, m_ref):
    h = lax.dot_general(x_ref[...], w1_ref[...], (((1,), (1,)), ((), ())),
                        preferred_element_type=jnp.float32)
    h = (h + b1_ref[...]) * (g1_ref[...] / jnp.sqrt(1.0 + EPS)) + be1_ref[...]
    h_ref[...] = h
    m_ref[...] = jnp.dot(h, g0_ref[...], preferred_element_type=jnp.float32)


def _tc_pre(x, w1, b1, g1, be1, g0):
    full = lambda i: (0, 0)
    return pl.pallas_call(
        _pre_body,
        grid=(N // R,),
        in_specs=[
            pl.BlockSpec((R, D), lambda i: (i, 0)),
            pl.BlockSpec((D, D), full),
            pl.BlockSpec((1, D), full),
            pl.BlockSpec((1, D), full),
            pl.BlockSpec((1, D), full),
            pl.BlockSpec((D, D), full),
        ],
        out_specs=[pl.BlockSpec((R, D), lambda i: (i, 0)),
                   pl.BlockSpec((R, D), lambda i: (i, 0))],
        out_shape=[jax.ShapeDtypeStruct((N, D), jnp.float32),
                   jax.ShapeDtypeStruct((N, D), jnp.float32)],
    )(x, w1, b1, g1, be1, g0)


def _gru_update(p_ref, h_ref, wih_ref, whh_ref, bih_ref, bhh_ref):
    agg = p_ref[...]
    h = h_ref[...]
    gi = lax.dot_general(agg, wih_ref[...], (((1,), (1,)), ((), ())),
                         preferred_element_type=jnp.float32) + bih_ref[...]
    gh = lax.dot_general(h, whh_ref[...], (((1,), (1,)), ((), ())),
                         preferred_element_type=jnp.float32) + bhh_ref[...]
    r = jax.nn.sigmoid(gi[:, :D] + gh[:, :D])
    z = jax.nn.sigmoid(gi[:, D:2 * D] + gh[:, D:2 * D])
    n = jnp.tanh(gi[:, 2 * D:] + r * gh[:, 2 * D:])
    return (1.0 - z) * n + z * h


def _gru_body(p_ref, h_ref, wih_ref, whh_ref, bih_ref, bhh_ref, gn_ref,
              hn_ref, mn_ref):
    hn = _gru_update(p_ref, h_ref, wih_ref, whh_ref, bih_ref, bhh_ref)
    hn_ref[...] = hn
    mn_ref[...] = jnp.dot(hn, gn_ref[...], preferred_element_type=jnp.float32)


def _tc_gru(p, h, wih, whh, bih, bhh, gn):
    full = lambda i: (0, 0)
    return pl.pallas_call(
        _gru_body,
        grid=(N // R,),
        in_specs=[
            pl.BlockSpec((R, D), lambda i: (i, 0)),
            pl.BlockSpec((R, D), lambda i: (i, 0)),
            pl.BlockSpec((3 * D, D), full),
            pl.BlockSpec((3 * D, D), full),
            pl.BlockSpec((1, 3 * D), full),
            pl.BlockSpec((1, 3 * D), full),
            pl.BlockSpec((D, D), full),
        ],
        out_specs=[pl.BlockSpec((R, D), lambda i: (i, 0)),
                   pl.BlockSpec((R, D), lambda i: (i, 0))],
        out_shape=[jax.ShapeDtypeStruct((N, D), jnp.float32),
                   jax.ShapeDtypeStruct((N, D), jnp.float32)],
    )(p, h, wih, whh, bih, bhh, gn)


def _fin_body(h_ref, g2_ref, be2_ref, w2_ref, b2_ref, out_ref, emb_ref):
    hb = h_ref[...] * (g2_ref[...] / jnp.sqrt(1.0 + EPS)) + be2_ref[...]
    emb = lax.dot_general(hb, w2_ref[...], (((1,), (1,)), ((), ())),
                          preferred_element_type=jnp.float32) + b2_ref[...]
    emb_ref[...] = emb
    s = emb - jnp.max(emb, axis=1, keepdims=True)
    out_ref[...] = s - jnp.log(jnp.sum(jnp.exp(s), axis=1, keepdims=True))


def _tc_fin(h, g2, be2, w2, b2):
    full = lambda i: (0, 0)
    return pl.pallas_call(
        _fin_body,
        grid=(N // R,),
        in_specs=[
            pl.BlockSpec((R, D), lambda i: (i, 0)),
            pl.BlockSpec((1, D), full),
            pl.BlockSpec((1, D), full),
            pl.BlockSpec((D, D), full),
            pl.BlockSpec((1, D), full),
        ],
        out_specs=[pl.BlockSpec((R, D), lambda i: (i, 0)),
                   pl.BlockSpec((R, D), lambda i: (i, 0))],
        out_shape=[jax.ShapeDtypeStruct((N, D), jnp.float32),
                   jax.ShapeDtypeStruct((N, D), jnp.float32)],
    )(h, g2, be2, w2, b2)


def kernel(x, edge_index, lin1_W, lin1_b, bn1_gamma, bn1_beta, ggc_weight,
           gru_W_ih, gru_W_hh, gru_b_ih, gru_b_hh, bn2_gamma, bn2_beta,
           lin2_W, lin2_b):
    src = edge_index[0]
    dst = edge_index[1]
    b1 = lin1_b.reshape(1, D)
    g1 = bn1_gamma.reshape(1, D)
    be1 = bn1_beta.reshape(1, D)
    bih = gru_b_ih.reshape(1, 3 * D)
    bhh = gru_b_hh.reshape(1, 3 * D)
    g2 = bn2_gamma.reshape(1, D)
    be2 = bn2_beta.reshape(1, D)
    b2 = lin2_b.reshape(1, D)

    h, m = _tc_pre(x, lin1_W, b1, g1, be1, ggc_weight[0])

    gn_stack = jnp.concatenate([ggc_weight[1:], ggc_weight[:1]], axis=0)

    def step(carry, gn):
        h, m = carry
        p = _sc_segsum(m, src, dst)
        h, m = _tc_gru(p, h, gru_W_ih, gru_W_hh, bih, bhh, gn)
        return (h, m), None

    (h, _), _ = lax.scan(step, (h, m), gn_stack)
    out, emb = _tc_fin(h, g2, be2, lin2_W, b2)
    return (out, emb)

# --- scband reference (transcript-rebuilt; emitter-appended) ---
"""Pipeline reference for scband-ggnn-3624952398781 (READ-ONLY COPY).

The authoritative reference and input builder live on the scoring server;
editing this copy changes nothing except your own understanding.
"""

import jax, jax.numpy as jnp
import numpy as np

N = 10000
E = 320000
D = 128
L = 3
EPS = 1e-5


def _bn_eval(v, gamma, beta):
    # BatchNorm1d in eval mode with running_mean=0, running_var=1
    return (v / jnp.sqrt(1.0 + EPS)) * gamma + beta


def setup_inputs(seed: int = 0) -> dict:
    key = jax.random.key(seed)
    ks = jax.random.split(key, 16)
    s = 1.0 / np.sqrt(D)
    x = jax.random.normal(ks[0], (N, D), jnp.float32)
    edge_index = jax.random.randint(ks[1], (2, E), 0, N, jnp.int32)
    lin1_W = jax.random.uniform(ks[2], (D, D), jnp.float32, -s, s)
    lin1_b = jax.random.uniform(ks[3], (D,), jnp.float32, -s, s)
    bn1_gamma = jnp.ones((D,), jnp.float32)
    bn1_beta = jnp.zeros((D,), jnp.float32)
    ggc_weight = jax.random.uniform(ks[4], (L, D, D), jnp.float32, -s, s)
    sg = 1.0 / np.sqrt(D)
    gru_W_ih = jax.random.uniform(ks[5], (3 * D, D), jnp.float32, -sg, sg)
    gru_W_hh = jax.random.uniform(ks[6], (3 * D, D), jnp.float32, -sg, sg)
    gru_b_ih = jax.random.uniform(ks[7], (3 * D,), jnp.float32, -sg, sg)
    gru_b_hh = jax.random.uniform(ks[8], (3 * D,), jnp.float32, -sg, sg)
    bn2_gamma = jnp.ones((D,), jnp.float32)
    bn2_beta = jnp.zeros((D,), jnp.float32)
    lin2_W = jax.random.uniform(ks[9], (D, D), jnp.float32, -s, s)
    lin2_b = jax.random.uniform(ks[10], (D,), jnp.float32, -s, s)
    return {
        "x": x, "edge_index": edge_index,
        "lin1_W": lin1_W, "lin1_b": lin1_b,
        "bn1_gamma": bn1_gamma, "bn1_beta": bn1_beta,
        "ggc_weight": ggc_weight,
        "gru_W_ih": gru_W_ih, "gru_W_hh": gru_W_hh,
        "gru_b_ih": gru_b_ih, "gru_b_hh": gru_b_hh,
        "bn2_gamma": bn2_gamma, "bn2_beta": bn2_beta,
        "lin2_W": lin2_W, "lin2_b": lin2_b,
    }


def reference(x, edge_index, lin1_W, lin1_b, bn1_gamma, bn1_beta, ggc_weight,
              gru_W_ih, gru_W_hh, gru_b_ih, gru_b_hh, bn2_gamma, bn2_beta,
              lin2_W, lin2_b):
    h = x @ lin1_W.T + lin1_b
    h = _bn_eval(h, bn1_gamma, bn1_beta)
    # dropout is identity in eval mode
    src = edge_index[0]
    dst = edge_index[1]
    for i in range(L):
        m = h @ ggc_weight[i]
        agg = jax.ops.segment_sum(m[src], dst, num_segments=N)
        # GRUCell(input=agg, hidden=h)
        gi = agg @ gru_W_ih.T + gru_b_ih
        gh = h @ gru_W_hh.T + gru_b_hh
        i_r, i_z, i_n = jnp.split(gi, 3, axis=1)
        h_r, h_z, h_n = jnp.split(gh, 3, axis=1)
        r = jax.nn.sigmoid(i_r + h_r)
        z = jax.nn.sigmoid(i_z + h_z)
        n = jnp.tanh(i_n + r * h_n)
        h = (1.0 - z) * n + z * h
    h = _bn_eval(h, bn2_gamma, bn2_beta)
    emb = h @ lin2_W.T + lin2_b
    out = jax.nn.log_softmax(emb, axis=1)
    return (out, emb)

if __name__ == "__main__":
    import jax
    _d = setup_inputs()
    print(jax.jit(kernel)(*tuple(_d.values())))

</pallas_src>

<mosaic_0001>
#map = affine_map<(d0, d1) -> (0, 0)>
#map1 = affine_map<(d0, d1) -> (0)>
module attributes {stable_mosaic.version = 14 : i64} {
  func.func @_sc_body(%arg0: i32, %arg1: i32, %arg2: memref<10000x128xf32, #tpu.memory_space<hbm>>, %arg3: memref<320000xi32, #tpu.memory_space<hbm>>, %arg4: memref<320000xi32, #tpu.memory_space<hbm>>, %arg5: memref<10240x128xf32, #tpu.memory_space<hbm>>, %arg6: memref<20000xi32, #tpu.memory_space<vmem>>, %arg7: memref<20000xi32, #tpu.memory_space<vmem>>, %arg8: memref<4x64xi32, #tpu.memory_space<vmem>>, %arg9: memref<4x64xi32, #tpu.memory_space<vmem>>, %arg10: memref<2x32xi32, #tpu.memory_space<vmem>>, %arg11: memref<4x64x128xf32, #tpu.memory_space<vmem>>, %arg12: memref<32x128xf32, #tpu.memory_space<vmem>>, %arg13: memref<5120x128xf32, #tpu.memory_space<vmem_shared>>, %arg14: memref<!tpu.dma_semaphore, #tpu.memory_space<semaphore_mem>>, %arg15: memref<!tpu.dma_semaphore, #tpu.memory_space<semaphore_mem>>, %arg16: memref<!tpu.dma_semaphore, #tpu.memory_space<semaphore_mem>>, %arg17: memref<!tpu.dma_semaphore, #tpu.memory_space<semaphore_mem>>, %arg18: memref<!tpu.dma_semaphore, #tpu.memory_space<semaphore_mem>>, %arg19: memref<!tpu.dma_semaphore, #tpu.memory_space<semaphore_mem>>, %arg20: memref<!tpu.dma_semaphore, #tpu.memory_space<semaphore_mem>>, %arg21: memref<!tpu.dma_semaphore, #tpu.memory_space<semaphore_mem>>) attributes {dimension_semantics = [#tpu.dimension_semantics<core_parallel>, #tpu.dimension_semantics<subcore_parallel>], iteration_bounds = array<i64: 2, 16>, scalar_prefetch = 0 : i64, scratch_operands = 16 : i64, tpu.core_type = #tpu.core_type<sc_vector_subcore>, window_params = [{transform_indices = #map}, {transform_indices = #map1}, {transform_indices = #map1}, {transform_indices = #map}]} {
    %mul3A = arith.constant 320 : i32
    %mul3A_0 = arith.muli %arg1, %mul3A : i32
    %mul3A_1 = arith.constant 5120 : i32
    %mul3A_2 = arith.muli %arg0, %mul3A_1 : i32
    %mul3A_3 = arith.constant 20000 : i32
    %mul3A_4 = arith.muli %arg1, %mul3A_3 : i32
    %broadcast_in_dim3A = arith.constant -1 : i32
    %broadcast_in_dim3A_5 = vector.broadcast %broadcast_in_dim3A : i32 to vector<16xi32>
    %broadcast_in_dim3A_6 = arith.constant 0.000000e+00 : f32
    %broadcast_in_dim3A_7 = vector.broadcast %broadcast_in_dim3A_6 : f32 to vector<16xf32>
    %scan3A = arith.constant 0 : i32
    %scan3A_8 = arith.constant 0 : i32
    %scan3A_9 = arith.constant 64 : i32
    %scan3A_10 = arith.addi %scan3A_8, %scan3A_9 : i32
    %scan3A_11 = arith.constant 1 : i32
    scf.for %scan3A_429 = %scan3A_8 to %scan3A_10 step %scan3A_11  : i32 {
      %swap3A_430 = arith.constant 0 : i32
      %swap3A_431 = arith.index_cast %swap3A_430 : i32 to index
      %swap3A_432 = arith.index_cast %scan3A_429 : i32 to index
      %swap3A_433 = arith.constant 0 : index
      %swap3A_434 = tpu.vector_load %arg11[%swap3A_431, %swap3A_432, %swap3A_433] {strides = array<i32>} : memref<4x64x128xf32, #tpu.memory_space<vmem>>, vector<1x1x16xf32>,
      %swap3A_435 = vector.shape_cast %swap3A_434 : vector<1x1x16xf32> to vector<16xf32>
      %swap3A_436 = vector.shape_cast %broadcast_in_dim3A_7 : vector<16xf32> to vector<1x1x16xf32>
      tpu.vector_store %arg11[%swap3A_431, %swap3A_432, %swap3A_433], %swap3A_436 {strides = array<i32>} : memref<4x64x128xf32, #tpu.memory_space<vmem>>, vector<1x1x16xf32>,
      %swap3A_437 = arith.constant 0 : i32
      %swap3A_438 = arith.index_cast %swap3A_437 : i32 to index
      %swap3A_439 = arith.index_cast %scan3A_429 : i32 to index
      %swap3A_440 = arith.constant 16 : index
      %swap3A_441 = tpu.vector_load %arg11[%swap3A_438, %swap3A_439, %swap3A_440] {strides = array<i32>} : memref<4x64x128xf32, #tpu.memory_space<vmem>>, vector<1x1x16xf32>,
      %swap3A_442 = vector.shape_cast %swap3A_441 : vector<1x1x16xf32> to vector<16xf32>
      %swap3A_443 = vector.shape_cast %broadcast_in_dim3A_7 : vector<16xf32> to vector<1x1x16xf32>
      tpu.vector_store %arg11[%swap3A_438, %swap3A_439, %swap3A_440], %swap3A_443 {strides = array<i32>} : memref<4x64x128xf32, #tpu.memory_space<vmem>>, vector<1x1x16xf32>,
      %swap3A_444 = arith.constant 0 : i32
      %swap3A_445 = arith.index_cast %swap3A_444 : i32 to index
      %swap3A_446 = arith.index_cast %scan3A_429 : i32 to index
      %swap3A_447 = arith.constant 32 : index
      %swap3A_448 = tpu.vector_load %arg11[%swap3A_445, %swap3A_446, %swap3A_447] {strides = array<i32>} : memref<4x64x128xf32, #tpu.memory_space<vmem>>, vector<1x1x16xf32>,
      %swap3A_449 = vector.shape_cast %swap3A_448 : vector<1x1x16xf32> to vector<16xf32>
      %swap3A_450 = vector.shape_cast %broadcast_in_dim3A_7 : vector<16xf32> to vector<1x1x16xf32>
      tpu.vector_store %arg11[%swap3A_445, %swap3A_446, %swap3A_447], %swap3A_450 {strides = array<i32>} : memref<4x64x128xf32, #tpu.memory_space<vmem>>, vector<1x1x16xf32>,
      %swap3A_451 = arith.constant 0 : i32
      %swap3A_452 = arith.index_cast %swap3A_451 : i32 to index
      %swap3A_453 = arith.index_cast %scan3A_429 : i32 to index
      %swap3A_454 = arith.constant 48 : index
      %swap3A_455 = tpu.vector_load %arg11[%swap3A_452, %swap3A_453, %swap3A_454] {strides = array<i32>} : memref<4x64x128xf32, #tpu.memory_space<vmem>>, vector<1x1x16xf32>,
      %swap3A_456 = vector.shape_cast %swap3A_455 : vector<1x1x16xf32> to vector<16xf32>
      %swap3A_457 = vector.shape_cast %broadcast_in_dim3A_7 : vector<16xf32> to vector<1x1x16xf32>
      tpu.vector_store %arg11[%swap3A_452, %swap3A_453, %swap3A_454], %swap3A_457 {strides = array<i32>} : memref<4x64x128xf32, #tpu.memory_space<vmem>>, vector<1x1x16xf32>,
      %swap3A_458 = arith.constant 0 : i32
      %swap3A_459 = arith.index_cast %swap3A_458 : i32 to index
      %swap3A_460 = arith.index_cast %scan3A_429 : i32 to index
      %swap3A_461 = arith.constant 64 : index
      %swap3A_462 = tpu.vector_load %arg11[%swap3A_459, %swap3A_460, %swap3A_461] {strides = array<i32>} : memref<4x64x128xf32, #tpu.memory_space<vmem>>, vector<1x1x16xf32>,
      %swap3A_463 = vector.shape_cast %swap3A_462 : vector<1x1x16xf32> to vector<16xf32>
      %swap3A_464 = vector.shape_cast %broadcast_in_dim3A_7 : vector<16xf32> to vector<1x1x16xf32>
      tpu.vector_store %arg11[%swap3A_459, %swap3A_460, %swap3A_461], %swap3A_464 {strides = array<i32>} : memref<4x64x128xf32, #tpu.memory_space<vmem>>, vector<1x1x16xf32>,
      %swap3A_465 = arith.constant 0 : i32
      %swap3A_466 = arith.index_cast %swap3A_465 : i32 to index
      %swap3A_467 = arith.index_cast %scan3A_429 : i32 to index
      %swap3A_468 = arith.constant 80 : index
      %swap3A_469 = tpu.vector_load %arg11[%swap3A_466, %swap3A_467, %swap3A_468] {strides = array<i32>} : memref<4x64x128xf32, #tpu.memory_space<vmem>>, vector<1x1x16xf32>,
      %swap3A_470 = vector.shape_cast %swap3A_469 : vector<1x1x16xf32> to vector<16xf32>
      %swap3A_471 = vector.shape_cast %broadcast_in_dim3A_7 : vector<16xf32> to vector<1x1x16xf32>
      tpu.vector_store %arg11[%swap3A_466, %swap3A_467, %swap3A_468], %swap3A_471 {strides = array<i32>} : memref<4x64x128xf32, #tpu.memory_space<vmem>>, vector<1x1x16xf32>,
      %swap3A_472 = arith.constant 0 : i32
      %swap3A_473 = arith.index_cast %swap3A_472 : i32 to index
      %swap3A_474 = arith.index_cast %scan3A_429 : i32 to index
      %swap3A_475 = arith.constant 96 : index
      %swap3A_476 = tpu.vector_load %arg11[%swap3A_473, %swap3A_474, %swap3A_475] {strides = array<i32>} : memref<4x64x128xf32, #tpu.memory_space<vmem>>, vector<1x1x16xf32>,
      %swap3A_477 = vector.shape_cast %swap3A_476 : vector<1x1x16xf32> to vector<16xf32>
      %swap3A_478 = vector.shape_cast %broadcast_in_dim3A_7 : vector<16xf32> to vector<1x1x16xf32>
      tpu.vector_store %arg11[%swap3A_473, %swap3A_474, %swap3A_475], %swap3A_478 {strides = array<i32>} : memref<4x64x128xf32, #tpu.memory_space<vmem>>, vector<1x1x16xf32>,
      %swap3A_479 = arith.constant 0 : i32
      %swap3A_480 = arith.index_cast %swap3A_479 : i32 to index
      %swap3A_481 = arith.index_cast %scan3A_429 : i32 to index
      %swap3A_482 = arith.constant 112 : index
      %swap3A_483 = tpu.vector_load %arg11[%swap3A_480, %swap3A_481, %swap3A_482] {strides = array<i32>} : memref<4x64x128xf32, #tpu.memory_space<vmem>>, vector<1x1x16xf32>,
      %swap3A_484 = vector.shape_cast %swap3A_483 : vector<1x1x16xf32> to vector<16xf32>
      %swap3A_485 = vector.shape_cast %broadcast_in_dim3A_7 : vector<16xf32> to vector<1x1x16xf32>
      tpu.vector_store %arg11[%swap3A_480, %swap3A_481, %swap3A_482], %swap3A_485 {strides = array<i32>} : memref<4x64x128xf32, #tpu.memory_space<vmem>>, vector<1x1x16xf32>,
    }
    %scan3A_12 = arith.constant 64 : i32
    %add3A = arith.constant 0 : i32
    %add3A_13 = arith.addi %mul3A_0, %add3A : i32
    %run_scoped3A = arith.constant 0 : i32
    "tpu.region"() ({
      %run_scoped3A_429 = tpu.sem_alloc : memref<!tpu.dma_semaphore, #tpu.memory_space<semaphore_mem>>
      %dma_start3A_430 = arith.constant 0 : i32
      %dma_start3A_431 = arith.constant 0 : i32
      %dma_start3A_432 = tpu.memref_slice %arg11[%run_scoped3A, %dma_start3A_430, %dma_start3A_431] : memref<4x64x128xf32, #tpu.memory_space<vmem>> -> memref<1x64x128xf32, #tpu.memory_space<vmem>>
      %dma_start3A_433 = tpu.memref_squeeze %dma_start3A_432 : memref<1x64x128xf32, #tpu.memory_space<vmem>> -> memref<64x128xf32, #tpu.memory_space<vmem>>
      %dma_start3A_434 = arith.constant 0 : i32
      %dma_start3A_435 = tpu.memref_slice %arg13[%add3A_13, %dma_start3A_434] : memref<5120x128xf32, #tpu.memory_space<vmem_shared>> -> memref<64x128xf32, #tpu.memory_space<vmem_shared>>
      %dma_start3A_436 = arith.constant 0 : i32
      %dma_start3A_437 = tpu.memref_slice %arg13[%add3A_13, %dma_start3A_436] : memref<5120x128xf32, #tpu.memory_space<vmem_shared>> -> memref<64x128xf32, #tpu.memory_space<vmem_shared>>
      %dma_start3A_438 = arith.constant 0 : i32
      %dma_start3A_439 = arith.constant 0 : i32
      %dma_start3A_440 = tpu.memref_slice %arg11[%run_scoped3A, %dma_start3A_438, %dma_start3A_439] : memref<4x64x128xf32, #tpu.memory_space<vmem>> -> memref<1x64x128xf32, #tpu.memory_space<vmem>>
      %dma_start3A_441 = tpu.memref_squeeze %dma_start3A_440 : memref<1x64x128xf32, #tpu.memory_space<vmem>> -> memref<64x128xf32, #tpu.memory_space<vmem>>
      tpu.enqueue_dma source(%dma_start3A_441 : memref<64x128xf32, #tpu.memory_space<vmem>>) target(%dma_start3A_437 : memref<64x128xf32, #tpu.memory_space<vmem_shared>>) target_semaphore(%run_scoped3A_429 : memref<!tpu.dma_semaphore, #tpu.memory_space<semaphore_mem>>)
      %dma_wait3A_442 = arith.constant 0 : i32
      %dma_wait3A_443 = arith.constant 0 : i32
      %dma_wait3A_444 = tpu.memref_slice %arg11[%run_scoped3A, %dma_wait3A_442, %dma_wait3A_443] : memref<4x64x128xf32, #tpu.memory_space<vmem>> -> memref<1x64x128xf32, #tpu.memory_space<vmem>>
      %dma_wait3A_445 = tpu.memref_squeeze %dma_wait3A_444 : memref<1x64x128xf32, #tpu.memory_space<vmem>> -> memref<64x128xf32, #tpu.memory_space<vmem>>
      %dma_wait3A_446 = arith.constant 0 : i32
      %dma_wait3A_447 = tpu.memref_slice %arg13[%add3A_13, %dma_wait3A_446] : memref<5120x128xf32, #tpu.memory_space<vmem_shared>> -> memref<64x128xf32, #tpu.memory_space<vmem_shared>>
      %dma_wait3A_448 = arith.constant 0 : i32
      %dma_wait3A_449 = tpu.memref_slice %arg13[%add3A_13, %dma_wait3A_448] : memref<5120x128xf32, #tpu.memory_space<vmem_shared>> -> memref<64x128xf32, #tpu.memory_space<vmem_shared>>
      %dma_wait3A_450 = arith.constant 0 : i32
      %dma_wait3A_451 = arith.constant 0 : i32
      %dma_wait3A_452 = tpu.memref_slice %arg11[%run_scoped3A, %dma_wait3A_450, %dma_wait3A_451] : memref<4x64x128xf32, #tpu.memory_space<vmem>> -> memref<1x64x128xf32, #tpu.memory_space<vmem>>
      %dma_wait3A_453 = tpu.memref_squeeze %dma_wait3A_452 : memref<1x64x128xf32, #tpu.memory_space<vmem>> -> memref<64x128xf32, #tpu.memory_space<vmem>>
      tpu.wait_dma2 semaphore(%run_scoped3A_429 : memref<!tpu.dma_semaphore, #tpu.memory_space<semaphore_mem>>) src(%dma_wait3A_453 : memref<64x128xf32, #tpu.memory_space<vmem>>) dst(%dma_wait3A_449 : memref<64x128xf32, #tpu.memory_space<vmem_shared>>)
      tpu.yield
    }) : () -> ()
    %add3A_14 = arith.constant 64 : i32
    %add3A_15 = arith.addi %mul3A_0, %add3A_14 : i32
    %run_scoped3A_16 = arith.constant 0 : i32
    "tpu.region"() ({
      %run_scoped3A_429 = tpu.sem_alloc : memref<!tpu.dma_semaphore, #tpu.memory_space<semaphore_mem>>
      %dma_start3A_430 = arith.constant 0 : i32
      %dma_start3A_431 = arith.constant 0 : i32
      %dma_start3A_432 = tpu.memref_slice %arg11[%run_scoped3A_16, %dma_start3A_430, %dma_start3A_431] : memref<4x64x128xf32, #tpu.memory_space<vmem>> -> memref<1x64x128xf32, #tpu.memory_space<vmem>>
      %dma_start3A_433 = tpu.memref_squeeze %dma_start3A_432 : memref<1x64x128xf32, #tpu.memory_space<vmem>> -> memref<64x128xf32, #tpu.memory_space<vmem>>
      %dma_start3A_434 = arith.constant 0 : i32
      %dma_start3A_435 = tpu.memref_slice %arg13[%add3A_15, %dma_start3A_434] : memref<5120x128xf32, #tpu.memory_space<vmem_shared>> -> memref<64x128xf32, #tpu.memory_space<vmem_shared>>
      %dma_start3A_436 = arith.constant 0 : i32
      %dma_start3A_437 = tpu.memref_slice %arg13[%add3A_15, %dma_start3A_436] : memref<5120x128xf32, #tpu.memory_space<vmem_shared>> -> memref<64x128xf32, #tpu.memory_space<vmem_shared>>
      %dma_start3A_438 = arith.constant 0 : i32
      %dma_start3A_439 = arith.constant 0 : i32
      %dma_start3A_440 = tpu.memref_slice %arg11[%run_scoped3A_16, %dma_start3A_438, %dma_start3A_439] : memref<4x64x128xf32, #tpu.memory_space<vmem>> -> memref<1x64x128xf32, #tpu.memory_space<vmem>>
      %dma_start3A_441 = tpu.memref_squeeze %dma_start3A_440 : memref<1x64x128xf32, #tpu.memory_space<vmem>> -> memref<64x128xf32, #tpu.memory_space<vmem>>
      tpu.enqueue_dma source(%dma_start3A_441 : memref<64x128xf32, #tpu.memory_space<vmem>>) target(%dma_start3A_437 : memref<64x128xf32, #tpu.memory_space<vmem_shared>>) target_semaphore(%run_scoped3A_429 : memref<!tpu.dma_semaphore, #tpu.memory_space<semaphore_mem>>)
      %dma_wait3A_442 = arith.constant 0 : i32
      %dma_wait3A_443 = arith.constant 0 : i32
      %dma_wait3A_444 = tpu.memref_slice %arg11[%run_scoped3A_16, %dma_wait3A_442, %dma_wait3A_443] : memref<4x64x128xf32, #tpu.memory_space<vmem>> -> memref<1x64x128xf32, #tpu.memory_space<vmem>>
      %dma_wait3A_445 = tpu.memref_squeeze %dma_wait3A_444 : memref<1x64x128xf32, #tpu.memory_space<vmem>> -> memref<64x128xf32, #tpu.memory_space<vmem>>
      %dma_wait3A_446 = arith.constant 0 : i32
      %dma_wait3A_447 = tpu.memref_slice %arg13[%add3A_15, %dma_wait3A_446] : memref<5120x128xf32, #tpu.memory_space<vmem_shared>> -> memref<64x128xf32, #tpu.memory_space<vmem_shared>>
      %dma_wait3A_448 = arith.constant 0 : i32
      %dma_wait3A_449 = tpu.memref_slice %arg13[%add3A_15, %dma_wait3A_448] : memref<5120x128xf32, #tpu.memory_space<vmem_shared>> -> memref<64x128xf32, #tpu.memory_space<vmem_shared>>
      %dma_wait3A_450 = arith.constant 0 : i32
      %dma_wait3A_451 = arith.constant 0 : i32
      %dma_wait3A_452 = tpu.memref_slice %arg11[%run_scoped3A_16, %dma_wait3A_450, %dma_wait3A_451] : memref<4x64x128xf32, #tpu.memory_space<vmem>> -> memref<1x64x128xf32, #tpu.memory_space<vmem>>
      %dma_wait3A_453 = tpu.memref_squeeze %dma_wait3A_452 : memref<1x64x128xf32, #tpu.memory_space<vmem>> -> memref<64x128xf32, #tpu.memory_space<vmem>>
      tpu.wait_dma2 semaphore(%run_scoped3A_429 : memref<!tpu.dma_semaphore, #tpu.memory_space<semaphore_mem>>) src(%dma_wait3A_453 : memref<64x128xf32, #tpu.memory_space<vmem>>) dst(%dma_wait3A_449 : memref<64x128xf32, #tpu.memory_space<vmem_shared>>)
      tpu.yield
    }) : () -> ()
    %add3A_17 = arith.constant 128 : i32
    %add3A_18 = arith.addi %mul3A_0, %add3A_17 : i32
    %run_scoped3A_19 = arith.constant 0 : i32
    "tpu.region"() ({
      %run_scoped3A_429 = tpu.sem_alloc : memref<!tpu.dma_semaphore, #tpu.memory_space<semaphore_mem>>
      %dma_start3A_430 = arith.constant 0 : i32
      %dma_start3A_431 = arith.constant 0 : i32
      %dma_start3A_432 = tpu.memref_slice %arg11[%run_scoped3A_19, %dma_start3A_430, %dma_start3A_431] : memref<4x64x128xf32, #tpu.memory_space<vmem>> -> memref<1x64x128xf32, #tpu.memory_space<vmem>>
      %dma_start3A_433 = tpu.memref_squeeze %dma_start3A_432 : memref<1x64x128xf32, #tpu.memory_space<vmem>> -> memref<64x128xf32, #tpu.memory_space<vmem>>
      %dma_start3A_434 = arith.constant 0 : i32
      %dma_start3A_435 = tpu.memref_slice %arg13[%add3A_18, %dma_start3A_434] : memref<5120x128xf32, #tpu.memory_space<vmem_shared>> -> memref<64x128xf32, #tpu.memory_space<vmem_shared>>
      %dma_start3A_436 = arith.constant 0 : i32
      %dma_start3A_437 = tpu.memref_slice %arg13[%add3A_18, %dma_start3A_436] : memref<5120x128xf32, #tpu.memory_space<vmem_shared>> -> memref<64x128xf32, #tpu.memory_space<vmem_shared>>
      %dma_start3A_438 = arith.constant 0 : i32
      %dma_start3A_439 = arith.constant 0 : i32
      %dma_start3A_440 = tpu.memref_slice %arg11[%run_scoped3A_19, %dma_start3A_438, %dma_start3A_439] : memref<4x64x128xf32, #tpu.memory_space<vmem>> -> memref<1x64x128xf32, #tpu.memory_space<vmem>>
      %dma_start3A_441 = tpu.memref_squeeze %dma_start3A_440 : memref<1x64x128xf32, #tpu.memory_space<vmem>> -> memref<64x128xf32, #tpu.memory_space<vmem>>
      tpu.enqueue_dma source(%dma_start3A_441 : memref<64x128xf32, #tpu.memory_space<vmem>>) target(%dma_start3A_437 : memref<64x128xf32, #tpu.memory_space<vmem_shared>>) target_semaphore(%run_scoped3A_429 : memref<!tpu.dma_semaphore, #tpu.memory_space<semaphore_mem>>)
      %dma_wait3A_442 = arith.constant 0 : i32
      %dma_wait3A_443 = arith.constant 0 : i32
      %dma_wait3A_444 = tpu.memref_slice %arg11[%run_scoped3A_19, %dma_wait3A_442, %dma_wait3A_443] : memref<4x64x128xf32, #tpu.memory_space<vmem>> -> memref<1x64x128xf32, #tpu.memory_space<vmem>>
      %dma_wait3A_445 = tpu.memref_squeeze %dma_wait3A_444 : memref<1x64x128xf32, #tpu.memory_space<vmem>> -> memref<64x128xf32, #tpu.memory_space<vmem>>
      %dma_wait3A_446 = arith.constant 0 : i32
      %dma_wait3A_447 = tpu.memref_slice %arg13[%add3A_18, %dma_wait3A_446] : memref<5120x128xf32, #tpu.memory_space<vmem_shared>> -> memref<64x128xf32, #tpu.memory_space<vmem_shared>>
      %dma_wait3A_448 = arith.constant 0 : i32
      %dma_wait3A_449 = tpu.memref_slice %arg13[%add3A_18, %dma_wait3A_448] : memref<5120x128xf32, #tpu.memory_space<vmem_shared>> -> memref<64x128xf32, #tpu.memory_space<vmem_shared>>
      %dma_wait3A_450 = arith.constant 0 : i32
      %dma_wait3A_451 = arith.constant 0 : i32
      %dma_wait3A_452 = tpu.memref_slice %arg11[%run_scoped3A_19, %dma_wait3A_450, %dma_wait3A_451] : memref<4x64x128xf32, #tpu.memory_space<vmem>> -> memref<1x64x128xf32, #tpu.memory_space<vmem>>
      %dma_wait3A_453 = tpu.memref_squeeze %dma_wait3A_452 : memref<1x64x128xf32, #tpu.memory_space<vmem>> -> memref<64x128xf32, #tpu.memory_space<vmem>>
      tpu.wait_dma2 semaphore(%run_scoped3A_429 : memref<!tpu.dma_semaphore, #tpu.memory_space<semaphore_mem>>) src(%dma_wait3A_453 : memref<64x128xf32, #tpu.memory_space<vmem>>) dst(%dma_wait3A_449 : memref<64x128xf32, #tpu.memory_space<vmem_shared>>)
      tpu.yield
    }) : () -> ()
    %add3A_20 = arith.constant 192 : i32
    %add3A_21 = arith.addi %mul3A_0, %add3A_20 : i32
    %run_scoped3A_22 = arith.constant 0 : i32
    "tpu.region"() ({
      %run_scoped3A_429 = tpu.sem_alloc : memref<!tpu.dma_semaphore, #tpu.memory_space<semaphore_mem>>
      %dma_start3A_430 = arith.constant 0 : i32
      %dma_start3A_431 = arith.constant 0 : i32
      %dma_start3A_432 = tpu.memref_slice %arg11[%run_scoped3A_22, %dma_start3A_430, %dma_start3A_431] : memref<4x64x128xf32, #tpu.memory_space<vmem>> -> memref<1x64x128xf32, #tpu.memory_space<vmem>>
      %dma_start3A_433 = tpu.memref_squeeze %dma_start3A_432 : memref<1x64x128xf32, #tpu.memory_space<vmem>> -> memref<64x128xf32, #tpu.memory_space<vmem>>
      %dma_start3A_434 = arith.constant 0 : i32
      %dma_start3A_435 = tpu.memref_slice %arg13[%add3A_21, %dma_start3A_434] : memref<5120x128xf32, #tpu.memory_space<vmem_shared>> -> memref<64x128xf32, #tpu.memory_space<vmem_shared>>
      %dma_start3A_436 = arith.constant 0 : i32
      %dma_start3A_437 = tpu.memref_slice %arg13[%add3A_21, %dma_start3A_436] : memref<5120x128xf32, #tpu.memory_space<vmem_shared>> -> memref<64x128xf32, #tpu.memory_space<vmem_shared>>
      %dma_start3A_438 = arith.constant 0 : i32
      %dma_start3A_439 = arith.constant 0 : i32
      %dma_start3A_440 = tpu.memref_slice %arg11[%run_scoped3A_22, %dma_start3A_438, %dma_start3A_439] : memref<4x64x128xf32, #tpu.memory_space<vmem>> -> memref<1x64x128xf32, #tpu.memory_space<vmem>>
      %dma_start3A_441 = tpu.memref_squeeze %dma_start3A_440 : memref<1x64x128xf32, #tpu.memory_space<vmem>> -> memref<64x128xf32, #tpu.memory_space<vmem>>
      tpu.enqueue_dma source(%dma_start3A_441 : memref<64x128xf32, #tpu.memory_space<vmem>>) target(%dma_start3A_437 : memref<64x128xf32, #tpu.memory_space<vmem_shared>>) target_semaphore(%run_scoped3A_429 : memref<!tpu.dma_semaphore, #tpu.memory_space<semaphore_mem>>)
      %dma_wait3A_442 = arith.constant 0 : i32
      %dma_wait3A_443 = arith.constant 0 : i32
      %dma_wait3A_444 = tpu.memref_slice %arg11[%run_scoped3A_22, %dma_wait3A_442, %dma_wait3A_443] : memref<4x64x128xf32, #tpu.memory_space<vmem>> -> memref<1x64x128xf32, #tpu.memory_space<vmem>>
      %dma_wait3A_445 = tpu.memref_squeeze %dma_wait3A_444 : memref<1x64x128xf32, #tpu.memory_space<vmem>> -> memref<64x128xf32, #tpu.memory_space<vmem>>
      %dma_wait3A_446 = arith.constant 0 : i32
      %dma_wait3A_447 = tpu.memref_slice %arg13[%add3A_21, %dma_wait3A_446] : memref<5120x128xf32, #tpu.memory_space<vmem_shared>> -> memref<64x128xf32, #tpu.memory_space<vmem_shared>>
      %dma_wait3A_448 = arith.constant 0 : i32
      %dma_wait3A_449 = tpu.memref_slice %arg13[%add3A_21, %dma_wait3A_448] : memref<5120x128xf32, #tpu.memory_space<vmem_shared>> -> memref<64x128xf32, #tpu.memory_space<vmem_shared>>
      %dma_wait3A_450 = arith.constant 0 : i32
      %dma_wait3A_451 = arith.constant 0 : i32
      %dma_wait3A_452 = tpu.memref_slice %arg11[%run_scoped3A_22, %dma_wait3A_450, %dma_wait3A_451] : memref<4x64x128xf32, #tpu.memory_space<vmem>> -> memref<1x64x128xf32, #tpu.memory_space<vmem>>
      %dma_wait3A_453 = tpu.memref_squeeze %dma_wait3A_452 : memref<1x64x128xf32, #tpu.memory_space<vmem>> -> memref<64x128xf32, #tpu.memory_space<vmem>>
      tpu.wait_dma2 semaphore(%run_scoped3A_429 : memref<!tpu.dma_semaphore, #tpu.memory_space<semaphore_mem>>) src(%dma_wait3A_453 : memref<64x128xf32, #tpu.memory_space<vmem>>) dst(%dma_wait3A_449 : memref<64x128xf32, #tpu.memory_space<vmem_shared>>)
      tpu.yield
    }) : () -> ()
    %add3A_23 = arith.constant 256 : i32
    %add3A_24 = arith.addi %mul3A_0, %add3A_23 : i32
    %run_scoped3A_25 = arith.constant 0 : i32
    "tpu.region"() ({
      %run_scoped3A_429 = tpu.sem_alloc : memref<!tpu.dma_semaphore, #tpu.memory_space<semaphore_mem>>
      %dma_start3A_430 = arith.constant 0 : i32
      %dma_start3A_431 = arith.constant 0 : i32
      %dma_start3A_432 = tpu.memref_slice %arg11[%run_scoped3A_25, %dma_start3A_430, %dma_start3A_431] : memref<4x64x128xf32, #tpu.memory_space<vmem>> -> memref<1x64x128xf32, #tpu.memory_space<vmem>>
      %dma_start3A_433 = tpu.memref_squeeze %dma_start3A_432 : memref<1x64x128xf32, #tpu.memory_space<vmem>> -> memref<64x128xf32, #tpu.memory_space<vmem>>
      %dma_start3A_434 = arith.constant 0 : i32
      %dma_start3A_435 = tpu.memref_slice %arg13[%add3A_24, %dma_start3A_434] : memref<5120x128xf32, #tpu.memory_space<vmem_shared>> -> memref<64x128xf32, #tpu.memory_space<vmem_shared>>
      %dma_start3A_436 = arith.constant 0 : i32
      %dma_start3A_437 = tpu.memref_slice %arg13[%add3A_24, %dma_start3A_436] : memref<5120x128xf32, #tpu.memory_space<vmem_shared>> -> memref<64x128xf32, #tpu.memory_space<vmem_shared>>
      %dma_start3A_438 = arith.constant 0 : i32
      %dma_start3A_439 = arith.constant 0 : i32
      %dma_start3A_440 = tpu.memref_slice %arg11[%run_scoped3A_25, %dma_start3A_438, %dma_start3A_439] : memref<4x64x128xf32, #tpu.memory_space<vmem>> -> memref<1x64x128xf32, #tpu.memory_space<vmem>>
      %dma_start3A_441 = tpu.memref_squeeze %dma_start3A_440 : memref<1x64x128xf32, #tpu.memory_space<vmem>> -> memref<64x128xf32, #tpu.memory_space<vmem>>
      tpu.enqueue_dma source(%dma_start3A_441 : memref<64x128xf32, #tpu.memory_space<vmem>>) target(%dma_start3A_437 : memref<64x128xf32, #tpu.memory_space<vmem_shared>>) target_semaphore(%run_scoped3A_429 : memref<!tpu.dma_semaphore, #tpu.memory_space<semaphore_mem>>)
      %dma_wait3A_442 = arith.constant 0 : i32
      %dma_wait3A_443 = arith.constant 0 : i32
      %dma_wait3A_444 = tpu.memref_slice %arg11[%run_scoped3A_25, %dma_wait3A_442, %dma_wait3A_443] : memref<4x64x128xf32, #tpu.memory_space<vmem>> -> memref<1x64x128xf32, #tpu.memory_space<vmem>>
      %dma_wait3A_445 = tpu.memref_squeeze %dma_wait3A_444 : memref<1x64x128xf32, #tpu.memory_space<vmem>> -> memref<64x128xf32, #tpu.memory_space<vmem>>
      %dma_wait3A_446 = arith.constant 0 : i32
      %dma_wait3A_447 = tpu.memref_slice %arg13[%add3A_24, %dma_wait3A_446] : memref<5120x128xf32, #tpu.memory_space<vmem_shared>> -> memref<64x128xf32, #tpu.memory_space<vmem_shared>>
      %dma_wait3A_448 = arith.constant 0 : i32
      %dma_wait3A_449 = tpu.memref_slice %arg13[%add3A_24, %dma_wait3A_448] : memref<5120x128xf32, #tpu.memory_space<vmem_shared>> -> memref<64x128xf32, #tpu.memory_space<vmem_shared>>
      %dma_wait3A_450 = arith.constant 0 : i32
      %dma_wait3A_451 = arith.constant 0 : i32
      %dma_wait3A_452 = tpu.memref_slice %arg11[%run_scoped3A_25, %dma_wait3A_450, %dma_wait3A_451] : memref<4x64x128xf32, #tpu.memory_space<vmem>> -> memref<1x64x128xf32, #tpu.memory_space<vmem>>
      %dma_wait3A_453 = tpu.memref_squeeze %dma_wait3A_452 : memref<1x64x128xf32, #tpu.memory_space<vmem>> -> memref<64x128xf32, #tpu.memory_space<vmem>>
      tpu.wait_dma2 semaphore(%run_scoped3A_429 : memref<!tpu.dma_semaphore, #tpu.memory_space<semaphore_mem>>) src(%dma_wait3A_453 : memref<64x128xf32, #tpu.memory_space<vmem>>) dst(%dma_wait3A_449 : memref<64x128xf32, #tpu.memory_space<vmem_shared>>)
      tpu.yield
    }) : () -> ()
    "tpu.region"() ({
      %run_scoped3A_429 = tpu.sem_alloc : memref<!tpu.dma_semaphore, #tpu.memory_space<semaphore_mem>>
      %dma_start3A_430 = tpu.memref_slice %arg3[%mul3A_4] : memref<320000xi32, #tpu.memory_space<hbm>> -> memref<20000xi32, #tpu.memory_space<hbm>>
      %dma_start3A_431 = tpu.memref_slice %arg3[%mul3A_4] : memref<320000xi32, #tpu.memory_space<hbm>> -> memref<20000xi32, #tpu.memory_space<hbm>>
      tpu.enqueue_dma source(%dma_start3A_431 : memref<20000xi32, #tpu.memory_space<hbm>>) target(%arg6 : memref<20000xi32, #tpu.memory_space<vmem>>) target_semaphore(%run_scoped3A_429 : memref<!tpu.dma_semaphore, #tpu.memory_space<semaphore_mem>>)
      %dma_wait3A_432 = tpu.memref_slice %arg3[%mul3A_4] : memref<320000xi32, #tpu.memory_space<hbm>> -> memref<20000xi32, #tpu.memory_space<hbm>>
      %dma_wait3A_433 = tpu.memref_slice %arg3[%mul3A_4] : memref<320000xi32, #tpu.memory_space<hbm>> -> memref<20000xi32, #tpu.memory_space<hbm>>
      tpu.wait_dma2 semaphore(%run_scoped3A_429 : memref<!tpu.dma_semaphore, #tpu.memory_space<semaphore_mem>>) src(%dma_wait3A_433 : memref<20000xi32, #tpu.memory_space<hbm>>) dst(%arg6 : memref<20000xi32, #tpu.memory_space<vmem>>)
      tpu.yield
    }) : () -> ()
    "tpu.region"() ({
      %run_scoped3A_429 = tpu.sem_alloc : memref<!tpu.dma_semaphore, #tpu.memory_space<semaphore_mem>>
      %dma_start3A_430 = tpu.memref_slice %arg4[%mul3A_4] : memref<320000xi32, #tpu.memory_space<hbm>> -> memref<20000xi32, #tpu.memory_space<hbm>>
      %dma_start3A_431 = tpu.memref_slice %arg4[%mul3A_4] : memref<320000xi32, #tpu.memory_space<hbm>> -> memref<20000xi32, #tpu.memory_space<hbm>>
      tpu.enqueue_dma source(%dma_start3A_431 : memref<20000xi32, #tpu.memory_space<hbm>>) target(%arg7 : memref<20000xi32, #tpu.memory_space<vmem>>) target_semaphore(%run_scoped3A_429 : memref<!tpu.dma_semaphore, #tpu.memory_space<semaphore_mem>>)
      %dma_wait3A_432 = tpu.memref_slice %arg4[%mul3A_4] : memref<320000xi32, #tpu.memory_space<hbm>> -> memref<20000xi32, #tpu.memory_space<hbm>>
      %dma_wait3A_433 = tpu.memref_slice %arg4[%mul3A_4] : memref<320000xi32, #tpu.memory_space<hbm>> -> memref<20000xi32, #tpu.memory_space<hbm>>
      tpu.wait_dma2 semaphore(%run_scoped3A_429 : memref<!tpu.dma_semaphore, #tpu.memory_space<semaphore_mem>>) src(%dma_wait3A_433 : memref<20000xi32, #tpu.memory_space<hbm>>) dst(%arg7 : memref<20000xi32, #tpu.memory_space<vmem>>)
      tpu.yield
    }) : () -> ()
    %get3A = arith.constant 0 : index
    %get3A_26 = tpu.vector_load %arg7[%get3A] {strides = array<i32>} : memref<20000xi32, #tpu.memory_space<vmem>>, vector<16xi32>,
    %get3A_27 = vector.shape_cast %get3A_26 : vector<16xi32> to vector<16xi32>
    %sub3A = vector.broadcast %mul3A_2 : i32 to vector<16xi32>
    %sub3A_28 = arith.subi %get3A_27, %sub3A : vector<16xi32>
    %ge3A = arith.constant 0 : i32
    %ge3A_29 = vector.broadcast %ge3A : i32 to vector<16xi32>
    %ge3A_30 = arith.cmpi sge, %sub3A_28, %ge3A_29 : vector<16xi32>
    %lt3A = arith.constant 5120 : i32
    %lt3A_31 = vector.broadcast %lt3A : i32 to vector<16xi32>
    %lt3A_32 = arith.cmpi slt, %sub3A_28, %lt3A_31 : vector<16xi32>
    %and3A = arith.andi %ge3A_30, %lt3A_32 : vector<16xi1>
    %get3A_33 = arith.constant 0 : index
    %get3A_34 = tpu.vector_load %arg6[%get3A_33] {strides = array<i32>} : memref<20000xi32, #tpu.memory_space<vmem>>, vector<16xi32>,
    %get3A_35 = vector.shape_cast %get3A_34 : vector<16xi32> to vector<16xi32>
    %select_n3A = arith.select %and3A, %get3A_35, %broadcast_in_dim3A_5 : vector<16xi1>, vector<16xi32>
    %swap3A = arith.constant 0 : i32
    %swap3A_36 = arith.index_cast %swap3A : i32 to index
    %swap3A_37 = arith.constant 0 : index
    %swap3A_38 = tpu.vector_load %arg8[%swap3A_36, %swap3A_37] {strides = array<i32>} : memref<4x64xi32, #tpu.memory_space<vmem>>, vector<1x16xi32>,
    %swap3A_39 = vector.shape_cast %swap3A_38 : vector<1x16xi32> to vector<16xi32>
    %swap3A_40 = vector.shape_cast %select_n3A : vector<16xi32> to vector<1x16xi32>
    tpu.vector_store %arg8[%swap3A_36, %swap3A_37], %swap3A_40 {strides = array<i32>} : memref<4x64xi32, #tpu.memory_space<vmem>>, vector<1x16xi32>,
    %select_n3A_41 = arith.select %and3A, %sub3A_28, %broadcast_in_dim3A_5 : vector<16xi1>, vector<16xi32>
    %swap3A_42 = arith.constant 0 : i32
    %swap3A_43 = arith.index_cast %swap3A_42 : i32 to index
    %swap3A_44 = arith.constant 0 : index
    %swap3A_45 = tpu.vector_load %arg9[%swap3A_43, %swap3A_44] {strides = array<i32>} : memref<4x64xi32, #tpu.memory_space<vmem>>, vector<1x16xi32>,
    %swap3A_46 = vector.shape_cast %swap3A_45 : vector<1x16xi32> to vector<16xi32>
    %swap3A_47 = vector.shape_cast %select_n3A_41 : vector<16xi32> to vector<1x16xi32>
    tpu.vector_store %arg9[%swap3A_43, %swap3A_44], %swap3A_47 {strides = array<i32>} : memref<4x64xi32, #tpu.memory_space<vmem>>, vector<1x16xi32>,
    %get3A_48 = arith.constant 16 : index
    %get3A_49 = tpu.vector_load %arg7[%get3A_48] {strides = array<i32>} : memref<20000xi32, #tpu.memory_space<vmem>>, vector<16xi32>,
    %get3A_50 = vector.shape_cast %get3A_49 : vector<16xi32> to vector<16xi32>
    %sub3A_51 = vector.broadcast %mul3A_2 : i32 to vector<16xi32>
    %sub3A_52 = arith.subi %get3A_50, %sub3A_51 : vector<16xi32>
    %ge3A_53 = arith.constant 0 : i32
    %ge3A_54 = vector.broadcast %ge3A_53 : i32 to vector<16xi32>
    %ge3A_55 = arith.cmpi sge, %sub3A_52, %ge3A_54 : vector<16xi32>
    %lt3A_56 = arith.constant 5120 : i32
    %lt3A_57 = vector.broadcast %lt3A_56 : i32 to vector<16xi32>
    %lt3A_58 = arith.cmpi slt, %sub3A_52, %lt3A_57 : vector<16xi32>
    %and3A_59 = arith.andi %ge3A_55, %lt3A_58 : vector<16xi1>
    %get3A_60 = arith.constant 16 : index
    %get3A_61 = tpu.vector_load %arg6[%get3A_60] {strides = array<i32>} : memref<20000xi32, #tpu.memory_space<vmem>>, vector<16xi32>,
    %get3A_62 = vector.shape_cast %get3A_61 : vector<16xi32> to vector<16xi32>
    %select_n3A_63 = arith.select %and3A_59, %get3A_62, %broadcast_in_dim3A_5 : vector<16xi1>, vector<16xi32>
    %swap3A_64 = arith.constant 0 : i32
    %swap3A_65 = arith.index_cast %swap3A_64 : i32 to index
    %swap3A_66 = arith.constant 16 : index
    %swap3A_67 = tpu.vector_load %arg8[%swap3A_65, %swap3A_66] {strides = array<i32>} : memref<4x64xi32, #tpu.memory_space<vmem>>, vector<1x16xi32>,
    %swap3A_68 = vector.shape_cast %swap3A_67 : vector<1x16xi32> to vector<16xi32>
    %swap3A_69 = vector.shape_cast %select_n3A_63 : vector<16xi32> to vector<1x16xi32>
    tpu.vector_store %arg8[%swap3A_65, %swap3A_66], %swap3A_69 {strides = array<i32>} : memref<4x64xi32, #tpu.memory_space<vmem>>, vector<1x16xi32>,
    %select_n3A_70 = arith.select %and3A_59, %sub3A_52, %broadcast_in_dim3A_5 : vector<16xi1>, vector<16xi32>
    %swap3A_71 = arith.constant 0 : i32
    %swap3A_72 = arith.index_cast %swap3A_71 : i32 to index
    %swap3A_73 = arith.constant 16 : index
    %swap3A_74 = tpu.vector_load %arg9[%swap3A_72, %swap3A_73] {strides = array<i32>} : memref<4x64xi32, #tpu.memory_space<vmem>>, vector<1x16xi32>,
    %swap3A_75 = vector.shape_cast %swap3A_74 : vector<1x16xi32> to vector<16xi32>
    %swap3A_76 = vector.shape_cast %select_n3A_70 : vector<16xi32> to vector<1x16xi32>
    tpu.vector_store %arg9[%swap3A_72, %swap3A_73], %swap3A_76 {strides = array<i32>} : memref<4x64xi32, #tpu.memory_space<vmem>>, vector<1x16xi32>,
    %get3A_77 = arith.constant 32 : index
    %get3A_78 = tpu.vector_load %arg7[%get3A_77] {strides = array<i32>} : memref<20000xi32, #tpu.memory_space<vmem>>, vector<16xi32>,
    %get3A_79 = vector.shape_cast %get3A_78 : vector<16xi32> to vector<16xi32>
    %sub3A_80 = vector.broadcast %mul3A_2 : i32 to vector<16xi32>
    %sub3A_81 = arith.subi %get3A_79, %sub3A_80 : vector<16xi32>
    %ge3A_82 = arith.constant 0 : i32
    %ge3A_83 = vector.broadcast %ge3A_82 : i32 to vector<16xi32>
    %ge3A_84 = arith.cmpi sge, %sub3A_81, %ge3A_83 : vector<16xi32>
    %lt3A_85 = arith.constant 5120 : i32
    %lt3A_86 = vector.broadcast %lt3A_85 : i32 to vector<16xi32>
    %lt3A_87 = arith.cmpi slt, %sub3A_81, %lt3A_86 : vector<16xi32>
    %and3A_88 = arith.andi %ge3A_84, %lt3A_87 : vector<16xi1>
    %get3A_89 = arith.constant 32 : index
    %get3A_90 = tpu.vector_load %arg6[%get3A_89] {strides = array<i32>} : memref<20000xi32, #tpu.memory_space<vmem>>, vector<16xi32>,
    %get3A_91 = vector.shape_cast %get3A_90 : vector<16xi32> to vector<16xi32>
    %select_n3A_92 = arith.select %and3A_88, %get3A_91, %broadcast_in_dim3A_5 : vector<16xi1>, vector<16xi32>
    %swap3A_93 = arith.constant 0 : i32
    %swap3A_94 = arith.index_cast %swap3A_93 : i32 to index
    %swap3A_95 = arith.constant 32 : index
    %swap3A_96 = tpu.vector_load %arg8[%swap3A_94, %swap3A_95] {strides = array<i32>} : memref<4x64xi32, #tpu.memory_space<vmem>>, vector<1x16xi32>,
    %swap3A_97 = vector.shape_cast %swap3A_96 : vector<1x16xi32> to vector<16xi32>
    %swap3A_98 = vector.shape_cast %select_n3A_92 : vector<16xi32> to vector<1x16xi32>
    tpu.vector_store %arg8[%swap3A_94, %swap3A_95], %swap3A_98 {strides = array<i32>} : memref<4x64xi32, #tpu.memory_space<vmem>>, vector<1x16xi32>,
    %select_n3A_99 = arith.select %and3A_88, %sub3A_81, %broadcast_in_dim3A_5 : vector<16xi1>, vector<16xi32>
    %swap3A_100 = arith.constant 0 : i32
    %swap3A_101 = arith.index_cast %swap3A_100 : i32 to index
    %swap3A_102 = arith.constant 32 : index
    %swap3A_103 = tpu.vector_load %arg9[%swap3A_101, %swap3A_102] {strides = array<i32>} : memref<4x64xi32, #tpu.memory_space<vmem>>, vector<1x16xi32>,
    %swap3A_104 = vector.shape_cast %swap3A_103 : vector<1x16xi32> to vector<16xi32>
    %swap3A_105 = vector.shape_cast %select_n3A_99 : vector<16xi32> to vector<1x16xi32>
    tpu.vector_store %arg9[%swap3A_101, %swap3A_102], %swap3A_105 {strides = array<i32>} : memref<4x64xi32, #tpu.memory_space<vmem>>, vector<1x16xi32>,
    %get3A_106 = arith.constant 48 : index
    %get3A_107 = tpu.vector_load %arg7[%get3A_106] {strides = array<i32>} : memref<20000xi32, #tpu.memory_space<vmem>>, vector<16xi32>,
    %get3A_108 = vector.shape_cast %get3A_107 : vector<16xi32> to vector<16xi32>
    %sub3A_109 = vector.broadcast %mul3A_2 : i32 to vector<16xi32>
    %sub3A_110 = arith.subi %get3A_108, %sub3A_109 : vector<16xi32>
    %ge3A_111 = arith.constant 0 : i32
    %ge3A_112 = vector.broadcast %ge3A_111 : i32 to vector<16xi32>
    %ge3A_113 = arith.cmpi sge, %sub3A_110, %ge3A_112 : vector<16xi32>
    %lt3A_114 = arith.constant 5120 : i32
    %lt3A_115 = vector.broadcast %lt3A_114 : i32 to vector<16xi32>
    %lt3A_116 = arith.cmpi slt, %sub3A_110, %lt3A_115 : vector<16xi32>
    %and3A_117 = arith.andi %ge3A_113, %lt3A_116 : vector<16xi1>
    %get3A_118 = arith.constant 48 : index
    %get3A_119 = tpu.vector_load %arg6[%get3A_118] {strides = array<i32>} : memref<20000xi32, #tpu.memory_space<vmem>>, vector<16xi32>,
    %get3A_120 = vector.shape_cast %get3A_119 : vector<16xi32> to vector<16xi32>
    %select_n3A_121 = arith.select %and3A_117, %get3A_120, %broadcast_in_dim3A_5 : vector<16xi1>, vector<16xi32>
    %swap3A_122 = arith.constant 0 : i32
    %swap3A_123 = arith.index_cast %swap3A_122 : i32 to index
    %swap3A_124 = arith.constant 48 : index
    %swap3A_125 = tpu.vector_load %arg8[%swap3A_123, %swap3A_124] {strides = array<i32>} : memref<4x64xi32, #tpu.memory_space<vmem>>, vector<1x16xi32>,
    %swap3A_126 = vector.shape_cast %swap3A_125 : vector<1x16xi32> to vector<16xi32>
    %swap3A_127 = vector.shape_cast %select_n3A_121 : vector<16xi32> to vector<1x16xi32>
    tpu.vector_store %arg8[%swap3A_123, %swap3A_124], %swap3A_127 {strides = array<i32>} : memref<4x64xi32, #tpu.memory_space<vmem>>, vector<1x16xi32>,
    %select_n3A_128 = arith.select %and3A_117, %sub3A_110, %broadcast_in_dim3A_5 : vector<16xi1>, vector<16xi32>
    %swap3A_129 = arith.constant 0 : i32
    %swap3A_130 = arith.index_cast %swap3A_129 : i32 to index
    %swap3A_131 = arith.constant 48 : index
    %swap3A_132 = tpu.vector_load %arg9[%swap3A_130, %swap3A_131] {strides = array<i32>} : memref<4x64xi32, #tpu.memory_space<vmem>>, vector<1x16xi32>,
    %swap3A_133 = vector.shape_cast %swap3A_132 : vector<1x16xi32> to vector<16xi32>
    %swap3A_134 = vector.shape_cast %select_n3A_128 : vector<16xi32> to vector<1x16xi32>
    tpu.vector_store %arg9[%swap3A_130, %swap3A_131], %swap3A_134 {strides = array<i32>} : memref<4x64xi32, #tpu.memory_space<vmem>>, vector<1x16xi32>,
    %dma_start3A = arith.constant 0 : i32
    %dma_start3A_135 = arith.constant 0 : i32
    %dma_start3A_136 = arith.constant 0 : i32
    %dma_start3A_137 = arith.constant 0 : i32
    %dma_start3A_138 = tpu.memref_slice %arg11[%dma_start3A_135, %dma_start3A_136, %dma_start3A_137] : memref<4x64x128xf32, #tpu.memory_space<vmem>> -> memref<1x64x128xf32, #tpu.memory_space<vmem>>
    %dma_start3A_139 = tpu.memref_squeeze %dma_start3A_138 : memref<1x64x128xf32, #tpu.memory_space<vmem>> -> memref<64x128xf32, #tpu.memory_space<vmem>>
    %dma_start3A_140 = arith.constant 0 : i32
    %dma_start3A_141 = tpu.memref_slice %arg8[%dma_start3A, %dma_start3A_140] : memref<4x64xi32, #tpu.memory_space<vmem>> -> memref<1x64xi32, #tpu.memory_space<vmem>>
    %dma_start3A_142 = tpu.memref_squeeze %dma_start3A_141 : memref<1x64xi32, #tpu.memory_space<vmem>> -> memref<64xi32, #tpu.memory_space<vmem>>
    %dma_start3A_143 = arith.constant 0 : i32
    %dma_start3A_144 = arith.constant 0 : i32
    %dma_start3A_145 = tpu.memref_slice %arg2[%dma_start3A_143, %dma_start3A_144] : memref<10000x128xf32, #tpu.memory_space<hbm>> -> memref<10000x128xf32, #tpu.memory_space<hbm>>
    %dma_start3A_146 = arith.constant -1 : i32
    tpu.enqueue_indirect_dma source(%dma_start3A_145 : memref<10000x128xf32, #tpu.memory_space<hbm>>) target(%dma_start3A_139 : memref<64x128xf32, #tpu.memory_space<vmem>>) offsets(%dma_start3A_142 : memref<64xi32, #tpu.memory_space<vmem>>) offset_filter(%dma_start3A_146) semaphore(%arg14 : memref<!tpu.dma_semaphore, #tpu.memory_space<semaphore_mem>>)
    %get3A_147 = arith.constant 64 : index
    %get3A_148 = tpu.vector_load %arg7[%get3A_147] {strides = array<i32>} : memref<20000xi32, #tpu.memory_space<vmem>>, vector<16xi32>,
    %get3A_149 = vector.shape_cast %get3A_148 : vector<16xi32> to vector<16xi32>
    %sub3A_150 = vector.broadcast %mul3A_2 : i32 to vector<16xi32>
    %sub3A_151 = arith.subi %get3A_149, %sub3A_150 : vector<16xi32>
    %ge3A_152 = arith.constant 0 : i32
    %ge3A_153 = vector.broadcast %ge3A_152 : i32 to vector<16xi32>
    %ge3A_154 = arith.cmpi sge, %sub3A_151, %ge3A_153 : vector<16xi32>
    %lt3A_155 = arith.constant 5120 : i32
    %lt3A_156 = vector.broadcast %lt3A_155 : i32 to vector<16xi32>
    %lt3A_157 = arith.cmpi slt, %sub3A_151, %lt3A_156 : vector<16xi32>
    %and3A_158 = arith.andi %ge3A_154, %lt3A_157 : vector<16xi1>
    %get3A_159 = arith.constant 64 : index
    %get3A_160 = tpu.vector_load %arg6[%get3A_159] {strides = array<i32>} : memref<20000xi32, #tpu.memory_space<vmem>>, vector<16xi32>,
    %get3A_161 = vector.shape_cast %get3A_160 : vector<16xi32> to vector<16xi32>
    %select_n3A_162 = arith.select %and3A_158, %get3A_161, %broadcast_in_dim3A_5 : vector<16xi1>, vector<16xi32>
    %swap3A_163 = arith.constant 1 : i32
    %swap3A_164 = arith.index_cast %swap3A_163 : i32 to index
    %swap3A_165 = arith.constant 0 : index
    %swap3A_166 = tpu.vector_load %arg8[%swap3A_164, %swap3A_165] {strides = array<i32>} : memref<4x64xi32, #tpu.memory_space<vmem>>, vector<1x16xi32>,
    %swap3A_167 = vector.shape_cast %swap3A_166 : vector<1x16xi32> to vector<16xi32>
    %swap3A_168 = vector.shape_cast %select_n3A_162 : vector<16xi32> to vector<1x16xi32>
    tpu.vector_store %arg8[%swap3A_164, %swap3A_165], %swap3A_168 {strides = array<i32>} : memref<4x64xi32, #tpu.memory_space<vmem>>, vector<1x16xi32>,
    %select_n3A_169 = arith.select %and3A_158, %sub3A_151, %broadcast_in_dim3A_5 : vector<16xi1>, vector<16xi32>
    %swap3A_170 = arith.constant 1 : i32
    %swap3A_171 = arith.index_cast %swap3A_170 : i32 to index
    %swap3A_172 = arith.constant 0 : index
    %swap3A_173 = tpu.vector_load %arg9[%swap3A_171, %swap3A_172] {strides = array<i32>} : memref<4x64xi32, #tpu.memory_space<vmem>>, vector<1x16xi32>,
    %swap3A_174 = vector.shape_cast %swap3A_173 : vector<1x16xi32> to vector<16xi32>
    %swap3A_175 = vector.shape_cast %select_n3A_169 : vector<16xi32> to vector<1x16xi32>
    tpu.vector_store %arg9[%swap3A_171, %swap3A_172], %swap3A_175 {strides = array<i32>} : memref<4x64xi32, #tpu.memory_space<vmem>>, vector<1x16xi32>,
    %get3A_176 = arith.constant 80 : index
    %get3A_177 = tpu.vector_load %arg7[%get3A_176] {strides = array<i32>} : memref<20000xi32, #tpu.memory_space<vmem>>, vector<16xi32>,
    %get3A_178 = vector.shape_cast %get3A_177 : vector<16xi32> to vector<16xi32>
    %sub3A_179 = vector.broadcast %mul3A_2 : i32 to vector<16xi32>
    %sub3A_180 = arith.subi %get3A_178, %sub3A_179 : vector<16xi32>
    %ge3A_181 = arith.constant 0 : i32
    %ge3A_182 = vector.broadcast %ge3A_181 : i32 to vector<16xi32>
    %ge3A_183 = arith.cmpi sge, %sub3A_180, %ge3A_182 : vector<16xi32>
    %lt3A_184 = arith.constant 5120 : i32
    %lt3A_185 = vector.broadcast %lt3A_184 : i32 to vector<16xi32>
    %lt3A_186 = arith.cmpi slt, %sub3A_180, %lt3A_185 : vector<16xi32>
    %and3A_187 = arith.andi %ge3A_183, %lt3A_186 : vector<16xi1>
    %get3A_188 = arith.constant 80 : index
    %get3A_189 = tpu.vector_load %arg6[%get3A_188] {strides = array<i32>} : memref<20000xi32, #tpu.memory_space<vmem>>, vector<16xi32>,
    %get3A_190 = vector.shape_cast %get3A_189 : vector<16xi32> to vector<16xi32>
    %select_n3A_191 = arith.select %and3A_187, %get3A_190, %broadcast_in_dim3A_5 : vector<16xi1>, vector<16xi32>
    %swap3A_192 = arith.constant 1 : i32
    %swap3A_193 = arith.index_cast %swap3A_192 : i32 to index
    %swap3A_194 = arith.constant 16 : index
    %swap3A_195 = tpu.vector_load %arg8[%swap3A_193, %swap3A_194] {strides = array<i32>} : memref<4x64xi32, #tpu.memory_space<vmem>>, vector<1x16xi32>,
    %swap3A_196 = vector.shape_cast %swap3A_195 : vector<1x16xi32> to vector<16xi32>
    %swap3A_197 = vector.shape_cast %select_n3A_191 : vector<16xi32> to vector<1x16xi32>
    tpu.vector_store %arg8[%swap3A_193, %swap3A_194], %swap3A_197 {strides = array<i32>} : memref<4x64xi32, #tpu.memory_space<vmem>>, vector<1x16xi32>,
    %select_n3A_198 = arith.select %and3A_187, %sub3A_180, %broadcast_in_dim3A_5 : vector<16xi1>, vector<16xi32>
    %swap3A_199 = arith.constant 1 : i32
    %swap3A_200 = arith.index_cast %swap3A_199 : i32 to index
    %swap3A_201 = arith.constant 16 : index
    %swap3A_202 = tpu.vector_load %arg9[%swap3A_200, %swap3A_201] {strides = array<i32>} : memref<4x64xi32, #tpu.memory_space<vmem>>, vector<1x16xi32>,
    %swap3A_203 = vector.shape_cast %swap3A_202 : vector<1x16xi32> to vector<16xi32>
    %swap3A_204 = vector.shape_cast %select_n3A_198 : vector<16xi32> to vector<1x16xi32>
    tpu.vector_store %arg9[%swap3A_200, %swap3A_201], %swap3A_204 {strides = array<i32>} : memref<4x64xi32, #tpu.memory_space<vmem>>, vector<1x16xi32>,
    %get3A_205 = arith.constant 96 : index
    %get3A_206 = tpu.vector_load %arg7[%get3A_205] {strides = array<i32>} : memref<20000xi32, #tpu.memory_space<vmem>>, vector<16xi32>,
    %get3A_207 = vector.shape_cast %get3A_206 : vector<16xi32> to vector<16xi32>
    %sub3A_208 = vector.broadcast %mul3A_2 : i32 to vector<16xi32>
    %sub3A_209 = arith.subi %get3A_207, %sub3A_208 : vector<16xi32>
    %ge3A_210 = arith.constant 0 : i32
    %ge3A_211 = vector.broadcast %ge3A_210 : i32 to vector<16xi32>
    %ge3A_212 = arith.cmpi sge, %sub3A_209, %ge3A_211 : vector<16xi32>
    %lt3A_213 = arith.constant 5120 : i32
    %lt3A_214 = vector.broadcast %lt3A_213 : i32 to vector<16xi32>
    %lt3A_215 = arith.cmpi slt, %sub3A_209, %lt3A_214 : vector<16xi32>
    %and3A_216 = arith.andi %ge3A_212, %lt3A_215 : vector<16xi1>
    %get3A_217 = arith.constant 96 : index
    %get3A_218 = tpu.vector_load %arg6[%get3A_217] {strides = array<i32>} : memref<20000xi32, #tpu.memory_space<vmem>>, vector<16xi32>,
    %get3A_219 = vector.shape_cast %get3A_218 : vector<16xi32> to vector<16xi32>
    %select_n3A_220 = arith.select %and3A_216, %get3A_219, %broadcast_in_dim3A_5 : vector<16xi1>, vector<16xi32>
    %swap3A_221 = arith.constant 1 : i32
    %swap3A_222 = arith.index_cast %swap3A_221 : i32 to index
    %swap3A_223 = arith.constant 32 : index
    %swap3A_224 = tpu.vector_load %arg8[%swap3A_222, %swap3A_223] {strides = array<i32>} : memref<4x64xi32, #tpu.memory_space<vmem>>, vector<1x16xi32>,
    %swap3A_225 = vector.shape_cast %swap3A_224 : vector<1x16xi32> to vector<16xi32>
    %swap3A_226 = vector.shape_cast %select_n3A_220 : vector<16xi32> to vector<1x16xi32>
    tpu.vector_store %arg8[%swap3A_222, %swap3A_223], %swap3A_226 {strides = array<i32>} : memref<4x64xi32, #tpu.memory_space<vmem>>, vector<1x16xi32>,
    %select_n3A_227 = arith.select %and3A_216, %sub3A_209, %broadcast_in_dim3A_5 : vector<16xi1>, vector<16xi32>
    %swap3A_228 = arith.constant 1 : i32
    %swap3A_229 = arith.index_cast %swap3A_228 : i32 to index
    %swap3A_230 = arith.constant 32 : index
    %swap3A_231 = tpu.vector_load %arg9[%swap3A_229, %swap3A_230] {strides = array<i32>} : memref<4x64xi32, #tpu.memory_space<vmem>>, vector<1x16xi32>,
    %swap3A_232 = vector.shape_cast %swap3A_231 : vector<1x16xi32> to vector<16xi32>
    %swap3A_233 = vector.shape_cast %select_n3A_227 : vector<16xi32> to vector<1x16xi32>
    tpu.vector_store %arg9[%swap3A_229, %swap3A_230], %swap3A_233 {strides = array<i32>} : memref<4x64xi32, #tpu.memory_space<vmem>>, vector<1x16xi32>,
    %get3A_234 = arith.constant 112 : index
    %get3A_235 = tpu.vector_load %arg7[%get3A_234] {strides = array<i32>} : memref<20000xi32, #tpu.memory_space<vmem>>, vector<16xi32>,
    %get3A_236 = vector.shape_cast %get3A_235 : vector<16xi32> to vector<16xi32>
    %sub3A_237 = vector.broadcast %mul3A_2 : i32 to vector<16xi32>
    %sub3A_238 = arith.subi %get3A_236, %sub3A_237 : vector<16xi32>
    %ge3A_239 = arith.constant 0 : i32
    %ge3A_240 = vector.broadcast %ge3A_239 : i32 to vector<16xi32>
    %ge3A_241 = arith.cmpi sge, %sub3A_238, %ge3A_240 : vector<16xi32>
    %lt3A_242 = arith.constant 5120 : i32
    %lt3A_243 = vector.broadcast %lt3A_242 : i32 to vector<16xi32>
    %lt3A_244 = arith.cmpi slt, %sub3A_238, %lt3A_243 : vector<16xi32>
    %and3A_245 = arith.andi %ge3A_241, %lt3A_244 : vector<16xi1>
    %get3A_246 = arith.constant 112 : index
    %get3A_247 = tpu.vector_load %arg6[%get3A_246] {strides = array<i32>} : memref<20000xi32, #tpu.memory_space<vmem>>, vector<16xi32>,
    %get3A_248 = vector.shape_cast %get3A_247 : vector<16xi32> to vector<16xi32>
    %select_n3A_249 = arith.select %and3A_245, %get3A_248, %broadcast_in_dim3A_5 : vector<16xi1>, vector<16xi32>
    %swap3A_250 = arith.constant 1 : i32
    %swap3A_251 = arith.index_cast %swap3A_250 : i32 to index
    %swap3A_252 = arith.constant 48 : index
    %swap3A_253 = tpu.vector_load %arg8[%swap3A_251, %swap3A_252] {strides = array<i32>} : memref<4x64xi32, #tpu.memory_space<vmem>>, vector<1x16xi32>,
    %swap3A_254 = vector.shape_cast %swap3A_253 : vector<1x16xi32> to vector<16xi32>
    %swap3A_255 = vector.shape_cast %select_n3A_249 : vector<16xi32> to vector<1x16xi32>
    tpu.vector_store %arg8[%swap3A_251, %swap3A_252], %swap3A_255 {strides = array<i32>} : memref<4x64xi32, #tpu.memory_space<vmem>>, vector<1x16xi32>,
    %select_n3A_256 = arith.select %and3A_245, %sub3A_238, %broadcast_in_dim3A_5 : vector<16xi1>, vector<16xi32>
    %swap3A_257 = arith.constant 1 : i32
    %swap3A_258 = arith.index_cast %swap3A_257 : i32 to index
    %swap3A_259 = arith.constant 48 : index
    %swap3A_260 = tpu.vector_load %arg9[%swap3A_258, %swap3A_259] {strides = array<i32>} : memref<4x64xi32, #tpu.memory_space<vmem>>, vector<1x16xi32>,
    %swap3A_261 = vector.shape_cast %swap3A_260 : vector<1x16xi32> to vector<16xi32>
    %swap3A_262 = vector.shape_cast %select_n3A_256 : vector<16xi32> to vector<1x16xi32>
    tpu.vector_store %arg9[%swap3A_258, %swap3A_259], %swap3A_262 {strides = array<i32>} : memref<4x64xi32, #tpu.memory_space<vmem>>, vector<1x16xi32>,
    %dma_start3A_263 = arith.constant 1 : i32
    %dma_start3A_264 = arith.constant 1 : i32
    %dma_start3A_265 = arith.constant 0 : i32
    %dma_start3A_266 = arith.constant 0 : i32
    %dma_start3A_267 = tpu.memref_slice %arg11[%dma_start3A_264, %dma_start3A_265, %dma_start3A_266] : memref<4x64x128xf32, #tpu.memory_space<vmem>> -> memref<1x64x128xf32, #tpu.memory_space<vmem>>
    %dma_start3A_268 = tpu.memref_squeeze %dma_start3A_267 : memref<1x64x128xf32, #tpu.memory_space<vmem>> -> memref<64x128xf32, #tpu.memory_space<vmem>>
    %dma_start3A_269 = arith.constant 0 : i32
    %dma_start3A_270 = tpu.memref_slice %arg8[%dma_start3A_263, %dma_start3A_269] : memref<4x64xi32, #tpu.memory_space<vmem>> -> memref<1x64xi32, #tpu.memory_space<vmem>>
    %dma_start3A_271 = tpu.memref_squeeze %dma_start3A_270 : memref<1x64xi32, #tpu.memory_space<vmem>> -> memref<64xi32, #tpu.memory_space<vmem>>
    %dma_start3A_272 = arith.constant 0 : i32
    %dma_start3A_273 = arith.constant 0 : i32
    %dma_start3A_274 = tpu.memref_slice %arg2[%dma_start3A_272, %dma_start3A_273] : memref<10000x128xf32, #tpu.memory_space<hbm>> -> memref<10000x128xf32, #tpu.memory_space<hbm>>
    %dma_start3A_275 = arith.constant -1 : i32
    tpu.enqueue_indirect_dma source(%dma_start3A_274 : memref<10000x128xf32, #tpu.memory_space<hbm>>) target(%dma_start3A_268 : memref<64x128xf32, #tpu.memory_space<vmem>>) offsets(%dma_start3A_271 : memref<64xi32, #tpu.memory_space<vmem>>) offset_filter(%dma_start3A_275) semaphore(%arg15 : memref<!tpu.dma_semaphore, #tpu.memory_space<semaphore_mem>>)
    %barrier3A = arith.constant 0 : index
    tpu.barrier barrier_id(%barrier3A)
    %scan3A_276 = arith.constant 0 : i32
    %scan3A_277 = arith.constant 0 : i32
    %scan3A_278 = arith.constant 78 : i32
    %scan3A_279 = arith.addi %scan3A_277, %scan3A_278 : i32
    %scan3A_280 = arith.constant 1 : i32
    scf.for %scan3A_429 = %scan3A_277 to %scan3A_279 step %scan3A_280  : i32 {
      %mul3A_430 = arith.constant 4 : i32
      %mul3A_431 = arith.muli %scan3A_429, %mul3A_430 : i32
      %add3A_432 = arith.constant 0 : i32
      %add3A_433 = arith.addi %mul3A_431, %add3A_432 : i32
      %ge3A_434 = arith.constant 2 : i32
      %ge3A_435 = arith.cmpi sge, %add3A_433, %ge3A_434 : i32
      %convert_element_type3A = arith.extui %ge3A_435 : i1 to i32
      %cond3A = arith.constant 0 : i32
      %cond3A_436 = arith.cmpi ne, %convert_element_type3A, %cond3A : i32
      scf.if %cond3A_436 {
        %dma_wait3A_620 = arith.constant 2 : i32
        %dma_wait3A_621 = arith.constant 2 : i32
        %dma_wait3A_622 = arith.constant 0 : i32
        %dma_wait3A_623 = arith.constant 0 : i32
        %dma_wait3A_624 = tpu.memref_slice %arg11[%dma_wait3A_620, %dma_wait3A_622, %dma_wait3A_623] : memref<4x64x128xf32, #tpu.memory_space<vmem>> -> memref<1x64x128xf32, #tpu.memory_space<vmem>>
        %dma_wait3A_625 = tpu.memref_squeeze %dma_wait3A_624 : memref<1x64x128xf32, #tpu.memory_space<vmem>> -> memref<64x128xf32, #tpu.memory_space<vmem>>
        %dma_wait3A_626 = arith.constant 0 : i32
        %dma_wait3A_627 = tpu.memref_slice %arg9[%dma_wait3A_621, %dma_wait3A_626] : memref<4x64xi32, #tpu.memory_space<vmem>> -> memref<1x64xi32, #tpu.memory_space<vmem>>
        %dma_wait3A_628 = tpu.memref_squeeze %dma_wait3A_627 : memref<1x64xi32, #tpu.memory_space<vmem>> -> memref<64xi32, #tpu.memory_space<vmem>>
        %dma_wait3A_629 = arith.constant 0 : i32
        %dma_wait3A_630 = arith.constant 0 : i32
        %dma_wait3A_631 = tpu.memref_slice %arg13[%dma_wait3A_629, %dma_wait3A_630] : memref<5120x128xf32, #tpu.memory_space<vmem_shared>> -> memref<5120x128xf32, #tpu.memory_space<vmem_shared>>
        tpu.wait_indirect_dma semaphore(%arg20 : memref<!tpu.dma_semaphore, #tpu.memory_space<semaphore_mem>>) src(%dma_wait3A_625 : memref<64x128xf32, #tpu.memory_space<vmem>>) dst(%dma_wait3A_631 : memref<5120x128xf32, #tpu.memory_space<vmem_shared>>)
      } else {
      }
      %add3A_437 = arith.constant 2 : i32
      %add3A_438 = arith.addi %add3A_433, %add3A_437 : i32
      %lt3A_439 = arith.constant 312 : i32
      %lt3A_440 = arith.cmpi slt, %add3A_438, %lt3A_439 : i32
      %convert_element_type3A_441 = arith.extui %lt3A_440 : i1 to i32
      %cond3A_442 = arith.constant 0 : i32
      %cond3A_443 = arith.cmpi ne, %convert_element_type3A_441, %cond3A_442 : i32
      scf.if %cond3A_443 {
        %add3A_620 = arith.constant 2 : i32
        %add3A_621 = arith.addi %add3A_433, %add3A_620 : i32
        %mul3A_622 = arith.constant 64 : i32
        %mul3A_623 = arith.muli %add3A_621, %mul3A_622 : i32
        %add3A_624 = arith.constant 0 : i32
        %add3A_625 = arith.addi %mul3A_623, %add3A_624 : i32
        %get3A_626 = arith.index_cast %add3A_625 : i32 to index
        %get3A_627 = tpu.vector_load %arg7[%get3A_626] {strides = array<i32>} : memref<20000xi32, #tpu.memory_space<vmem>>, vector<16xi32>,
        %get3A_628 = vector.shape_cast %get3A_627 : vector<16xi32> to vector<16xi32>
        %sub3A_629 = vector.broadcast %mul3A_2 : i32 to vector<16xi32>
        %sub3A_630 = arith.subi %get3A_628, %sub3A_629 : vector<16xi32>
        %ge3A_631 = arith.constant 0 : i32
        %ge3A_632 = vector.broadcast %ge3A_631 : i32 to vector<16xi32>
        %ge3A_633 = arith.cmpi sge, %sub3A_630, %ge3A_632 : vector<16xi32>
        %lt3A_634 = arith.constant 5120 : i32
        %lt3A_635 = vector.broadcast %lt3A_634 : i32 to vector<16xi32>
        %lt3A_636 = arith.cmpi slt, %sub3A_630, %lt3A_635 : vector<16xi32>
        %and3A_637 = arith.andi %ge3A_633, %lt3A_636 : vector<16xi1>
        %get3A_638 = arith.index_cast %add3A_625 : i32 to index
        %get3A_639 = tpu.vector_load %arg6[%get3A_638] {strides = array<i32>} : memref<20000xi32, #tpu.memory_space<vmem>>, vector<16xi32>,
        %get3A_640 = vector.shape_cast %get3A_639 : vector<16xi32> to vector<16xi32>
        %select_n3A_641 = arith.select %and3A_637, %get3A_640, %broadcast_in_dim3A_5 : vector<16xi1>, vector<16xi32>
        %swap3A_642 = arith.constant 2 : i32
        %swap3A_643 = arith.index_cast %swap3A_642 : i32 to index
        %swap3A_644 = arith.constant 0 : index
        %swap3A_645 = tpu.vector_load %arg8[%swap3A_643, %swap3A_644] {strides = array<i32>} : memref<4x64xi32, #tpu.memory_space<vmem>>, vector<1x16xi32>,
        %swap3A_646 = vector.shape_cast %swap3A_645 : vector<1x16xi32> to vector<16xi32>
        %swap3A_647 = vector.shape_cast %select_n3A_641 : vector<16xi32> to vector<1x16xi32>
        tpu.vector_store %arg8[%swap3A_643, %swap3A_644], %swap3A_647 {strides = array<i32>} : memref<4x64xi32, #tpu.memory_space<vmem>>, vector<1x16xi32>,
        %select_n3A_648 = arith.select %and3A_637, %sub3A_630, %broadcast_in_dim3A_5 : vector<16xi1>, vector<16xi32>
        %swap3A_649 = arith.constant 2 : i32
        %swap3A_650 = arith.index_cast %swap3A_649 : i32 to index
        %swap3A_651 = arith.constant 0 : index
        %swap3A_652 = tpu.vector_load %arg9[%swap3A_650, %swap3A_651] {strides = array<i32>} : memref<4x64xi32, #tpu.memory_space<vmem>>, vector<1x16xi32>,
        %swap3A_653 = vector.shape_cast %swap3A_652 : vector<1x16xi32> to vector<16xi32>
        %swap3A_654 = vector.shape_cast %select_n3A_648 : vector<16xi32> to vector<1x16xi32>
        tpu.vector_store %arg9[%swap3A_650, %swap3A_651], %swap3A_654 {strides = array<i32>} : memref<4x64xi32, #tpu.memory_space<vmem>>, vector<1x16xi32>,
        %mul3A_655 = arith.constant 64 : i32
        %mul3A_656 = arith.muli %add3A_621, %mul3A_655 : i32
        %add3A_657 = arith.constant 16 : i32
        %add3A_658 = arith.addi %mul3A_656, %add3A_657 : i32
        %get3A_659 = arith.index_cast %add3A_658 : i32 to index
        %get3A_660 = tpu.vector_load %arg7[%get3A_659] {strides = array<i32>} : memref<20000xi32, #tpu.memory_space<vmem>>, vector<16xi32>,
        %get3A_661 = vector.shape_cast %get3A_660 : vector<16xi32> to vector<16xi32>
        %sub3A_662 = vector.broadcast %mul3A_2 : i32 to vector<16xi32>
        %sub3A_663 = arith.subi %get3A_661, %sub3A_662 : vector<16xi32>
        %ge3A_664 = arith.constant 0 : i32
        %ge3A_665 = vector.broadcast %ge3A_664 : i32 to vector<16xi32>
        %ge3A_666 = arith.cmpi sge, %sub3A_663, %ge3A_665 : vector<16xi32>
        %lt3A_667 = arith.constant 5120 : i32
        %lt3A_668 = vector.broadcast %lt3A_667 : i32 to vector<16xi32>
        %lt3A_669 = arith.cmpi slt, %sub3A_663, %lt3A_668 : vector<16xi32>
        %and3A_670 = arith.andi %ge3A_666, %lt3A_669 : vector<16xi1>
        %get3A_671 = arith.index_cast %add3A_658 : i32 to index
        %get3A_672 = tpu.vector_load %arg6[%get3A_671] {strides = array<i32>} : memref<20000xi32, #tpu.memory_space<vmem>>, vector<16xi32>,
        %get3A_673 = vector.shape_cast %get3A_672 : vector<16xi32> to vector<16xi32>
        %select_n3A_674 = arith.select %and3A_670, %get3A_673, %broadcast_in_dim3A_5 : vector<16xi1>, vector<16xi32>
        %swap3A_675 = arith.constant 2 : i32
        %swap3A_676 = arith.index_cast %swap3A_675 : i32 to index
        %swap3A_677 = arith.constant 16 : index
        %swap3A_678 = tpu.vector_load %arg8[%swap3A_676, %swap3A_677] {strides = array<i32>} : memref<4x64xi32, #tpu.memory_space<vmem>>, vector<1x16xi32>,
        %swap3A_679 = vector.shape_cast %swap3A_678 : vector<1x16xi32> to vector<16xi32>
        %swap3A_680 = vector.shape_cast %select_n3A_674 : vector<16xi32> to vector<1x16xi32>
        tpu.vector_store %arg8[%swap3A_676, %swap3A_677], %swap3A_680 {strides = array<i32>} : memref<4x64xi32, #tpu.memory_space<vmem>>, vector<1x16xi32>,
        %select_n3A_681 = arith.select %and3A_670, %sub3A_663, %broadcast_in_dim3A_5 : vector<16xi1>, vector<16xi32>
        %swap3A_682 = arith.constant 2 : i32
        %swap3A_683 = arith.index_cast %swap3A_682 : i32 to index
        %swap3A_684 = arith.constant 16 : index
        %swap3A_685 = tpu.vector_load %arg9[%swap3A_683, %swap3A_684] {strides = array<i32>} : memref<4x64xi32, #tpu.memory_space<vmem>>, vector<1x16xi32>,
        %swap3A_686 = vector.shape_cast %swap3A_685 : vector<1x16xi32> to vector<16xi32>
        %swap3A_687 = vector.shape_cast %select_n3A_681 : vector<16xi32> to vector<1x16xi32>
        tpu.vector_store %arg9[%swap3A_683, %swap3A_684], %swap3A_687 {strides = array<i32>} : memref<4x64xi32, #tpu.memory_space<vmem>>, vector<1x16xi32>,
        %mul3A_688 = arith.constant 64 : i32
        %mul3A_689 = arith.muli %add3A_621, %mul3A_688 : i32
        %add3A_690 = arith.constant 32 : i32
        %add3A_691 = arith.addi %mul3A_689, %add3A_690 : i32
        %get3A_692 = arith.index_cast %add3A_691 : i32 to index
        %get3A_693 = tpu.vector_load %arg7[%get3A_692] {strides = array<i32>} : memref<20000xi32, #tpu.memory_space<vmem>>, vector<16xi32>,
        %get3A_694 = vector.shape_cast %get3A_693 : vector<16xi32> to vector<16xi32>
        %sub3A_695 = vector.broadcast %mul3A_2 : i32 to vector<16xi32>
        %sub3A_696 = arith.subi %get3A_694, %sub3A_695 : vector<16xi32>
        %ge3A_697 = arith.constant 0 : i32
        %ge3A_698 = vector.broadcast %ge3A_697 : i32 to vector<16xi32>
        %ge3A_699 = arith.cmpi sge, %sub3A_696, %ge3A_698 : vector<16xi32>
        %lt3A_700 = arith.constant 5120 : i32
        %lt3A_701 = vector.broadcast %lt3A_700 : i32 to vector<16xi32>
        %lt3A_702 = arith.cmpi slt, %sub3A_696, %lt3A_701 : vector<16xi32>
        %and3A_703 = arith.andi %ge3A_699, %lt3A_702 : vector<16xi1>
        %get3A_704 = arith.index_cast %add3A_691 : i32 to index
        %get3A_705 = tpu.vector_load %arg6[%get3A_704] {strides = array<i32>} : memref<20000xi32, #tpu.memory_space<vmem>>, vector<16xi32>,
        %get3A_706 = vector.shape_cast %get3A_705 : vector<16xi32> to vector<16xi32>
        %select_n3A_707 = arith.select %and3A_703, %get3A_706, %broadcast_in_dim3A_5 : vector<16xi1>, vector<16xi32>
        %swap3A_708 = arith.constant 2 : i32
        %swap3A_709 = arith.index_cast %swap3A_708 : i32 to index
        %swap3A_710 = arith.constant 32 : index
        %swap3A_711 = tpu.vector_load %arg8[%swap3A_709, %swap3A_710] {strides = array<i32>} : memref<4x64xi32, #tpu.memory_space<vmem>>, vector<1x16xi32>,
        %swap3A_712 = vector.shape_cast %swap3A_711 : vector<1x16xi32> to vector<16xi32>
        %swap3A_713 = vector.shape_cast %select_n3A_707 : vector<16xi32> to vector<1x16xi32>
        tpu.vector_store %arg8[%swap3A_709, %swap3A_710], %swap3A_713 {strides = array<i32>} : memref<4x64xi32, #tpu.memory_space<vmem>>, vector<1x16xi32>,
        %select_n3A_714 = arith.select %and3A_703, %sub3A_696, %broadcast_in_dim3A_5 : vector<16xi1>, vector<16xi32>
        %swap3A_715 = arith.constant 2 : i32
        %swap3A_716 = arith.index_cast %swap3A_715 : i32 to index
        %swap3A_717 = arith.constant 32 : index
        %swap3A_718 = tpu.vector_load %arg9[%swap3A_716, %swap3A_717] {strides = array<i32>} : memref<4x64xi32, #tpu.memory_space<vmem>>, vector<1x16xi32>,
        %swap3A_719 = vector.shape_cast %swap3A_718 : vector<1x16xi32> to vector<16xi32>
        %swap3A_720 = vector.shape_cast %select_n3A_714 : vector<16xi32> to vector<1x16xi32>
        tpu.vector_store %arg9[%swap3A_716, %swap3A_717], %swap3A_720 {strides = array<i32>} : memref<4x64xi32, #tpu.memory_space<vmem>>, vector<1x16xi32>,
        %mul3A_721 = arith.constant 64 : i32
        %mul3A_722 = arith.muli %add3A_621, %mul3A_721 : i32
        %add3A_723 = arith.constant 48 : i32
        %add3A_724 = arith.addi %mul3A_722, %add3A_723 : i32
        %get3A_725 = arith.index_cast %add3A_724 : i32 to index
        %get3A_726 = tpu.vector_load %arg7[%get3A_725] {strides = array<i32>} : memref<20000xi32, #tpu.memory_space<vmem>>, vector<16xi32>,
        %get3A_727 = vector.shape_cast %get3A_726 : vector<16xi32> to vector<16xi32>
        %sub3A_728 = vector.broadcast %mul3A_2 : i32 to vector<16xi32>
        %sub3A_729 = arith.subi %get3A_727, %sub3A_728 : vector<16xi32>
        %ge3A_730 = arith.constant 0 : i32
        %ge3A_731 = vector.broadcast %ge3A_730 : i32 to vector<16xi32>
        %ge3A_732 = arith.cmpi sge, %sub3A_729, %ge3A_731 : vector<16xi32>
        %lt3A_733 = arith.constant 5120 : i32
        %lt3A_734 = vector.broadcast %lt3A_733 : i32 to vector<16xi32>
        %lt3A_735 = arith.cmpi slt, %sub3A_729, %lt3A_734 : vector<16xi32>
        %and3A_736 = arith.andi %ge3A_732, %lt3A_735 : vector<16xi1>
        %get3A_737 = arith.index_cast %add3A_724 : i32 to index
        %get3A_738 = tpu.vector_load %arg6[%get3A_737] {strides = array<i32>} : memref<20000xi32, #tpu.memory_space<vmem>>, vector<16xi32>,
        %get3A_739 = vector.shape_cast %get3A_738 : vector<16xi32> to vector<16xi32>
        %select_n3A_740 = arith.select %and3A_736, %get3A_739, %broadcast_in_dim3A_5 : vector<16xi1>, vector<16xi32>
        %swap3A_741 = arith.constant 2 : i32
        %swap3A_742 = arith.index_cast %swap3A_741 : i32 to index
        %swap3A_743 = arith.constant 48 : index
        %swap3A_744 = tpu.vector_load %arg8[%swap3A_742, %swap3A_743] {strides = array<i32>} : memref<4x64xi32, #tpu.memory_space<vmem>>, vector<1x16xi32>,
        %swap3A_745 = vector.shape_cast %swap3A_744 : vector<1x16xi32> to vector<16xi32>
        %swap3A_746 = vector.shape_cast %select_n3A_740 : vector<16xi32> to vector<1x16xi32>
        tpu.vector_store %arg8[%swap3A_742, %swap3A_743], %swap3A_746 {strides = array<i32>} : memref<4x64xi32, #tpu.memory_space<vmem>>, vector<1x16xi32>,
        %select_n3A_747 = arith.select %and3A_736, %sub3A_729, %broadcast_in_dim3A_5 : vector<16xi1>, vector<16xi32>
        %swap3A_748 = arith.constant 2 : i32
        %swap3A_749 = arith.index_cast %swap3A_748 : i32 to index
        %swap3A_750 = arith.constant 48 : index
        %swap3A_751 = tpu.vector_load %arg9[%swap3A_749, %swap3A_750] {strides = array<i32>} : memref<4x64xi32, #tpu.memory_space<vmem>>, vector<1x16xi32>,
        %swap3A_752 = vector.shape_cast %swap3A_751 : vector<1x16xi32> to vector<16xi32>
        %swap3A_753 = vector.shape_cast %select_n3A_747 : vector<16xi32> to vector<1x16xi32>
        tpu.vector_store %arg9[%swap3A_749, %swap3A_750], %swap3A_753 {strides = array<i32>} : memref<4x64xi32, #tpu.memory_space<vmem>>, vector<1x16xi32>,
      } else {
      }
      %dma_wait3A_444 = arith.constant 0 : i32
      %dma_wait3A_445 = arith.constant 0 : i32
      %dma_wait3A_446 = arith.constant 0 : i32
      %dma_wait3A_447 = arith.constant 0 : i32
      %dma_wait3A_448 = tpu.memref_slice %arg11[%dma_wait3A_445, %dma_wait3A_446, %dma_wait3A_447] : memref<4x64x128xf32, #tpu.memory_space<vmem>> -> memref<1x64x128xf32, #tpu.memory_space<vmem>>
      %dma_wait3A_449 = tpu.memref_squeeze %dma_wait3A_448 : memref<1x64x128xf32, #tpu.memory_space<vmem>> -> memref<64x128xf32, #tpu.memory_space<vmem>>
      %dma_wait3A_450 = arith.constant 0 : i32
      %dma_wait3A_451 = tpu.memref_slice %arg8[%dma_wait3A_444, %dma_wait3A_450] : memref<4x64xi32, #tpu.memory_space<vmem>> -> memref<1x64xi32, #tpu.memory_space<vmem>>
      %dma_wait3A_452 = tpu.memref_squeeze %dma_wait3A_451 : memref<1x64xi32, #tpu.memory_space<vmem>> -> memref<64xi32, #tpu.memory_space<vmem>>
      %dma_wait3A_453 = arith.constant 0 : i32
      %dma_wait3A_454 = arith.constant 0 : i32
      %dma_wait3A_455 = tpu.memref_slice %arg2[%dma_wait3A_453, %dma_wait3A_454] : memref<10000x128xf32, #tpu.memory_space<hbm>> -> memref<10000x128xf32, #tpu.memory_space<hbm>>
      tpu.wait_indirect_dma semaphore(%arg14 : memref<!tpu.dma_semaphore, #tpu.memory_space<semaphore_mem>>) src(%dma_wait3A_455 : memref<10000x128xf32, #tpu.memory_space<hbm>>) dst(%dma_wait3A_449 : memref<64x128xf32, #tpu.memory_space<vmem>>)
      %dma_start3A_456 = arith.constant 0 : i32
      %dma_start3A_457 = arith.constant 0 : i32
      %dma_start3A_458 = arith.constant 0 : i32
      %dma_start3A_459 = arith.constant 0 : i32
      %dma_start3A_460 = tpu.memref_slice %arg11[%dma_start3A_456, %dma_start3A_458, %dma_start3A_459] : memref<4x64x128xf32, #tpu.memory_space<vmem>> -> memref<1x64x128xf32, #tpu.memory_space<vmem>>
      %dma_start3A_461 = tpu.memref_squeeze %dma_start3A_460 : memref<1x64x128xf32, #tpu.memory_space<vmem>> -> memref<64x128xf32, #tpu.memory_space<vmem>>
      %dma_start3A_462 = arith.constant 0 : i32
      %dma_start3A_463 = tpu.memref_slice %arg9[%dma_start3A_457, %dma_start3A_462] : memref<4x64xi32, #tpu.memory_space<vmem>> -> memref<1x64xi32, #tpu.memory_space<vmem>>
      %dma_start3A_464 = tpu.memref_squeeze %dma_start3A_463 : memref<1x64xi32, #tpu.memory_space<vmem>> -> memref<64xi32, #tpu.memory_space<vmem>>
      %dma_start3A_465 = arith.constant 0 : i32
      %dma_start3A_466 = arith.constant 0 : i32
      %dma_start3A_467 = tpu.memref_slice %arg13[%dma_start3A_465, %dma_start3A_466] : memref<5120x128xf32, #tpu.memory_space<vmem_shared>> -> memref<5120x128xf32, #tpu.memory_space<vmem_shared>>
      %dma_start3A_468 = arith.constant -1 : i32
      tpu.enqueue_indirect_dma source(%dma_start3A_461 : memref<64x128xf32, #tpu.memory_space<vmem>>) target(%dma_start3A_467 : memref<5120x128xf32, #tpu.memory_space<vmem_shared>>) offsets(%dma_start3A_464 : memref<64xi32, #tpu.memory_space<vmem>>) offset_filter(%dma_start3A_468) semaphore(%arg18 : memref<!tpu.dma_semaphore, #tpu.memory_space<semaphore_mem>>) {add = true}
      %add3A_469 = arith.constant 2 : i32
      %add3A_470 = arith.addi %add3A_433, %add3A_469 : i32
      %lt3A_471 = arith.constant 312 : i32
      %lt3A_472 = arith.cmpi slt, %add3A_470, %lt3A_471 : i32
      %convert_element_type3A_473 = arith.extui %lt3A_472 : i1 to i32
      %cond3A_474 = arith.constant 0 : i32
      %cond3A_475 = arith.cmpi ne, %convert_element_type3A_473, %cond3A_474 : i32
      scf.if %cond3A_475 {
        %dma_start3A_620 = arith.constant 2 : i32
        %dma_start3A_621 = arith.constant 2 : i32
        %dma_start3A_622 = arith.constant 0 : i32
        %dma_start3A_623 = arith.constant 0 : i32
        %dma_start3A_624 = tpu.memref_slice %arg11[%dma_start3A_621, %dma_start3A_622, %dma_start3A_623] : memref<4x64x128xf32, #tpu.memory_space<vmem>> -> memref<1x64x128xf32, #tpu.memory_space<vmem>>
        %dma_start3A_625 = tpu.memref_squeeze %dma_start3A_624 : memref<1x64x128xf32, #tpu.memory_space<vmem>> -> memref<64x128xf32, #tpu.memory_space<vmem>>
        %dma_start3A_626 = arith.constant 0 : i32
        %dma_start3A_627 = tpu.memref_slice %arg8[%dma_start3A_620, %dma_start3A_626] : memref<4x64xi32, #tpu.memory_space<vmem>> -> memref<1x64xi32, #tpu.memory_space<vmem>>
        %dma_start3A_628 = tpu.memref_squeeze %dma_start3A_627 : memref<1x64xi32, #tpu.memory_space<vmem>> -> memref<64xi32, #tpu.memory_space<vmem>>
        %dma_start3A_629 = arith.constant 0 : i32
        %dma_start3A_630 = arith.constant 0 : i32
        %dma_start3A_631 = tpu.memref_slice %arg2[%dma_start3A_629, %dma_start3A_630] : memref<10000x128xf32, #tpu.memory_space<hbm>> -> memref<10000x128xf32, #tpu.memory_space<hbm>>
        %dma_start3A_632 = arith.constant -1 : i32
        tpu.enqueue_indirect_dma source(%dma_start3A_631 : memref<10000x128xf32, #tpu.memory_space<hbm>>) target(%dma_start3A_625 : memref<64x128xf32, #tpu.memory_space<vmem>>) offsets(%dma_start3A_628 : memref<64xi32, #tpu.memory_space<vmem>>) offset_filter(%dma_start3A_632) semaphore(%arg16 : memref<!tpu.dma_semaphore, #tpu.memory_space<semaphore_mem>>)
      } else {
      }
      %mul3A_476 = arith.constant 4 : i32
      %mul3A_477 = arith.muli %scan3A_429, %mul3A_476 : i32
      %add3A_478 = arith.constant 1 : i32
      %add3A_479 = arith.addi %mul3A_477, %add3A_478 : i32
      %ge3A_480 = arith.constant 2 : i32
      %ge3A_481 = arith.cmpi sge, %add3A_479, %ge3A_480 : i32
      %convert_element_type3A_482 = arith.extui %ge3A_481 : i1 to i32
      %cond3A_483 = arith.constant 0 : i32
      %cond3A_484 = arith.cmpi ne, %convert_element_type3A_482, %cond3A_483 : i32
      scf.if %cond3A_484 {
        %dma_wait3A_620 = arith.constant 3 : i32
        %dma_wait3A_621 = arith.constant 3 : i32
        %dma_wait3A_622 = arith.constant 0 : i32
        %dma_wait3A_623 = arith.constant 0 : i32
        %dma_wait3A_624 = tpu.memref_slice %arg11[%dma_wait3A_620, %dma_wait3A_622, %dma_wait3A_623] : memref<4x64x128xf32, #tpu.memory_space<vmem>> -> memref<1x64x128xf32, #tpu.memory_space<vmem>>
        %dma_wait3A_625 = tpu.memref_squeeze %dma_wait3A_624 : memref<1x64x128xf32, #tpu.memory_space<vmem>> -> memref<64x128xf32, #tpu.memory_space<vmem>>
        %dma_wait3A_626 = arith.constant 0 : i32
        %dma_wait3A_627 = tpu.memref_slice %arg9[%dma_wait3A_621, %dma_wait3A_626] : memref<4x64xi32, #tpu.memory_space<vmem>> -> memref<1x64xi32, #tpu.memory_space<vmem>>
        %dma_wait3A_628 = tpu.memref_squeeze %dma_wait3A_627 : memref<1x64xi32, #tpu.memory_space<vmem>> -> memref<64xi32, #tpu.memory_space<vmem>>
        %dma_wait3A_629 = arith.constant 0 : i32
        %dma_wait3A_630 = arith.constant 0 : i32
        %dma_wait3A_631 = tpu.memref_slice %arg13[%dma_wait3A_629, %dma_wait3A_630] : memref<5120x128xf32, #tpu.memory_space<vmem_shared>> -> memref<5120x128xf32, #tpu.memory_space<vmem_shared>>
        tpu.wait_indirect_dma semaphore(%arg21 : memref<!tpu.dma_semaphore, #tpu.memory_space<semaphore_mem>>) src(%dma_wait3A_625 : memref<64x128xf32, #tpu.memory_space<vmem>>) dst(%dma_wait3A_631 : memref<5120x128xf32, #tpu.memory_space<vmem_shared>>)
      } else {
      }
      %add3A_485 = arith.constant 2 : i32
      %add3A_486 = arith.addi %add3A_479, %add3A_485 : i32
      %lt3A_487 = arith.constant 312 : i32
      %lt3A_488 = arith.cmpi slt, %add3A_486, %lt3A_487 : i32
      %convert_element_type3A_489 = arith.extui %lt3A_488 : i1 to i32
      %cond3A_490 = arith.constant 0 : i32
      %cond3A_491 = arith.cmpi ne, %convert_element_type3A_489, %cond3A_490 : i32
      scf.if %cond3A_491 {
        %add3A_620 = arith.constant 2 : i32
        %add3A_621 = arith.addi %add3A_479, %add3A_620 : i32
        %mul3A_622 = arith.constant 64 : i32
        %mul3A_623 = arith.muli %add3A_621, %mul3A_622 : i32
        %add3A_624 = arith.constant 0 : i32
        %add3A_625 = arith.addi %mul3A_623, %add3A_624 : i32
        %get3A_626 = arith.index_cast %add3A_625 : i32 to index
        %get3A_627 = tpu.vector_load %arg7[%get3A_626] {strides = array<i32>} : memref<20000xi32, #tpu.memory_space<vmem>>, vector<16xi32>,
        %get3A_628 = vector.shape_cast %get3A_627 : vector<16xi32> to vector<16xi32>
        %sub3A_629 = vector.broadcast %mul3A_2 : i32 to vector<16xi32>
        %sub3A_630 = arith.subi %get3A_628, %sub3A_629 : vector<16xi32>
        %ge3A_631 = arith.constant 0 : i32
        %ge3A_632 = vector.broadcast %ge3A_631 : i32 to vector<16xi32>
        %ge3A_633 = arith.cmpi sge, %sub3A_630, %ge3A_632 : vector<16xi32>
        %lt3A_634 = arith.constant 5120 : i32
        %lt3A_635 = vector.broadcast %lt3A_634 : i32 to vector<16xi32>
        %lt3A_636 = arith.cmpi slt, %sub3A_630, %lt3A_635 : vector<16xi32>
        %and3A_637 = arith.andi %ge3A_633, %lt3A_636 : vector<16xi1>
        %get3A_638 = arith.index_cast %add3A_625 : i32 to index
        %get3A_639 = tpu.vector_load %arg6[%get3A_638] {strides = array<i32>} : memref<20000xi32, #tpu.memory_space<vmem>>, vector<16xi32>,
        %get3A_640 = vector.shape_cast %get3A_639 : vector<16xi32> to vector<16xi32>
        %select_n3A_641 = arith.select %and3A_637, %get3A_640, %broadcast_in_dim3A_5 : vector<16xi1>, vector<16xi32>
        %swap3A_642 = arith.constant 3 : i32
        %swap3A_643 = arith.index_cast %swap3A_642 : i32 to index
        %swap3A_644 = arith.constant 0 : index
        %swap3A_645 = tpu.vector_load %arg8[%swap3A_643, %swap3A_644] {strides = array<i32>} : memref<4x64xi32, #tpu.memory_space<vmem>>, vector<1x16xi32>,
        %swap3A_646 = vector.shape_cast %swap3A_645 : vector<1x16xi32> to vector<16xi32>
        %swap3A_647 = vector.shape_cast %select_n3A_641 : vector<16xi32> to vector<1x16xi32>
        tpu.vector_store %arg8[%swap3A_643, %swap3A_644], %swap3A_647 {strides = array<i32>} : memref<4x64xi32, #tpu.memory_space<vmem>>, vector<1x16xi32>,
        %select_n3A_648 = arith.select %and3A_637, %sub3A_630, %broadcast_in_dim3A_5 : vector<16xi1>, vector<16xi32>
        %swap3A_649 = arith.constant 3 : i32
        %swap3A_650 = arith.index_cast %swap3A_649 : i32 to index
        %swap3A_651 = arith.constant 0 : index
        %swap3A_652 = tpu.vector_load %arg9[%swap3A_650, %swap3A_651] {strides = array<i32>} : memref<4x64xi32, #tpu.memory_space<vmem>>, vector<1x16xi32>,
        %swap3A_653 = vector.shape_cast %swap3A_652 : vector<1x16xi32> to vector<16xi32>
        %swap3A_654 = vector.shape_cast %select_n3A_648 : vector<16xi32> to vector<1x16xi32>
        tpu.vector_store %arg9[%swap3A_650, %swap3A_651], %swap3A_654 {strides = array<i32>} : memref<4x64xi32, #tpu.memory_space<vmem>>, vector<1x16xi32>,
        %mul3A_655 = arith.constant 64 : i32
        %mul3A_656 = arith.muli %add3A_621, %mul3A_655 : i32
        %add3A_657 = arith.constant 16 : i32
        %add3A_658 = arith.addi %mul3A_656, %add3A_657 : i32
        %get3A_659 = arith.index_cast %add3A_658 : i32 to index
        %get3A_660 = tpu.vector_load %arg7[%get3A_659] {strides = array<i32>} : memref<20000xi32, #tpu.memory_space<vmem>>, vector<16xi32>,
        %get3A_661 = vector.shape_cast %get3A_660 : vector<16xi32> to vector<16xi32>
        %sub3A_662 = vector.broadcast %mul3A_2 : i32 to vector<16xi32>
        %sub3A_663 = arith.subi %get3A_661, %sub3A_662 : vector<16xi32>
        %ge3A_664 = arith.constant 0 : i32
        %ge3A_665 = vector.broadcast %ge3A_664 : i32 to vector<16xi32>
        %ge3A_666 = arith.cmpi sge, %sub3A_663, %ge3A_665 : vector<16xi32>
        %lt3A_667 = arith.constant 5120 : i32
        %lt3A_668 = vector.broadcast %lt3A_667 : i32 to vector<16xi32>
        %lt3A_669 = arith.cmpi slt, %sub3A_663, %lt3A_668 : vector<16xi32>
        %and3A_670 = arith.andi %ge3A_666, %lt3A_669 : vector<16xi1>
        %get3A_671 = arith.index_cast %add3A_658 : i32 to index
        %get3A_672 = tpu.vector_load %arg6[%get3A_671] {strides = array<i32>} : memref<20000xi32, #tpu.memory_space<vmem>>, vector<16xi32>,
        %get3A_673 = vector.shape_cast %get3A_672 : vector<16xi32> to vector<16xi32>
        %select_n3A_674 = arith.select %and3A_670, %get3A_673, %broadcast_in_dim3A_5 : vector<16xi1>, vector<16xi32>
        %swap3A_675 = arith.constant 3 : i32
        %swap3A_676 = arith.index_cast %swap3A_675 : i32 to index
        %swap3A_677 = arith.constant 16 : index
        %swap3A_678 = tpu.vector_load %arg8[%swap3A_676, %swap3A_677] {strides = array<i32>} : memref<4x64xi32, #tpu.memory_space<vmem>>, vector<1x16xi32>,
        %swap3A_679 = vector.shape_cast %swap3A_678 : vector<1x16xi32> to vector<16xi32>
        %swap3A_680 = vector.shape_cast %select_n3A_674 : vector<16xi32> to vector<1x16xi32>
        tpu.vector_store %arg8[%swap3A_676, %swap3A_677], %swap3A_680 {strides = array<i32>} : memref<4x64xi32, #tpu.memory_space<vmem>>, vector<1x16xi32>,
        %select_n3A_681 = arith.select %and3A_670, %sub3A_663, %broadcast_in_dim3A_5 : vector<16xi1>, vector<16xi32>
        %swap3A_682 = arith.constant 3 : i32
        %swap3A_683 = arith.index_cast %swap3A_682 : i32 to index
        %swap3A_684 = arith.constant 16 : index
        %swap3A_685 = tpu.vector_load %arg9[%swap3A_683, %swap3A_684] {strides = array<i32>} : memref<4x64xi32, #tpu.memory_space<vmem>>, vector<1x16xi32>,
        %swap3A_686 = vector.shape_cast %swap3A_685 : vector<1x16xi32> to vector<16xi32>
        %swap3A_687 = vector.shape_cast %select_n3A_681 : vector<16xi32> to vector<1x16xi32>
        tpu.vector_store %arg9[%swap3A_683, %swap3A_684], %swap3A_687 {strides = array<i32>} : memref<4x64xi32, #tpu.memory_space<vmem>>, vector<1x16xi32>,
        %mul3A_688 = arith.constant 64 : i32
        %mul3A_689 = arith.muli %add3A_621, %mul3A_688 : i32
        %add3A_690 = arith.constant 32 : i32
        %add3A_691 = arith.addi %mul3A_689, %add3A_690 : i32
        %get3A_692 = arith.index_cast %add3A_691 : i32 to index
        %get3A_693 = tpu.vector_load %arg7[%get3A_692] {strides = array<i32>} : memref<20000xi32, #tpu.memory_space<vmem>>, vector<16xi32>,
        %get3A_694 = vector.shape_cast %get3A_693 : vector<16xi32> to vector<16xi32>
        %sub3A_695 = vector.broadcast %mul3A_2 : i32 to vector<16xi32>
        %sub3A_696 = arith.subi %get3A_694, %sub3A_695 : vector<16xi32>
        %ge3A_697 = arith.constant 0 : i32
        %ge3A_698 = vector.broadcast %ge3A_697 : i32 to vector<16xi32>
        %ge3A_699 = arith.cmpi sge, %sub3A_696, %ge3A_698 : vector<16xi32>
        %lt3A_700 = arith.constant 5120 : i32
        %lt3A_701 = vector.broadcast %lt3A_700 : i32 to vector<16xi32>
        %lt3A_702 = arith.cmpi slt, %sub3A_696, %lt3A_701 : vector<16xi32>
        %and3A_703 = arith.andi %ge3A_699, %lt3A_702 : vector<16xi1>
        %get3A_704 = arith.index_cast %add3A_691 : i32 to index
        %get3A_705 = tpu.vector_load %arg6[%get3A_704] {strides = array<i32>} : memref<20000xi32, #tpu.memory_space<vmem>>, vector<16xi32>,
        %get3A_706 = vector.shape_cast %get3A_705 : vector<16xi32> to vector<16xi32>
        %select_n3A_707 = arith.select %and3A_703, %get3A_706, %broadcast_in_dim3A_5 : vector<16xi1>, vector<16xi32>
        %swap3A_708 = arith.constant 3 : i32
        %swap3A_709 = arith.index_cast %swap3A_708 : i32 to index
        %swap3A_710 = arith.constant 32 : index
        %swap3A_711 = tpu.vector_load %arg8[%swap3A_709, %swap3A_710] {strides = array<i32>} : memref<4x64xi32, #tpu.memory_space<vmem>>, vector<1x16xi32>,
        %swap3A_712 = vector.shape_cast %swap3A_711 : vector<1x16xi32> to vector<16xi32>
        %swap3A_713 = vector.shape_cast %select_n3A_707 : vector<16xi32> to vector<1x16xi32>
        tpu.vector_store %arg8[%swap3A_709, %swap3A_710], %swap3A_713 {strides = array<i32>} : memref<4x64xi32, #tpu.memory_space<vmem>>, vector<1x16xi32>,
        %select_n3A_714 = arith.select %and3A_703, %sub3A_696, %broadcast_in_dim3A_5 : vector<16xi1>, vector<16xi32>
        %swap3A_715 = arith.constant 3 : i32
        %swap3A_716 = arith.index_cast %swap3A_715 : i32 to index
        %swap3A_717 = arith.constant 32 : index
        %swap3A_718 = tpu.vector_load %arg9[%swap3A_716, %swap3A_717] {strides = array<i32>} : memref<4x64xi32, #tpu.memory_space<vmem>>, vector<1x16xi32>,
        %swap3A_719 = vector.shape_cast %swap3A_718 : vector<1x16xi32> to vector<16xi32>
        %swap3A_720 = vector.shape_cast %select_n3A_714 : vector<16xi32> to vector<1x16xi32>
        tpu.vector_store %arg9[%swap3A_716, %swap3A_717], %swap3A_720 {strides = array<i32>} : memref<4x64xi32, #tpu.memory_space<vmem>>, vector<1x16xi32>,
        %mul3A_721 = arith.constant 64 : i32
        %mul3A_722 = arith.muli %add3A_621, %mul3A_721 : i32
        %add3A_723 = arith.constant 48 : i32
        %add3A_724 = arith.addi %mul3A_722, %add3A_723 : i32
        %get3A_725 = arith.index_cast %add3A_724 : i32 to index
        %get3A_726 = tpu.vector_load %arg7[%get3A_725] {strides = array<i32>} : memref<20000xi32, #tpu.memory_space<vmem>>, vector<16xi32>,
        %get3A_727 = vector.shape_cast %get3A_726 : vector<16xi32> to vector<16xi32>
        %sub3A_728 = vector.broadcast %mul3A_2 : i32 to vector<16xi32>
        %sub3A_729 = arith.subi %get3A_727, %sub3A_728 : vector<16xi32>
        %ge3A_730 = arith.constant 0 : i32
        %ge3A_731 = vector.broadcast %ge3A_730 : i32 to vector<16xi32>
        %ge3A_732 = arith.cmpi sge, %sub3A_729, %ge3A_731 : vector<16xi32>
        %lt3A_733 = arith.constant 5120 : i32
        %lt3A_734 = vector.broadcast %lt3A_733 : i32 to vector<16xi32>
        %lt3A_735 = arith.cmpi slt, %sub3A_729, %lt3A_734 : vector<16xi32>
        %and3A_736 = arith.andi %ge3A_732, %lt3A_735 : vector<16xi1>
        %get3A_737 = arith.index_cast %add3A_724 : i32 to index
        %get3A_738 = tpu.vector_load %arg6[%get3A_737] {strides = array<i32>} : memref<20000xi32, #tpu.memory_space<vmem>>, vector<16xi32>,
        %get3A_739 = vector.shape_cast %get3A_738 : vector<16xi32> to vector<16xi32>
        %select_n3A_740 = arith.select %and3A_736, %get3A_739, %broadcast_in_dim3A_5 : vector<16xi1>, vector<16xi32>
        %swap3A_741 = arith.constant 3 : i32
        %swap3A_742 = arith.index_cast %swap3A_741 : i32 to index
        %swap3A_743 = arith.constant 48 : index
        %swap3A_744 = tpu.vector_load %arg8[%swap3A_742, %swap3A_743] {strides = array<i32>} : memref<4x64xi32, #tpu.memory_space<vmem>>, vector<1x16xi32>,
        %swap3A_745 = vector.shape_cast %swap3A_744 : vector<1x16xi32> to vector<16xi32>
        %swap3A_746 = vector.shape_cast %select_n3A_740 : vector<16xi32> to vector<1x16xi32>
        tpu.vector_store %arg8[%swap3A_742, %swap3A_743], %swap3A_746 {strides = array<i32>} : memref<4x64xi32, #tpu.memory_space<vmem>>, vector<1x16xi32>,
        %select_n3A_747 = arith.select %and3A_736, %sub3A_729, %broadcast_in_dim3A_5 : vector<16xi1>, vector<16xi32>
        %swap3A_748 = arith.constant 3 : i32
        %swap3A_749 = arith.index_cast %swap3A_748 : i32 to index
        %swap3A_750 = arith.constant 48 : index
        %swap3A_751 = tpu.vector_load %arg9[%swap3A_749, %swap3A_750] {strides = array<i32>} : memref<4x64xi32, #tpu.memory_space<vmem>>, vector<1x16xi32>,
        %swap3A_752 = vector.shape_cast %swap3A_751 : vector<1x16xi32> to vector<16xi32>
        %swap3A_753 = vector.shape_cast %select_n3A_747 : vector<16xi32> to vector<1x16xi32>
        tpu.vector_store %arg9[%swap3A_749, %swap3A_750], %swap3A_753 {strides = array<i32>} : memref<4x64xi32, #tpu.memory_space<vmem>>, vector<1x16xi32>,
      } else {
      }
      %dma_wait3A_492 = arith.constant 1 : i32
      %dma_wait3A_493 = arith.constant 1 : i32
      %dma_wait3A_494 = arith.constant 0 : i32
      %dma_wait3A_495 = arith.constant 0 : i32
      %dma_wait3A_496 = tpu.memref_slice %arg11[%dma_wait3A_493, %dma_wait3A_494, %dma_wait3A_495] : memref<4x64x128xf32, #tpu.memory_space<vmem>> -> memref<1x64x128xf32, #tpu.memory_space<vmem>>
      %dma_wait3A_497 = tpu.memref_squeeze %dma_wait3A_496 : memref<1x64x128xf32, #tpu.memory_space<vmem>> -> memref<64x128xf32, #tpu.memory_space<vmem>>
      %dma_wait3A_498 = arith.constant 0 : i32
      %dma_wait3A_499 = tpu.memref_slice %arg8[%dma_wait3A_492, %dma_wait3A_498] : memref<4x64xi32, #tpu.memory_space<vmem>> -> memref<1x64xi32, #tpu.memory_space<vmem>>
      %dma_wait3A_500 = tpu.memref_squeeze %dma_wait3A_499 : memref<1x64xi32, #tpu.memory_space<vmem>> -> memref<64xi32, #tpu.memory_space<vmem>>
      %dma_wait3A_501 = arith.constant 0 : i32
      %dma_wait3A_502 = arith.constant 0 : i32
      %dma_wait3A_503 = tpu.memref_slice %arg2[%dma_wait3A_501, %dma_wait3A_502] : memref<10000x128xf32, #tpu.memory_space<hbm>> -> memref<10000x128xf32, #tpu.memory_space<hbm>>
      tpu.wait_indirect_dma semaphore(%arg15 : memref<!tpu.dma_semaphore, #tpu.memory_space<semaphore_mem>>) src(%dma_wait3A_503 : memref<10000x128xf32, #tpu.memory_space<hbm>>) dst(%dma_wait3A_497 : memref<64x128xf32, #tpu.memory_space<vmem>>)
      %dma_start3A_504 = arith.constant 1 : i32
      %dma_start3A_505 = arith.constant 1 : i32
      %dma_start3A_506 = arith.constant 0 : i32
      %dma_start3A_507 = arith.constant 0 : i32
      %dma_start3A_508 = tpu.memref_slice %arg11[%dma_start3A_504, %dma_start3A_506, %dma_start3A_507] : memref<4x64x128xf32, #tpu.memory_space<vmem>> -> memref<1x64x128xf32, #tpu.memory_space<vmem>>
      %dma_start3A_509 = tpu.memref_squeeze %dma_start3A_508 : memref<1x64x128xf32, #tpu.memory_space<vmem>> -> memref<64x128xf32, #tpu.memory_space<vmem>>
      %dma_start3A_510 = arith.constant 0 : i32
      %dma_start3A_511 = tpu.memref_slice %arg9[%dma_start3A_505, %dma_start3A_510] : memref<4x64xi32, #tpu.memory_space<vmem>> -> memref<1x64xi32, #tpu.memory_space<vmem>>
      %dma_start3A_512 = tpu.memref_squeeze %dma_start3A_511 : memref<1x64xi32, #tpu.memory_space<vmem>> -> memref<64xi32, #tpu.memory_space<vmem>>
      %dma_start3A_513 = arith.constant 0 : i32
      %dma_start3A_514 = arith.constant 0 : i32
      %dma_start3A_515 = tpu.memref_slice %arg13[%dma_start3A_513, %dma_start3A_514] : memref<5120x128xf32, #tpu.memory_space<vmem_shared>> -> memref<5120x128xf32, #tpu.memory_space<vmem_shared>>
      %dma_start3A_516 = arith.constant -1 : i32
      tpu.enqueue_indirect_dma source(%dma_start3A_509 : memref<64x128xf32, #tpu.memory_space<vmem>>) target(%dma_start3A_515 : memref<5120x128xf32, #tpu.memory_space<vmem_shared>>) offsets(%dma_start3A_512 : memref<64xi32, #tpu.memory_space<vmem>>) offset_filter(%dma_start3A_516) semaphore(%arg19 : memref<!tpu.dma_semaphore, #tpu.memory_space<semaphore_mem>>) {add = true}
      %add3A_517 = arith.constant 2 : i32
      %add3A_518 = arith.addi %add3A_479, %add3A_517 : i32
      %lt3A_519 = arith.constant 312 : i32
      %lt3A_520 = arith.cmpi slt, %add3A_518, %lt3A_519 : i32
      %convert_element_type3A_521 = arith.extui %lt3A_520 : i1 to i32
      %cond3A_522 = arith.constant 0 : i32
      %cond3A_523 = arith.cmpi ne, %convert_element_type3A_521, %cond3A_522 : i32
      scf.if %cond3A_523 {
        %dma_start3A_620 = arith.constant 3 : i32
        %dma_start3A_621 = arith.constant 3 : i32
        %dma_start3A_622 = arith.constant 0 : i32
        %dma_start3A_623 = arith.constant 0 : i32
        %dma_start3A_624 = tpu.memref_slice %arg11[%dma_start3A_621, %dma_start3A_622, %dma_start3A_623] : memref<4x64x128xf32, #tpu.memory_space<vmem>> -> memref<1x64x128xf32, #tpu.memory_space<vmem>>
        %dma_start3A_625 = tpu.memref_squeeze %dma_start3A_624 : memref<1x64x128xf32, #tpu.memory_space<vmem>> -> memref<64x128xf32, #tpu.memory_space<vmem>>
        %dma_start3A_626 = arith.constant 0 : i32
        %dma_start3A_627 = tpu.memref_slice %arg8[%dma_start3A_620, %dma_start3A_626] : memref<4x64xi32, #tpu.memory_space<vmem>> -> memref<1x64xi32, #tpu.memory_space<vmem>>
        %dma_start3A_628 = tpu.memref_squeeze %dma_start3A_627 : memref<1x64xi32, #tpu.memory_space<vmem>> -> memref<64xi32, #tpu.memory_space<vmem>>
        %dma_start3A_629 = arith.constant 0 : i32
        %dma_start3A_630 = arith.constant 0 : i32
        %dma_start3A_631 = tpu.memref_slice %arg2[%dma_start3A_629, %dma_start3A_630] : memref<10000x128xf32, #tpu.memory_space<hbm>> -> memref<10000x128xf32, #tpu.memory_space<hbm>>
        %dma_start3A_632 = arith.constant -1 : i32
        tpu.enqueue_indirect_dma source(%dma_start3A_631 : memref<10000x128xf32, #tpu.memory_space<hbm>>) target(%dma_start3A_625 : memref<64x128xf32, #tpu.memory_space<vmem>>) offsets(%dma_start3A_628 : memref<64xi32, #tpu.memory_space<vmem>>) offset_filter(%dma_start3A_632) semaphore(%arg17 : memref<!tpu.dma_semaphore, #tpu.memory_space<semaphore_mem>>)
      } else {
      }
      %mul3A_524 = arith.constant 4 : i32
      %mul3A_525 = arith.muli %scan3A_429, %mul3A_524 : i32
      %add3A_526 = arith.constant 2 : i32
      %add3A_527 = arith.addi %mul3A_525, %add3A_526 : i32
      %ge3A_528 = arith.constant 2 : i32
      %ge3A_529 = arith.cmpi sge, %add3A_527, %ge3A_528 : i32
      %convert_element_type3A_530 = arith.extui %ge3A_529 : i1 to i32
      %cond3A_531 = arith.constant 0 : i32
      %cond3A_532 = arith.cmpi ne, %convert_element_type3A_530, %cond3A_531 : i32
      scf.if %cond3A_532 {
        %dma_wait3A_620 = arith.constant 0 : i32
        %dma_wait3A_621 = arith.constant 0 : i32
        %dma_wait3A_622 = arith.constant 0 : i32
        %dma_wait3A_623 = arith.constant 0 : i32
        %dma_wait3A_624 = tpu.memref_slice %arg11[%dma_wait3A_620, %dma_wait3A_622, %dma_wait3A_623] : memref<4x64x128xf32, #tpu.memory_space<vmem>> -> memref<1x64x128xf32, #tpu.memory_space<vmem>>
        %dma_wait3A_625 = tpu.memref_squeeze %dma_wait3A_624 : memref<1x64x128xf32, #tpu.memory_space<vmem>> -> memref<64x128xf32, #tpu.memory_space<vmem>>
        %dma_wait3A_626 = arith.constant 0 : i32
        %dma_wait3A_627 = tpu.memref_slice %arg9[%dma_wait3A_621, %dma_wait3A_626] : memref<4x64xi32, #tpu.memory_space<vmem>> -> memref<1x64xi32, #tpu.memory_space<vmem>>
        %dma_wait3A_628 = tpu.memref_squeeze %dma_wait3A_627 : memref<1x64xi32, #tpu.memory_space<vmem>> -> memref<64xi32, #tpu.memory_space<vmem>>
        %dma_wait3A_629 = arith.constant 0 : i32
        %dma_wait3A_630 = arith.constant 0 : i32
        %dma_wait3A_631 = tpu.memref_slice %arg13[%dma_wait3A_629, %dma_wait3A_630] : memref<5120x128xf32, #tpu.memory_space<vmem_shared>> -> memref<5120x128xf32, #tpu.memory_space<vmem_shared>>
        tpu.wait_indirect_dma semaphore(%arg18 : memref<!tpu.dma_semaphore, #tpu.memory_space<semaphore_mem>>) src(%dma_wait3A_625 : memref<64x128xf32, #tpu.memory_space<vmem>>) dst(%dma_wait3A_631 : memref<5120x128xf32, #tpu.memory_space<vmem_shared>>)
      } else {
      }
      %add3A_533 = arith.constant 2 : i32
      %add3A_534 = arith.addi %add3A_527, %add3A_533 : i32
      %lt3A_535 = arith.constant 312 : i32
      %lt3A_536 = arith.cmpi slt, %add3A_534, %lt3A_535 : i32
      %convert_element_type3A_537 = arith.extui %lt3A_536 : i1 to i32
      %cond3A_538 = arith.constant 0 : i32
      %cond3A_539 = arith.cmpi ne, %convert_element_type3A_537, %cond3A_538 : i32
      scf.if %cond3A_539 {
        %add3A_620 = arith.constant 2 : i32
        %add3A_621 = arith.addi %add3A_527, %add3A_620 : i32
        %mul3A_622 = arith.constant 64 : i32
        %mul3A_623 = arith.muli %add3A_621, %mul3A_622 : i32
        %add3A_624 = arith.constant 0 : i32
        %add3A_625 = arith.addi %mul3A_623, %add3A_624 : i32
        %get3A_626 = arith.index_cast %add3A_625 : i32 to index
        %get3A_627 = tpu.vector_load %arg7[%get3A_626] {strides = array<i32>} : memref<20000xi32, #tpu.memory_space<vmem>>, vector<16xi32>,
        %get3A_628 = vector.shape_cast %get3A_627 : vector<16xi32> to vector<16xi32>
        %sub3A_629 = vector.broadcast %mul3A_2 : i32 to vector<16xi32>
        %sub3A_630 = arith.subi %get3A_628, %sub3A_629 : vector<16xi32>
        %ge3A_631 = arith.constant 0 : i32
        %ge3A_632 = vector.broadcast %ge3A_631 : i32 to vector<16xi32>
        %ge3A_633 = arith.cmpi sge, %sub3A_630, %ge3A_632 : vector<16xi32>
        %lt3A_634 = arith.constant 5120 : i32
        %lt3A_635 = vector.broadcast %lt3A_634 : i32 to vector<16xi32>
        %lt3A_636 = arith.cmpi slt, %sub3A_630, %lt3A_635 : vector<16xi32>
        %and3A_637 = arith.andi %ge3A_633, %lt3A_636 : vector<16xi1>
        %get3A_638 = arith.index_cast %add3A_625 : i32 to index
        %get3A_639 = tpu.vector_load %arg6[%get3A_638] {strides = array<i32>} : memref<20000xi32, #tpu.memory_space<vmem>>, vector<16xi32>,
        %get3A_640 = vector.shape_cast %get3A_639 : vector<16xi32> to vector<16xi32>
        %select_n3A_641 = arith.select %and3A_637, %get3A_640, %broadcast_in_dim3A_5 : vector<16xi1>, vector<16xi32>
        %swap3A_642 = arith.constant 0 : i32
        %swap3A_643 = arith.index_cast %swap3A_642 : i32 to index
        %swap3A_644 = arith.constant 0 : index
        %swap3A_645 = tpu.vector_load %arg8[%swap3A_643, %swap3A_644] {strides = array<i32>} : memref<4x64xi32, #tpu.memory_space<vmem>>, vector<1x16xi32>,
        %swap3A_646 = vector.shape_cast %swap3A_645 : vector<1x16xi32> to vector<16xi32>
        %swap3A_647 = vector.shape_cast %select_n3A_641 : vector<16xi32> to vector<1x16xi32>
        tpu.vector_store %arg8[%swap3A_643, %swap3A_644], %swap3A_647 {strides = array<i32>} : memref<4x64xi32, #tpu.memory_space<vmem>>, vector<1x16xi32>,
        %select_n3A_648 = arith.select %and3A_637, %sub3A_630, %broadcast_in_dim3A_5 : vector<16xi1>, vector<16xi32>
        %swap3A_649 = arith.constant 0 : i32
        %swap3A_650 = arith.index_cast %swap3A_649 : i32 to index
        %swap3A_651 = arith.constant 0 : index
        %swap3A_652 = tpu.vector_load %arg9[%swap3A_650, %swap3A_651] {strides = array<i32>} : memref<4x64xi32, #tpu.memory_space<vmem>>, vector<1x16xi32>,
        %swap3A_653 = vector.shape_cast %swap3A_652 : vector<1x16xi32> to vector<16xi32>
        %swap3A_654 = vector.shape_cast %select_n3A_648 : vector<16xi32> to vector<1x16xi32>
        tpu.vector_store %arg9[%swap3A_650, %swap3A_651], %swap3A_654 {strides = array<i32>} : memref<4x64xi32, #tpu.memory_space<vmem>>, vector<1x16xi32>,
        %mul3A_655 = arith.constant 64 : i32
        %mul3A_656 = arith.muli %add3A_621, %mul3A_655 : i32
        %add3A_657 = arith.constant 16 : i32
        %add3A_658 = arith.addi %mul3A_656, %add3A_657 : i32
        %get3A_659 = arith.index_cast %add3A_658 : i32 to index
        %get3A_660 = tpu.vector_load %arg7[%get3A_659] {strides = array<i32>} : memref<20000xi32, #tpu.memory_space<vmem>>, vector<16xi32>,
        %get3A_661 = vector.shape_cast %get3A_660 : vector<16xi32> to vector<16xi32>
        %sub3A_662 = vector.broadcast %mul3A_2 : i32 to vector<16xi32>
        %sub3A_663 = arith.subi %get3A_661, %sub3A_662 : vector<16xi32>
        %ge3A_664 = arith.constant 0 : i32
        %ge3A_665 = vector.broadcast %ge3A_664 : i32 to vector<16xi32>
        %ge3A_666 = arith.cmpi sge, %sub3A_663, %ge3A_665 : vector<16xi32>
        %lt3A_667 = arith.constant 5120 : i32
        %lt3A_668 = vector.broadcast %lt3A_667 : i32 to vector<16xi32>
        %lt3A_669 = arith.cmpi slt, %sub3A_663, %lt3A_668 : vector<16xi32>
        %and3A_670 = arith.andi %ge3A_666, %lt3A_669 : vector<16xi1>
        %get3A_671 = arith.index_cast %add3A_658 : i32 to index
        %get3A_672 = tpu.vector_load %arg6[%get3A_671] {strides = array<i32>} : memref<20000xi32, #tpu.memory_space<vmem>>, vector<16xi32>,
        %get3A_673 = vector.shape_cast %get3A_672 : vector<16xi32> to vector<16xi32>
        %select_n3A_674 = arith.select %and3A_670, %get3A_673, %broadcast_in_dim3A_5 : vector<16xi1>, vector<16xi32>
        %swap3A_675 = arith.constant 0 : i32
        %swap3A_676 = arith.index_cast %swap3A_675 : i32 to index
        %swap3A_677 = arith.constant 16 : index
        %swap3A_678 = tpu.vector_load %arg8[%swap3A_676, %swap3A_677] {strides = array<i32>} : memref<4x64xi32, #tpu.memory_space<vmem>>, vector<1x16xi32>,
        %swap3A_679 = vector.shape_cast %swap3A_678 : vector<1x16xi32> to vector<16xi32>
        %swap3A_680 = vector.shape_cast %select_n3A_674 : vector<16xi32> to vector<1x16xi32>
        tpu.vector_store %arg8[%swap3A_676, %swap3A_677], %swap3A_680 {strides = array<i32>} : memref<4x64xi32, #tpu.memory_space<vmem>>, vector<1x16xi32>,
        %select_n3A_681 = arith.select %and3A_670, %sub3A_663, %broadcast_in_dim3A_5 : vector<16xi1>, vector<16xi32>
        %swap3A_682 = arith.constant 0 : i32
        %swap3A_683 = arith.index_cast %swap3A_682 : i32 to index
        %swap3A_684 = arith.constant 16 : index
        %swap3A_685 = tpu.vector_load %arg9[%swap3A_683, %swap3A_684] {strides = array<i32>} : memref<4x64xi32, #tpu.memory_space<vmem>>, vector<1x16xi32>,
        %swap3A_686 = vector.shape_cast %swap3A_685 : vector<1x16xi32> to vector<16xi32>
        %swap3A_687 = vector.shape_cast %select_n3A_681 : vector<16xi32> to vector<1x16xi32>
        tpu.vector_store %arg9[%swap3A_683, %swap3A_684], %swap3A_687 {strides = array<i32>} : memref<4x64xi32, #tpu.memory_space<vmem>>, vector<1x16xi32>,
        %mul3A_688 = arith.constant 64 : i32
        %mul3A_689 = arith.muli %add3A_621, %mul3A_688 : i32
        %add3A_690 = arith.constant 32 : i32
        %add3A_691 = arith.addi %mul3A_689, %add3A_690 : i32
        %get3A_692 = arith.index_cast %add3A_691 : i32 to index
        %get3A_693 = tpu.vector_load %arg7[%get3A_692] {strides = array<i32>} : memref<20000xi32, #tpu.memory_space<vmem>>, vector<16xi32>,
        %get3A_694 = vector.shape_cast %get3A_693 : vector<16xi32> to vector<16xi32>
        %sub3A_695 = vector.broadcast %mul3A_2 : i32 to vector<16xi32>
        %sub3A_696 = arith.subi %get3A_694, %sub3A_695 : vector<16xi32>
        %ge3A_697 = arith.constant 0 : i32
        %ge3A_698 = vector.broadcast %ge3A_697 : i32 to vector<16xi32>
        %ge3A_699 = arith.cmpi sge, %sub3A_696, %ge3A_698 : vector<16xi32>
        %lt3A_700 = arith.constant 5120 : i32
        %lt3A_701 = vector.broadcast %lt3A_700 : i32 to vector<16xi32>
        %lt3A_702 = arith.cmpi slt, %sub3A_696, %lt3A_701 : vector<16xi32>
        %and3A_703 = arith.andi %ge3A_699, %lt3A_702 : vector<16xi1>
        %get3A_704 = arith.index_cast %add3A_691 : i32 to index
        %get3A_705 = tpu.vector_load %arg6[%get3A_704] {strides = array<i32>} : memref<20000xi32, #tpu.memory_space<vmem>>, vector<16xi32>,
        %get3A_706 = vector.shape_cast %get3A_705 : vector<16xi32> to vector<16xi32>
        %select_n3A_707 = arith.select %and3A_703, %get3A_706, %broadcast_in_dim3A_5 : vector<16xi1>, vector<16xi32>
        %swap3A_708 = arith.constant 0 : i32
        %swap3A_709 = arith.index_cast %swap3A_708 : i32 to index
        %swap3A_710 = arith.constant 32 : index
        %swap3A_711 = tpu.vector_load %arg8[%swap3A_709, %swap3A_710] {strides = array<i32>} : memref<4x64xi32, #tpu.memory_space<vmem>>, vector<1x16xi32>,
        %swap3A_712 = vector.shape_cast %swap3A_711 : vector<1x16xi32> to vector<16xi32>
        %swap3A_713 = vector.shape_cast %select_n3A_707 : vector<16xi32> to vector<1x16xi32>
        tpu.vector_store %arg8[%swap3A_709, %swap3A_710], %swap3A_713 {strides = array<i32>} : memref<4x64xi32, #tpu.memory_space<vmem>>, vector<1x16xi32>,
        %select_n3A_714 = arith.select %and3A_703, %sub3A_696, %broadcast_in_dim3A_5 : vector<16xi1>, vector<16xi32>
        %swap3A_715 = arith.constant 0 : i32
        %swap3A_716 = arith.index_cast %swap3A_715 : i32 to index
        %swap3A_717 = arith.constant 32 : index
        %swap3A_718 = tpu.vector_load %arg9[%swap3A_716, %swap3A_717] {strides = array<i32>} : memref<4x64xi32, #tpu.memory_space<vmem>>, vector<1x16xi32>,
        %swap3A_719 = vector.shape_cast %swap3A_718 : vector<1x16xi32> to vector<16xi32>
        %swap3A_720 = vector.shape_cast %select_n3A_714 : vector<16xi32> to vector<1x16xi32>
        tpu.vector_store %arg9[%swap3A_716, %swap3A_717], %swap3A_720 {strides = array<i32>} : memref<4x64xi32, #tpu.memory_space<vmem>>, vector<1x16xi32>,
        %mul3A_721 = arith.constant 64 : i32
        %mul3A_722 = arith.muli %add3A_621, %mul3A_721 : i32
        %add3A_723 = arith.constant 48 : i32
        %add3A_724 = arith.addi %mul3A_722, %add3A_723 : i32
        %get3A_725 = arith.index_cast %add3A_724 : i32 to index
        %get3A_726 = tpu.vector_load %arg7[%get3A_725] {strides = array<i32>} : memref<20000xi32, #tpu.memory_space<vmem>>, vector<16xi32>,
        %get3A_727 = vector.shape_cast %get3A_726 : vector<16xi32> to vector<16xi32>
        %sub3A_728 = vector.broadcast %mul3A_2 : i32 to vector<16xi32>
        %sub3A_729 = arith.subi %get3A_727, %sub3A_728 : vector<16xi32>
        %ge3A_730 = arith.constant 0 : i32
        %ge3A_731 = vector.broadcast %ge3A_730 : i32 to vector<16xi32>
        %ge3A_732 = arith.cmpi sge, %sub3A_729, %ge3A_731 : vector<16xi32>
        %lt3A_733 = arith.constant 5120 : i32
        %lt3A_734 = vector.broadcast %lt3A_733 : i32 to vector<16xi32>
        %lt3A_735 = arith.cmpi slt, %sub3A_729, %lt3A_734 : vector<16xi32>
        %and3A_736 = arith.andi %ge3A_732, %lt3A_735 : vector<16xi1>
        %get3A_737 = arith.index_cast %add3A_724 : i32 to index
        %get3A_738 = tpu.vector_load %arg6[%get3A_737] {strides = array<i32>} : memref<20000xi32, #tpu.memory_space<vmem>>, vector<16xi32>,
        %get3A_739 = vector.shape_cast %get3A_738 : vector<16xi32> to vector<16xi32>
        %select_n3A_740 = arith.select %and3A_736, %get3A_739, %broadcast_in_dim3A_5 : vector<16xi1>, vector<16xi32>
        %swap3A_741 = arith.constant 0 : i32
        %swap3A_742 = arith.index_cast %swap3A_741 : i32 to index
        %swap3A_743 = arith.constant 48 : index
        %swap3A_744 = tpu.vector_load %arg8[%swap3A_742, %swap3A_743] {strides = array<i32>} : memref<4x64xi32, #tpu.memory_space<vmem>>, vector<1x16xi32>,
        %swap3A_745 = vector.shape_cast %swap3A_744 : vector<1x16xi32> to vector<16xi32>
        %swap3A_746 = vector.shape_cast %select_n3A_740 : vector<16xi32> to vector<1x16xi32>
        tpu.vector_store %arg8[%swap3A_742, %swap3A_743], %swap3A_746 {strides = array<i32>} : memref<4x64xi32, #tpu.memory_space<vmem>>, vector<1x16xi32>,
        %select_n3A_747 = arith.select %and3A_736, %sub3A_729, %broadcast_in_dim3A_5 : vector<16xi1>, vector<16xi32>
        %swap3A_748 = arith.constant 0 : i32
        %swap3A_749 = arith.index_cast %swap3A_748 : i32 to index
        %swap3A_750 = arith.constant 48 : index
        %swap3A_751 = tpu.vector_load %arg9[%swap3A_749, %swap3A_750] {strides = array<i32>} : memref<4x64xi32, #tpu.memory_space<vmem>>, vector<1x16xi32>,
        %swap3A_752 = vector.shape_cast %swap3A_751 : vector<1x16xi32> to vector<16xi32>
        %swap3A_753 = vector.shape_cast %select_n3A_747 : vector<16xi32> to vector<1x16xi32>
        tpu.vector_store %arg9[%swap3A_749, %swap3A_750], %swap3A_753 {strides = array<i32>} : memref<4x64xi32, #tpu.memory_space<vmem>>, vector<1x16xi32>,
      } else {
      }
      %dma_wait3A_540 = arith.constant 2 : i32
      %dma_wait3A_541 = arith.constant 2 : i32
      %dma_wait3A_542 = arith.constant 0 : i32
      %dma_wait3A_543 = arith.constant 0 : i32
      %dma_wait3A_544 = tpu.memref_slice %arg11[%dma_wait3A_541, %dma_wait3A_542, %dma_wait3A_543] : memref<4x64x128xf32, #tpu.memory_space<vmem>> -> memref<1x64x128xf32, #tpu.memory_space<vmem>>
      %dma_wait3A_545 = tpu.memref_squeeze %dma_wait3A_544 : memref<1x64x128xf32, #tpu.memory_space<vmem>> -> memref<64x128xf32, #tpu.memory_space<vmem>>
      %dma_wait3A_546 = arith.constant 0 : i32
      %dma_wait3A_547 = tpu.memref_slice %arg8[%dma_wait3A_540, %dma_wait3A_546] : memref<4x64xi32, #tpu.memory_space<vmem>> -> memref<1x64xi32, #tpu.memory_space<vmem>>
      %dma_wait3A_548 = tpu.memref_squeeze %dma_wait3A_547 : memref<1x64xi32, #tpu.memory_space<vmem>> -> memref<64xi32, #tpu.memory_space<vmem>>
      %dma_wait3A_549 = arith.constant 0 : i32
      %dma_wait3A_550 = arith.constant 0 : i32
      %dma_wait3A_551 = tpu.memref_slice %arg2[%dma_wait3A_549, %dma_wait3A_550] : memref<10000x128xf32, #tpu.memory_space<hbm>> -> memref<10000x128xf32, #tpu.memory_space<hbm>>
      tpu.wait_indirect_dma semaphore(%arg16 : memref<!tpu.dma_semaphore, #tpu.memory_space<semaphore_mem>>) src(%dma_wait3A_551 : memref<10000x128xf32, #tpu.memory_space<hbm>>) dst(%dma_wait3A_545 : memref<64x128xf32, #tpu.memory_space<vmem>>)
      %dma_start3A_552 = arith.constant 2 : i32
      %dma_start3A_553 = arith.constant 2 : i32
      %dma_start3A_554 = arith.constant 0 : i32
      %dma_start3A_555 = arith.constant 0 : i32
      %dma_start3A_556 = tpu.memref_slice %arg11[%dma_start3A_552, %dma_start3A_554, %dma_start3A_555] : memref<4x64x128xf32, #tpu.memory_space<vmem>> -> memref<1x64x128xf32, #tpu.memory_space<vmem>>
      %dma_start3A_557 = tpu.memref_squeeze %dma_start3A_556 : memref<1x64x128xf32, #tpu.memory_space<vmem>> -> memref<64x128xf32, #tpu.memory_space<vmem>>
      %dma_start3A_558 = arith.constant 0 : i32
      %dma_start3A_559 = tpu.memref_slice %arg9[%dma_start3A_553, %dma_start3A_558] : memref<4x64xi32, #tpu.memory_space<vmem>> -> memref<1x64xi32, #tpu.memory_space<vmem>>
      %dma_start3A_560 = tpu.memref_squeeze %dma_start3A_559 : memref<1x64xi32, #tpu.memory_space<vmem>> -> memref<64xi32, #tpu.memory_space<vmem>>
      %dma_start3A_561 = arith.constant 0 : i32
      %dma_start3A_562 = arith.constant 0 : i32
      %dma_start3A_563 = tpu.memref_slice %arg13[%dma_start3A_561, %dma_start3A_562] : memref<5120x128xf32, #tpu.memory_space<vmem_shared>> -> memref<5120x128xf32, #tpu.memory_space<vmem_shared>>
      %dma_start3A_564 = arith.constant -1 : i32
      tpu.enqueue_indirect_dma source(%dma_start3A_557 : memref<64x128xf32, #tpu.memory_space<vmem>>) target(%dma_start3A_563 : memref<5120x128xf32, #tpu.memory_space<vmem_shared>>) offsets(%dma_start3A_560 : memref<64xi32, #tpu.memory_space<vmem>>) offset_filter(%dma_start3A_564) semaphore(%arg20 : memref<!tpu.dma_semaphore, #tpu.memory_space<semaphore_mem>>) {add = true}
      %add3A_565 = arith.constant 2 : i32
      %add3A_566 = arith.addi %add3A_527, %add3A_565 : i32
      %lt3A_567 = arith.constant 312 : i32
      %lt3A_568 = arith.cmpi slt, %add3A_566, %lt3A_567 : i32
      %convert_element_type3A_569 = arith.extui %lt3A_568 : i1 to i32
      %cond3A_570 = arith.constant 0 : i32
      %cond3A_571 = arith.cmpi ne, %convert_element_type3A_569, %cond3A_570 : i32
      scf.if %cond3A_571 {
        %dma_start3A_620 = arith.constant 0 : i32
        %dma_start3A_621 = arith.constant 0 : i32
        %dma_start3A_622 = arith.constant 0 : i32
        %dma_start3A_623 = arith.constant 0 : i32
        %dma_start3A_624 = tpu.memref_slice %arg11[%dma_start3A_621, %dma_start3A_622, %dma_start3A_623] : memref<4x64x128xf32, #tpu.memory_space<vmem>> -> memref<1x64x128xf32, #tpu.memory_space<vmem>>
        %dma_start3A_625 = tpu.memref_squeeze %dma_start3A_624 : memref<1x64x128xf32, #tpu.memory_space<vmem>> -> memref<64x128xf32, #tpu.memory_space<vmem>>
        %dma_start3A_626 = arith.constant 0 : i32
        %dma_start3A_627 = tpu.memref_slice %arg8[%dma_start3A_620, %dma_start3A_626] : memref<4x64xi32, #tpu.memory_space<vmem>> -> memref<1x64xi32, #tpu.memory_space<vmem>>
        %dma_start3A_628 = tpu.memref_squeeze %dma_start3A_627 : memref<1x64xi32, #tpu.memory_space<vmem>> -> memref<64xi32, #tpu.memory_space<vmem>>
        %dma_start3A_629 = arith.constant 0 : i32
        %dma_start3A_630 = arith.constant 0 : i32
        %dma_start3A_631 = tpu.memref_slice %arg2[%dma_start3A_629, %dma_start3A_630] : memref<10000x128xf32, #tpu.memory_space<hbm>> -> memref<10000x128xf32, #tpu.memory_space<hbm>>
        %dma_start3A_632 = arith.constant -1 : i32
        tpu.enqueue_indirect_dma source(%dma_start3A_631 : memref<10000x128xf32, #tpu.memory_space<hbm>>) target(%dma_start3A_625 : memref<64x128xf32, #tpu.memory_space<vmem>>) offsets(%dma_start3A_628 : memref<64xi32, #tpu.memory_space<vmem>>) offset_filter(%dma_start3A_632) semaphore(%arg14 : memref<!tpu.dma_semaphore, #tpu.memory_space<semaphore_mem>>)
      } else {
      }
      %mul3A_572 = arith.constant 4 : i32
      %mul3A_573 = arith.muli %scan3A_429, %mul3A_572 : i32
      %add3A_574 = arith.constant 3 : i32
      %add3A_575 = arith.addi %mul3A_573, %add3A_574 : i32
      %ge3A_576 = arith.constant 2 : i32
      %ge3A_577 = arith.cmpi sge, %add3A_575, %ge3A_576 : i32
      %convert_element_type3A_578 = arith.extui %ge3A_577 : i1 to i32
      %cond3A_579 = arith.constant 0 : i32
      %cond3A_580 = arith.cmpi ne, %convert_element_type3A_578, %cond3A_579 : i32
      scf.if %cond3A_580 {
        %dma_wait3A_620 = arith.constant 1 : i32
        %dma_wait3A_621 = arith.constant 1 : i32
        %dma_wait3A_622 = arith.constant 0 : i32
        %dma_wait3A_623 = arith.constant 0 : i32
        %dma_wait3A_624 = tpu.memref_slice %arg11[%dma_wait3A_620, %dma_wait3A_622, %dma_wait3A_623] : memref<4x64x128xf32, #tpu.memory_space<vmem>> -> memref<1x64x128xf32, #tpu.memory_space<vmem>>
        %dma_wait3A_625 = tpu.memref_squeeze %dma_wait3A_624 : memref<1x64x128xf32, #tpu.memory_space<vmem>> -> memref<64x128xf32, #tpu.memory_space<vmem>>
        %dma_wait3A_626 = arith.constant 0 : i32
        %dma_wait3A_627 = tpu.memref_slice %arg9[%dma_wait3A_621, %dma_wait3A_626] : memref<4x64xi32, #tpu.memory_space<vmem>> -> memref<1x64xi32, #tpu.memory_space<vmem>>
        %dma_wait3A_628 = tpu.memref_squeeze %dma_wait3A_627 : memref<1x64xi32, #tpu.memory_space<vmem>> -> memref<64xi32, #tpu.memory_space<vmem>>
        %dma_wait3A_629 = arith.constant 0 : i32
        %dma_wait3A_630 = arith.constant 0 : i32
        %dma_wait3A_631 = tpu.memref_slice %arg13[%dma_wait3A_629, %dma_wait3A_630] : memref<5120x128xf32, #tpu.memory_space<vmem_shared>> -> memref<5120x128xf32, #tpu.memory_space<vmem_shared>>
        tpu.wait_indirect_dma semaphore(%arg19 : memref<!tpu.dma_semaphore, #tpu.memory_space<semaphore_mem>>) src(%dma_wait3A_625 : memref<64x128xf32, #tpu.memory_space<vmem>>) dst(%dma_wait3A_631 : memref<5120x128xf32, #tpu.memory_space<vmem_shared>>)
      } else {
      }
      %add3A_581 = arith.constant 2 : i32
      %add3A_582 = arith.addi %add3A_575, %add3A_581 : i32
      %lt3A_583 = arith.constant 312 : i32
      %lt3A_584 = arith.cmpi slt, %add3A_582, %lt3A_583 : i32
      %convert_element_type3A_585 = arith.extui %lt3A_584 : i1 to i32
      %cond3A_586 = arith.constant 0 : i32
      %cond3A_587 = arith.cmpi ne, %convert_element_type3A_585, %cond3A_586 : i32
      scf.if %cond3A_587 {
        %add3A_620 = arith.constant 2 : i32
        %add3A_621 = arith.addi %add3A_575, %add3A_620 : i32
        %mul3A_622 = arith.constant 64 : i32
        %mul3A_623 = arith.muli %add3A_621, %mul3A_622 : i32
        %add3A_624 = arith.constant 0 : i32
        %add3A_625 = arith.addi %mul3A_623, %add3A_624 : i32
        %get3A_626 = arith.index_cast %add3A_625 : i32 to index
        %get3A_627 = tpu.vector_load %arg7[%get3A_626] {strides = array<i32>} : memref<20000xi32, #tpu.memory_space<vmem>>, vector<16xi32>,
        %get3A_628 = vector.shape_cast %get3A_627 : vector<16xi32> to vector<16xi32>
        %sub3A_629 = vector.broadcast %mul3A_2 : i32 to vector<16xi32>
        %sub3A_630 = arith.subi %get3A_628, %sub3A_629 : vector<16xi32>
        %ge3A_631 = arith.constant 0 : i32
        %ge3A_632 = vector.broadcast %ge3A_631 : i32 to vector<16xi32>
        %ge3A_633 = arith.cmpi sge, %sub3A_630, %ge3A_632 : vector<16xi32>
        %lt3A_634 = arith.constant 5120 : i32
        %lt3A_635 = vector.broadcast %lt3A_634 : i32 to vector<16xi32>
        %lt3A_636 = arith.cmpi slt, %sub3A_630, %lt3A_635 : vector<16xi32>
        %and3A_637 = arith.andi %ge3A_633, %lt3A_636 : vector<16xi1>
        %get3A_638 = arith.index_cast %add3A_625 : i32 to index
        %get3A_639 = tpu.vector_load %arg6[%get3A_638] {strides = array<i32>} : memref<20000xi32, #tpu.memory_space<vmem>>, vector<16xi32>,
        %get3A_640 = vector.shape_cast %get3A_639 : vector<16xi32> to vector<16xi32>
        %select_n3A_641 = arith.select %and3A_637, %get3A_640, %broadcast_in_dim3A_5 : vector<16xi1>, vector<16xi32>
        %swap3A_642 = arith.constant 1 : i32
        %swap3A_643 = arith.index_cast %swap3A_642 : i32 to index
        %swap3A_644 = arith.constant 0 : index
        %swap3A_645 = tpu.vector_load %arg8[%swap3A_643, %swap3A_644] {strides = array<i32>} : memref<4x64xi32, #tpu.memory_space<vmem>>, vector<1x16xi32>,
        %swap3A_646 = vector.shape_cast %swap3A_645 : vector<1x16xi32> to vector<16xi32>
        %swap3A_647 = vector.shape_cast %select_n3A_641 : vector<16xi32> to vector<1x16xi32>
        tpu.vector_store %arg8[%swap3A_643, %swap3A_644], %swap3A_647 {strides = array<i32>} : memref<4x64xi32, #tpu.memory_space<vmem>>, vector<1x16xi32>,
        %select_n3A_648 = arith.select %and3A_637, %sub3A_630, %broadcast_in_dim3A_5 : vector<16xi1>, vector<16xi32>
        %swap3A_649 = arith.constant 1 : i32
        %swap3A_650 = arith.index_cast %swap3A_649 : i32 to index
        %swap3A_651 = arith.constant 0 : index
        %swap3A_652 = tpu.vector_load %arg9[%swap3A_650, %swap3A_651] {strides = array<i32>} : memref<4x64xi32, #tpu.memory_space<vmem>>, vector<1x16xi32>,
        %swap3A_653 = vector.shape_cast %swap3A_652 : vector<1x16xi32> to vector<16xi32>
        %swap3A_654 = vector.shape_cast %select_n3A_648 : vector<16xi32> to vector<1x16xi32>
        tpu.vector_store %arg9[%swap3A_650, %swap3A_651], %swap3A_654 {strides = array<i32>} : memref<4x64xi32, #tpu.memory_space<vmem>>, vector<1x16xi32>,
        %mul3A_655 = arith.constant 64 : i32
        %mul3A_656 = arith.muli %add3A_621, %mul3A_655 : i32
        %add3A_657 = arith.constant 16 : i32
        %add3A_658 = arith.addi %mul3A_656, %add3A_657 : i32
        %get3A_659 = arith.index_cast %add3A_658 : i32 to index
        %get3A_660 = tpu.vector_load %arg7[%get3A_659] {strides = array<i32>} : memref<20000xi32, #tpu.memory_space<vmem>>, vector<16xi32>,
        %get3A_661 = vector.shape_cast %get3A_660 : vector<16xi32> to vector<16xi32>
        %sub3A_662 = vector.broadcast %mul3A_2 : i32 to vector<16xi32>
        %sub3A_663 = arith.subi %get3A_661, %sub3A_662 : vector<16xi32>
        %ge3A_664 = arith.constant 0 : i32
        %ge3A_665 = vector.broadcast %ge3A_664 : i32 to vector<16xi32>
        %ge3A_666 = arith.cmpi sge, %sub3A_663, %ge3A_665 : vector<16xi32>
        %lt3A_667 = arith.constant 5120 : i32
        %lt3A_668 = vector.broadcast %lt3A_667 : i32 to vector<16xi32>
        %lt3A_669 = arith.cmpi slt, %sub3A_663, %lt3A_668 : vector<16xi32>
        %and3A_670 = arith.andi %ge3A_666, %lt3A_669 : vector<16xi1>
        %get3A_671 = arith.index_cast %add3A_658 : i32 to index
        %get3A_672 = tpu.vector_load %arg6[%get3A_671] {strides = array<i32>} : memref<20000xi32, #tpu.memory_space<vmem>>, vector<16xi32>,
        %get3A_673 = vector.shape_cast %get3A_672 : vector<16xi32> to vector<16xi32>
        %select_n3A_674 = arith.select %and3A_670, %get3A_673, %broadcast_in_dim3A_5 : vector<16xi1>, vector<16xi32>
        %swap3A_675 = arith.constant 1 : i32
        %swap3A_676 = arith.index_cast %swap3A_675 : i32 to index
        %swap3A_677 = arith.constant 16 : index
        %swap3A_678 = tpu.vector_load %arg8[%swap3A_676, %swap3A_677] {strides = array<i32>} : memref<4x64xi32, #tpu.memory_space<vmem>>, vector<1x16xi32>,
        %swap3A_679 = vector.shape_cast %swap3A_678 : vector<1x16xi32> to vector<16xi32>
        %swap3A_680 = vector.shape_cast %select_n3A_674 : vector<16xi32> to vector<1x16xi32>
        tpu.vector_store %arg8[%swap3A_676, %swap3A_677], %swap3A_680 {strides = array<i32>} : memref<4x64xi32, #tpu.memory_space<vmem>>, vector<1x16xi32>,
        %select_n3A_681 = arith.select %and3A_670, %sub3A_663, %broadcast_in_dim3A_5 : vector<16xi1>, vector<16xi32>
        %swap3A_682 = arith.constant 1 : i32
        %swap3A_683 = arith.index_cast %swap3A_682 : i32 to index
        %swap3A_684 = arith.constant 16 : index
        %swap3A_685 = tpu.vector_load %arg9[%swap3A_683, %swap3A_684] {strides = array<i32>} : memref<4x64xi32, #tpu.memory_space<vmem>>, vector<1x16xi32>,
        %swap3A_686 = vector.shape_cast %swap3A_685 : vector<1x16xi32> to vector<16xi32>
        %swap3A_687 = vector.shape_cast %select_n3A_681 : vector<16xi32> to vector<1x16xi32>
        tpu.vector_store %arg9[%swap3A_683, %swap3A_684], %swap3A_687 {strides = array<i32>} : memref<4x64xi32, #tpu.memory_space<vmem>>, vector<1x16xi32>,
        %mul3A_688 = arith.constant 64 : i32
        %mul3A_689 = arith.muli %add3A_621, %mul3A_688 : i32
        %add3A_690 = arith.constant 32 : i32
        %add3A_691 = arith.addi %mul3A_689, %add3A_690 : i32
        %get3A_692 = arith.index_cast %add3A_691 : i32 to index
        %get3A_693 = tpu.vector_load %arg7[%get3A_692] {strides = array<i32>} : memref<20000xi32, #tpu.memory_space<vmem>>, vector<16xi32>,
        %get3A_694 = vector.shape_cast %get3A_693 : vector<16xi32> to vector<16xi32>
        %sub3A_695 = vector.broadcast %mul3A_2 : i32 to vector<16xi32>
        %sub3A_696 = arith.subi %get3A_694, %sub3A_695 : vector<16xi32>
        %ge3A_697 = arith.constant 0 : i32
        %ge3A_698 = vector.broadcast %ge3A_697 : i32 to vector<16xi32>
        %ge3A_699 = arith.cmpi sge, %sub3A_696, %ge3A_698 : vector<16xi32>
        %lt3A_700 = arith.constant 5120 : i32
        %lt3A_701 = vector.broadcast %lt3A_700 : i32 to vector<16xi32>
        %lt3A_702 = arith.cmpi slt, %sub3A_696, %lt3A_701 : vector<16xi32>
        %and3A_703 = arith.andi %ge3A_699, %lt3A_702 : vector<16xi1>
        %get3A_704 = arith.index_cast %add3A_691 : i32 to index
        %get3A_705 = tpu.vector_load %arg6[%get3A_704] {strides = array<i32>} : memref<20000xi32, #tpu.memory_space<vmem>>, vector<16xi32>,
        %get3A_706 = vector.shape_cast %get3A_705 : vector<16xi32> to vector<16xi32>
        %select_n3A_707 = arith.select %and3A_703, %get3A_706, %broadcast_in_dim3A_5 : vector<16xi1>, vector<16xi32>
        %swap3A_708 = arith.constant 1 : i32
        %swap3A_709 = arith.index_cast %swap3A_708 : i32 to index
        %swap3A_710 = arith.constant 32 : index
        %swap3A_711 = tpu.vector_load %arg8[%swap3A_709, %swap3A_710] {strides = array<i32>} : memref<4x64xi32, #tpu.memory_space<vmem>>, vector<1x16xi32>,
        %swap3A_712 = vector.shape_cast %swap3A_711 : vector<1x16xi32> to vector<16xi32>
        %swap3A_713 = vector.shape_cast %select_n3A_707 : vector<16xi32> to vector<1x16xi32>
        tpu.vector_store %arg8[%swap3A_709, %swap3A_710], %swap3A_713 {strides = array<i32>} : memref<4x64xi32, #tpu.memory_space<vmem>>, vector<1x16xi32>,
        %select_n3A_714 = arith.select %and3A_703, %sub3A_696, %broadcast_in_dim3A_5 : vector<16xi1>, vector<16xi32>
        %swap3A_715 = arith.constant 1 : i32
        %swap3A_716 = arith.index_cast %swap3A_715 : i32 to index
        %swap3A_717 = arith.constant 32 : index
        %swap3A_718 = tpu.vector_load %arg9[%swap3A_716, %swap3A_717] {strides = array<i32>} : memref<4x64xi32, #tpu.memory_space<vmem>>, vector<1x16xi32>,
        %swap3A_719 = vector.shape_cast %swap3A_718 : vector<1x16xi32> to vector<16xi32>
        %swap3A_720 = vector.shape_cast %select_n3A_714 : vector<16xi32> to vector<1x16xi32>
        tpu.vector_store %arg9[%swap3A_716, %swap3A_717], %swap3A_720 {strides = array<i32>} : memref<4x64xi32, #tpu.memory_space<vmem>>, vector<1x16xi32>,
        %mul3A_721 = arith.constant 64 : i32
        %mul3A_722 = arith.muli %add3A_621, %mul3A_721 : i32
        %add3A_723 = arith.constant 48 : i32
        %add3A_724 = arith.addi %mul3A_722, %add3A_723 : i32
        %get3A_725 = arith.index_cast %add3A_724 : i32 to index
        %get3A_726 = tpu.vector_load %arg7[%get3A_725] {strides = array<i32>} : memref<20000xi32, #tpu.memory_space<vmem>>, vector<16xi32>,
        %get3A_727 = vector.shape_cast %get3A_726 : vector<16xi32> to vector<16xi32>
        %sub3A_728 = vector.broadcast %mul3A_2 : i32 to vector<16xi32>
        %sub3A_729 = arith.subi %get3A_727, %sub3A_728 : vector<16xi32>
        %ge3A_730 = arith.constant 0 : i32
        %ge3A_731 = vector.broadcast %ge3A_730 : i32 to vector<16xi32>
        %ge3A_732 = arith.cmpi sge, %sub3A_729, %ge3A_731 : vector<16xi32>
        %lt3A_733 = arith.constant 5120 : i32
        %lt3A_734 = vector.broadcast %lt3A_733 : i32 to vector<16xi32>
        %lt3A_735 = arith.cmpi slt, %sub3A_729, %lt3A_734 : vector<16xi32>
        %and3A_736 = arith.andi %ge3A_732, %lt3A_735 : vector<16xi1>
        %get3A_737 = arith.index_cast %add3A_724 : i32 to index
        %get3A_738 = tpu.vector_load %arg6[%get3A_737] {strides = array<i32>} : memref<20000xi32, #tpu.memory_space<vmem>>, vector<16xi32>,
        %get3A_739 = vector.shape_cast %get3A_738 : vector<16xi32> to vector<16xi32>
        %select_n3A_740 = arith.select %and3A_736, %get3A_739, %broadcast_in_dim3A_5 : vector<16xi1>, vector<16xi32>
        %swap3A_741 = arith.constant 1 : i32
        %swap3A_742 = arith.index_cast %swap3A_741 : i32 to index
        %swap3A_743 = arith.constant 48 : index
        %swap3A_744 = tpu.vector_load %arg8[%swap3A_742, %swap3A_743] {strides = array<i32>} : memref<4x64xi32, #tpu.memory_space<vmem>>, vector<1x16xi32>,
        %swap3A_745 = vector.shape_cast %swap3A_744 : vector<1x16xi32> to vector<16xi32>
        %swap3A_746 = vector.shape_cast %select_n3A_740 : vector<16xi32> to vector<1x16xi32>
        tpu.vector_store %arg8[%swap3A_742, %swap3A_743], %swap3A_746 {strides = array<i32>} : memref<4x64xi32, #tpu.memory_space<vmem>>, vector<1x16xi32>,
        %select_n3A_747 = arith.select %and3A_736, %sub3A_729, %broadcast_in_dim3A_5 : vector<16xi1>, vector<16xi32>
        %swap3A_748 = arith.constant 1 : i32
        %swap3A_749 = arith.index_cast %swap3A_748 : i32 to index
        %swap3A_750 = arith.constant 48 : index
        %swap3A_751 = tpu.vector_load %arg9[%swap3A_749, %swap3A_750] {strides = array<i32>} : memref<4x64xi32, #tpu.memory_space<vmem>>, vector<1x16xi32>,
        %swap3A_752 = vector.shape_cast %swap3A_751 : vector<1x16xi32> to vector<16xi32>
        %swap3A_753 = vector.shape_cast %select_n3A_747 : vector<16xi32> to vector<1x16xi32>
        tpu.vector_store %arg9[%swap3A_749, %swap3A_750], %swap3A_753 {strides = array<i32>} : memref<4x64xi32, #tpu.memory_space<vmem>>, vector<1x16xi32>,
      } else {
      }
      %dma_wait3A_588 = arith.constant 3 : i32
      %dma_wait3A_589 = arith.constant 3 : i32
      %dma_wait3A_590 = arith.constant 0 : i32
      %dma_wait3A_591 = arith.constant 0 : i32
      %dma_wait3A_592 = tpu.memref_slice %arg11[%dma_wait3A_589, %dma_wait3A_590, %dma_wait3A_591] : memref<4x64x128xf32, #tpu.memory_space<vmem>> -> memref<1x64x128xf32, #tpu.memory_space<vmem>>
      %dma_wait3A_593 = tpu.memref_squeeze %dma_wait3A_592 : memref<1x64x128xf32, #tpu.memory_space<vmem>> -> memref<64x128xf32, #tpu.memory_space<vmem>>
      %dma_wait3A_594 = arith.constant 0 : i32
      %dma_wait3A_595 = tpu.memref_slice %arg8[%dma_wait3A_588, %dma_wait3A_594] : memref<4x64xi32, #tpu.memory_space<vmem>> -> memref<1x64xi32, #tpu.memory_space<vmem>>
      %dma_wait3A_596 = tpu.memref_squeeze %dma_wait3A_595 : memref<1x64xi32, #tpu.memory_space<vmem>> -> memref<64xi32, #tpu.memory_space<vmem>>
      %dma_wait3A_597 = arith.constant 0 : i32
      %dma_wait3A_598 = arith.constant 0 : i32
      %dma_wait3A_599 = tpu.memref_slice %arg2[%dma_wait3A_597, %dma_wait3A_598] : memref<10000x128xf32, #tpu.memory_space<hbm>> -> memref<10000x128xf32, #tpu.memory_space<hbm>>
      tpu.wait_indirect_dma semaphore(%arg17 : memref<!tpu.dma_semaphore, #tpu.memory_space<semaphore_mem>>) src(%dma_wait3A_599 : memref<10000x128xf32, #tpu.memory_space<hbm>>) dst(%dma_wait3A_593 : memref<64x128xf32, #tpu.memory_space<vmem>>)
      %dma_start3A_600 = arith.constant 3 : i32
      %dma_start3A_601 = arith.constant 3 : i32
      %dma_start3A_602 = arith.constant 0 : i32
      %dma_start3A_603 = arith.constant 0 : i32
      %dma_start3A_604 = tpu.memref_slice %arg11[%dma_start3A_600, %dma_start3A_602, %dma_start3A_603] : memref<4x64x128xf32, #tpu.memory_space<vmem>> -> memref<1x64x128xf32, #tpu.memory_space<vmem>>
      %dma_start3A_605 = tpu.memref_squeeze %dma_start3A_604 : memref<1x64x128xf32, #tpu.memory_space<vmem>> -> memref<64x128xf32, #tpu.memory_space<vmem>>
      %dma_start3A_606 = arith.constant 0 : i32
      %dma_start3A_607 = tpu.memref_slice %arg9[%dma_start3A_601, %dma_start3A_606] : memref<4x64xi32, #tpu.memory_space<vmem>> -> memref<1x64xi32, #tpu.memory_space<vmem>>
      %dma_start3A_608 = tpu.memref_squeeze %dma_start3A_607 : memref<1x64xi32, #tpu.memory_space<vmem>> -> memref<64xi32, #tpu.memory_space<vmem>>
      %dma_start3A_609 = arith.constant 0 : i32
      %dma_start3A_610 = arith.constant 0 : i32
      %dma_start3A_611 = tpu.memref_slice %arg13[%dma_start3A_609, %dma_start3A_610] : memref<5120x128xf32, #tpu.memory_space<vmem_shared>> -> memref<5120x128xf32, #tpu.memory_space<vmem_shared>>
      %dma_start3A_612 = arith.constant -1 : i32
      tpu.enqueue_indirect_dma source(%dma_start3A_605 : memref<64x128xf32, #tpu.memory_space<vmem>>) target(%dma_start3A_611 : memref<5120x128xf32, #tpu.memory_space<vmem_shared>>) offsets(%dma_start3A_608 : memref<64xi32, #tpu.memory_space<vmem>>) offset_filter(%dma_start3A_612) semaphore(%arg21 : memref<!tpu.dma_semaphore, #tpu.memory_space<semaphore_mem>>) {add = true}
      %add3A_613 = arith.constant 2 : i32
      %add3A_614 = arith.addi %add3A_575, %add3A_613 : i32
      %lt3A_615 = arith.constant 312 : i32
      %lt3A_616 = arith.cmpi slt, %add3A_614, %lt3A_615 : i32
      %convert_element_type3A_617 = arith.extui %lt3A_616 : i1 to i32
      %cond3A_618 = arith.constant 0 : i32
      %cond3A_619 = arith.cmpi ne, %convert_element_type3A_617, %cond3A_618 : i32
      scf.if %cond3A_619 {
        %dma_start3A_620 = arith.constant 1 : i32
        %dma_start3A_621 = arith.constant 1 : i32
        %dma_start3A_622 = arith.constant 0 : i32
        %dma_start3A_623 = arith.constant 0 : i32
        %dma_start3A_624 = tpu.memref_slice %arg11[%dma_start3A_621, %dma_start3A_622, %dma_start3A_623] : memref<4x64x128xf32, #tpu.memory_space<vmem>> -> memref<1x64x128xf32, #tpu.memory_space<vmem>>
        %dma_start3A_625 = tpu.memref_squeeze %dma_start3A_624 : memref<1x64x128xf32, #tpu.memory_space<vmem>> -> memref<64x128xf32, #tpu.memory_space<vmem>>
        %dma_start3A_626 = arith.constant 0 : i32
        %dma_start3A_627 = tpu.memref_slice %arg8[%dma_start3A_620, %dma_start3A_626] : memref<4x64xi32, #tpu.memory_space<vmem>> -> memref<1x64xi32, #tpu.memory_space<vmem>>
        %dma_start3A_628 = tpu.memref_squeeze %dma_start3A_627 : memref<1x64xi32, #tpu.memory_space<vmem>> -> memref<64xi32, #tpu.memory_space<vmem>>
        %dma_start3A_629 = arith.constant 0 : i32
        %dma_start3A_630 = arith.constant 0 : i32
        %dma_start3A_631 = tpu.memref_slice %arg2[%dma_start3A_629, %dma_start3A_630] : memref<10000x128xf32, #tpu.memory_space<hbm>> -> memref<10000x128xf32, #tpu.memory_space<hbm>>
        %dma_start3A_632 = arith.constant -1 : i32
        tpu.enqueue_indirect_dma source(%dma_start3A_631 : memref<10000x128xf32, #tpu.memory_space<hbm>>) target(%dma_start3A_625 : memref<64x128xf32, #tpu.memory_space<vmem>>) offsets(%dma_start3A_628 : memref<64xi32, #tpu.memory_space<vmem>>) offset_filter(%dma_start3A_632) semaphore(%arg15 : memref<!tpu.dma_semaphore, #tpu.memory_space<semaphore_mem>>)
      } else {
      }
    }
    %scan3A_281 = arith.constant 78 : i32
    %dma_wait3A = arith.constant 2 : i32
    %dma_wait3A_282 = arith.constant 2 : i32
    %dma_wait3A_283 = arith.constant 0 : i32
    %dma_wait3A_284 = arith.constant 0 : i32
    %dma_wait3A_285 = tpu.memref_slice %arg11[%dma_wait3A, %dma_wait3A_283, %dma_wait3A_284] : memref<4x64x128xf32, #tpu.memory_space<vmem>> -> memref<1x64x128xf32, #tpu.memory_space<vmem>>
    %dma_wait3A_286 = tpu.memref_squeeze %dma_wait3A_285 : memref<1x64x128xf32, #tpu.memory_space<vmem>> -> memref<64x128xf32, #tpu.memory_space<vmem>>
    %dma_wait3A_287 = arith.constant 0 : i32
    %dma_wait3A_288 = tpu.memref_slice %arg9[%dma_wait3A_282, %dma_wait3A_287] : memref<4x64xi32, #tpu.memory_space<vmem>> -> memref<1x64xi32, #tpu.memory_space<vmem>>
    %dma_wait3A_289 = tpu.memref_squeeze %dma_wait3A_288 : memref<1x64xi32, #tpu.memory_space<vmem>> -> memref<64xi32, #tpu.memory_space<vmem>>
    %dma_wait3A_290 = arith.constant 0 : i32
    %dma_wait3A_291 = arith.constant 0 : i32
    %dma_wait3A_292 = tpu.memref_slice %arg13[%dma_wait3A_290, %dma_wait3A_291] : memref<5120x128xf32, #tpu.memory_space<vmem_shared>> -> memref<5120x128xf32, #tpu.memory_space<vmem_shared>>
    tpu.wait_indirect_dma semaphore(%arg20 : memref<!tpu.dma_semaphore, #tpu.memory_space<semaphore_mem>>) src(%dma_wait3A_286 : memref<64x128xf32, #tpu.memory_space<vmem>>) dst(%dma_wait3A_292 : memref<5120x128xf32, #tpu.memory_space<vmem_shared>>)
    %dma_wait3A_293 = arith.constant 3 : i32
    %dma_wait3A_294 = arith.constant 3 : i32
    %dma_wait3A_295 = arith.constant 0 : i32
    %dma_wait3A_296 = arith.constant 0 : i32
    %dma_wait3A_297 = tpu.memref_slice %arg11[%dma_wait3A_293, %dma_wait3A_295, %dma_wait3A_296] : memref<4x64x128xf32, #tpu.memory_space<vmem>> -> memref<1x64x128xf32, #tpu.memory_space<vmem>>
    %dma_wait3A_298 = tpu.memref_squeeze %dma_wait3A_297 : memref<1x64x128xf32, #tpu.memory_space<vmem>> -> memref<64x128xf32, #tpu.memory_space<vmem>>
    %dma_wait3A_299 = arith.constant 0 : i32
    %dma_wait3A_300 = tpu.memref_slice %arg9[%dma_wait3A_294, %dma_wait3A_299] : memref<4x64xi32, #tpu.memory_space<vmem>> -> memref<1x64xi32, #tpu.memory_space<vmem>>
    %dma_wait3A_301 = tpu.memref_squeeze %dma_wait3A_300 : memref<1x64xi32, #tpu.memory_space<vmem>> -> memref<64xi32, #tpu.memory_space<vmem>>
    %dma_wait3A_302 = arith.constant 0 : i32
    %dma_wait3A_303 = arith.constant 0 : i32
    %dma_wait3A_304 = tpu.memref_slice %arg13[%dma_wait3A_302, %dma_wait3A_303] : memref<5120x128xf32, #tpu.memory_space<vmem_shared>> -> memref<5120x128xf32, #tpu.memory_space<vmem_shared>>
    tpu.wait_indirect_dma semaphore(%arg21 : memref<!tpu.dma_semaphore, #tpu.memory_space<semaphore_mem>>) src(%dma_wait3A_298 : memref<64x128xf32, #tpu.memory_space<vmem>>) dst(%dma_wait3A_304 : memref<5120x128xf32, #tpu.memory_space<vmem_shared>>)
    %get3A_305 = arith.constant 19968 : index
    %get3A_306 = tpu.vector_load %arg7[%get3A_305] {strides = array<i32>} : memref<20000xi32, #tpu.memory_space<vmem>>, vector<16xi32>,
    %get3A_307 = vector.shape_cast %get3A_306 : vector<16xi32> to vector<16xi32>
    %sub3A_308 = vector.broadcast %mul3A_2 : i32 to vector<16xi32>
    %sub3A_309 = arith.subi %get3A_307, %sub3A_308 : vector<16xi32>
    %ge3A_310 = arith.constant 0 : i32
    %ge3A_311 = vector.broadcast %ge3A_310 : i32 to vector<16xi32>
    %ge3A_312 = arith.cmpi sge, %sub3A_309, %ge3A_311 : vector<16xi32>
    %lt3A_313 = arith.constant 5120 : i32
    %lt3A_314 = vector.broadcast %lt3A_313 : i32 to vector<16xi32>
    %lt3A_315 = arith.cmpi slt, %sub3A_309, %lt3A_314 : vector<16xi32>
    %and3A_316 = arith.andi %ge3A_312, %lt3A_315 : vector<16xi1>
    %get3A_317 = arith.constant 19968 : index
    %get3A_318 = tpu.vector_load %arg6[%get3A_317] {strides = array<i32>} : memref<20000xi32, #tpu.memory_space<vmem>>, vector<16xi32>,
    %get3A_319 = vector.shape_cast %get3A_318 : vector<16xi32> to vector<16xi32>
    %select_n3A_320 = arith.select %and3A_316, %get3A_319, %broadcast_in_dim3A_5 : vector<16xi1>, vector<16xi32>
    %swap3A_321 = arith.constant 0 : i32
    %swap3A_322 = arith.index_cast %swap3A_321 : i32 to index
    %swap3A_323 = arith.constant 0 : index
    %swap3A_324 = tpu.vector_load %arg10[%swap3A_322, %swap3A_323] {strides = array<i32>} : memref<2x32xi32, #tpu.memory_space<vmem>>, vector<1x16xi32>,
    %swap3A_325 = vector.shape_cast %swap3A_324 : vector<1x16xi32> to vector<16xi32>
    %swap3A_326 = vector.shape_cast %select_n3A_320 : vector<16xi32> to vector<1x16xi32>
    tpu.vector_store %arg10[%swap3A_322, %swap3A_323], %swap3A_326 {strides = array<i32>} : memref<2x32xi32, #tpu.memory_space<vmem>>, vector<1x16xi32>,
    %select_n3A_327 = arith.select %and3A_316, %sub3A_309, %broadcast_in_dim3A_5 : vector<16xi1>, vector<16xi32>
    %swap3A_328 = arith.constant 1 : i32
    %swap3A_329 = arith.index_cast %swap3A_328 : i32 to index
    %swap3A_330 = arith.constant 0 : index
    %swap3A_331 = tpu.vector_load %arg10[%swap3A_329, %swap3A_330] {strides = array<i32>} : memref<2x32xi32, #tpu.memory_space<vmem>>, vector<1x16xi32>,
    %swap3A_332 = vector.shape_cast %swap3A_331 : vector<1x16xi32> to vector<16xi32>
    %swap3A_333 = vector.shape_cast %select_n3A_327 : vector<16xi32> to vector<1x16xi32>
    tpu.vector_store %arg10[%swap3A_329, %swap3A_330], %swap3A_333 {strides = array<i32>} : memref<2x32xi32, #tpu.memory_space<vmem>>, vector<1x16xi32>,
    %get3A_334 = arith.constant 19984 : index
    %get3A_335 = tpu.vector_load %arg7[%get3A_334] {strides = array<i32>} : memref<20000xi32, #tpu.memory_space<vmem>>, vector<16xi32>,
    %get3A_336 = vector.shape_cast %get3A_335 : vector<16xi32> to vector<16xi32>
    %sub3A_337 = vector.broadcast %mul3A_2 : i32 to vector<16xi32>
    %sub3A_338 = arith.subi %get3A_336, %sub3A_337 : vector<16xi32>
    %ge3A_339 = arith.constant 0 : i32
    %ge3A_340 = vector.broadcast %ge3A_339 : i32 to vector<16xi32>
    %ge3A_341 = arith.cmpi sge, %sub3A_338, %ge3A_340 : vector<16xi32>
    %lt3A_342 = arith.constant 5120 : i32
    %lt3A_343 = vector.broadcast %lt3A_342 : i32 to vector<16xi32>
    %lt3A_344 = arith.cmpi slt, %sub3A_338, %lt3A_343 : vector<16xi32>
    %and3A_345 = arith.andi %ge3A_341, %lt3A_344 : vector<16xi1>
    %get3A_346 = arith.constant 19984 : index
    %get3A_347 = tpu.vector_load %arg6[%get3A_346] {strides = array<i32>} : memref<20000xi32, #tpu.memory_space<vmem>>, vector<16xi32>,
    %get3A_348 = vector.shape_cast %get3A_347 : vector<16xi32> to vector<16xi32>
    %select_n3A_349 = arith.select %and3A_345, %get3A_348, %broadcast_in_dim3A_5 : vector<16xi1>, vector<16xi32>
    %swap3A_350 = arith.constant 0 : i32
    %swap3A_351 = arith.index_cast %swap3A_350 : i32 to index
    %swap3A_352 = arith.constant 16 : index
    %swap3A_353 = tpu.vector_load %arg10[%swap3A_351, %swap3A_352] {strides = array<i32>} : memref<2x32xi32, #tpu.memory_space<vmem>>, vector<1x16xi32>,
    %swap3A_354 = vector.shape_cast %swap3A_353 : vector<1x16xi32> to vector<16xi32>
    %swap3A_355 = vector.shape_cast %select_n3A_349 : vector<16xi32> to vector<1x16xi32>
    tpu.vector_store %arg10[%swap3A_351, %swap3A_352], %swap3A_355 {strides = array<i32>} : memref<2x32xi32, #tpu.memory_space<vmem>>, vector<1x16xi32>,
    %select_n3A_356 = arith.select %and3A_345, %sub3A_338, %broadcast_in_dim3A_5 : vector<16xi1>, vector<16xi32>
    %swap3A_357 = arith.constant 1 : i32
    %swap3A_358 = arith.index_cast %swap3A_357 : i32 to index
    %swap3A_359 = arith.constant 16 : index
    %swap3A_360 = tpu.vector_load %arg10[%swap3A_358, %swap3A_359] {strides = array<i32>} : memref<2x32xi32, #tpu.memory_space<vmem>>, vector<1x16xi32>,
    %swap3A_361 = vector.shape_cast %swap3A_360 : vector<1x16xi32> to vector<16xi32>
    %swap3A_362 = vector.shape_cast %select_n3A_356 : vector<16xi32> to vector<1x16xi32>
    tpu.vector_store %arg10[%swap3A_358, %swap3A_359], %swap3A_362 {strides = array<i32>} : memref<2x32xi32, #tpu.memory_space<vmem>>, vector<1x16xi32>,
    %dma_start3A_363 = arith.constant 0 : i32
    %dma_start3A_364 = arith.constant 0 : i32
    %dma_start3A_365 = tpu.memref_slice %arg10[%dma_start3A_363, %dma_start3A_364] : memref<2x32xi32, #tpu.memory_space<vmem>> -> memref<1x32xi32, #tpu.memory_space<vmem>>
    %dma_start3A_366 = tpu.memref_squeeze %dma_start3A_365 : memref<1x32xi32, #tpu.memory_space<vmem>> -> memref<32xi32, #tpu.memory_space<vmem>>
    %dma_start3A_367 = arith.constant 0 : i32
    %dma_start3A_368 = arith.constant 0 : i32
    %dma_start3A_369 = tpu.memref_slice %arg2[%dma_start3A_367, %dma_start3A_368] : memref<10000x128xf32, #tpu.memory_space<hbm>> -> memref<10000x128xf32, #tpu.memory_space<hbm>>
    %dma_start3A_370 = arith.constant -1 : i32
    tpu.enqueue_indirect_dma source(%dma_start3A_369 : memref<10000x128xf32, #tpu.memory_space<hbm>>) target(%arg12 : memref<32x128xf32, #tpu.memory_space<vmem>>) offsets(%dma_start3A_366 : memref<32xi32, #tpu.memory_space<vmem>>) offset_filter(%dma_start3A_370) semaphore(%arg14 : memref<!tpu.dma_semaphore, #tpu.memory_space<semaphore_mem>>)
    %dma_wait3A_371 = arith.constant 0 : i32
    %dma_wait3A_372 = arith.constant 0 : i32
    %dma_wait3A_373 = tpu.memref_slice %arg10[%dma_wait3A_371, %dma_wait3A_372] : memref<2x32xi32, #tpu.memory_space<vmem>> -> memref<1x32xi32, #tpu.memory_space<vmem>>
    %dma_wait3A_374 = tpu.memref_squeeze %dma_wait3A_373 : memref<1x32xi32, #tpu.memory_space<vmem>> -> memref<32xi32, #tpu.memory_space<vmem>>
    %dma_wait3A_375 = arith.constant 0 : i32
    %dma_wait3A_376 = arith.constant 0 : i32
    %dma_wait3A_377 = tpu.memref_slice %arg2[%dma_wait3A_375, %dma_wait3A_376] : memref<10000x128xf32, #tpu.memory_space<hbm>> -> memref<10000x128xf32, #tpu.memory_space<hbm>>
    tpu.wait_indirect_dma semaphore(%arg14 : memref<!tpu.dma_semaphore, #tpu.memory_space<semaphore_mem>>) src(%dma_wait3A_377 : memref<10000x128xf32, #tpu.memory_space<hbm>>) dst(%arg12 : memref<32x128xf32, #tpu.memory_space<vmem>>)
    %dma_start3A_378 = arith.constant 1 : i32
    %dma_start3A_379 = arith.constant 0 : i32
    %dma_start3A_380 = tpu.memref_slice %arg10[%dma_start3A_378, %dma_start3A_379] : memref<2x32xi32, #tpu.memory_space<vmem>> -> memref<1x32xi32, #tpu.memory_space<vmem>>
    %dma_start3A_381 = tpu.memref_squeeze %dma_start3A_380 : memref<1x32xi32, #tpu.memory_space<vmem>> -> memref<32xi32, #tpu.memory_space<vmem>>
    %dma_start3A_382 = arith.constant 0 : i32
    %dma_start3A_383 = arith.constant 0 : i32
    %dma_start3A_384 = tpu.memref_slice %arg13[%dma_start3A_382, %dma_start3A_383] : memref<5120x128xf32, #tpu.memory_space<vmem_shared>> -> memref<5120x128xf32, #tpu.memory_space<vmem_shared>>
    %dma_start3A_385 = arith.constant -1 : i32
    tpu.enqueue_indirect_dma source(%arg12 : memref<32x128xf32, #tpu.memory_space<vmem>>) target(%dma_start3A_384 : memref<5120x128xf32, #tpu.memory_space<vmem_shared>>) offsets(%dma_start3A_381 : memref<32xi32, #tpu.memory_space<vmem>>) offset_filter(%dma_start3A_385) semaphore(%arg18 : memref<!tpu.dma_semaphore, #tpu.memory_space<semaphore_mem>>) {add = true}
    %dma_wait3A_386 = arith.constant 1 : i32
    %dma_wait3A_387 = arith.constant 0 : i32
    %dma_wait3A_388 = tpu.memref_slice %arg10[%dma_wait3A_386, %dma_wait3A_387] : memref<2x32xi32, #tpu.memory_space<vmem>> -> memref<1x32xi32, #tpu.memory_space<vmem>>
    %dma_wait3A_389 = tpu.memref_squeeze %dma_wait3A_388 : memref<1x32xi32, #tpu.memory_space<vmem>> -> memref<32xi32, #tpu.memory_space<vmem>>
    %dma_wait3A_390 = arith.constant 0 : i32
    %dma_wait3A_391 = arith.constant 0 : i32
    %dma_wait3A_392 = tpu.memref_slice %arg13[%dma_wait3A_390, %dma_wait3A_391] : memref<5120x128xf32, #tpu.memory_space<vmem_shared>> -> memref<5120x128xf32, #tpu.memory_space<vmem_shared>>
    tpu.wait_indirect_dma semaphore(%arg18 : memref<!tpu.dma_semaphore, #tpu.memory_space<semaphore_mem>>) src(%arg12 : memref<32x128xf32, #tpu.memory_space<vmem>>) dst(%dma_wait3A_392 : memref<5120x128xf32, #tpu.memory_space<vmem_shared>>)
    %barrier3A_393 = arith.constant 0 : index
    tpu.barrier barrier_id(%barrier3A_393)
    %add3A_394 = arith.constant 0 : i32
    %add3A_395 = arith.addi %mul3A_0, %add3A_394 : i32
    %run_scoped3A_396 = arith.constant 0 : i32
    "tpu.region"() ({
      %run_scoped3A_429 = tpu.sem_alloc : memref<!tpu.dma_semaphore, #tpu.memory_space<semaphore_mem>>
      %dma_start3A_430 = arith.constant 0 : i32
      %dma_start3A_431 = arith.constant 0 : i32
      %dma_start3A_432 = tpu.memref_slice %arg11[%run_scoped3A_396, %dma_start3A_430, %dma_start3A_431] : memref<4x64x128xf32, #tpu.memory_space<vmem>> -> memref<1x64x128xf32, #tpu.memory_space<vmem>>
      %dma_start3A_433 = tpu.memref_squeeze %dma_start3A_432 : memref<1x64x128xf32, #tpu.memory_space<vmem>> -> memref<64x128xf32, #tpu.memory_space<vmem>>
      %dma_start3A_434 = arith.constant 0 : i32
      %dma_start3A_435 = tpu.memref_slice %arg13[%add3A_395, %dma_start3A_434] : memref<5120x128xf32, #tpu.memory_space<vmem_shared>> -> memref<64x128xf32, #tpu.memory_space<vmem_shared>>
      %dma_start3A_436 = arith.constant 0 : i32
      %dma_start3A_437 = arith.constant 0 : i32
      %dma_start3A_438 = tpu.memref_slice %arg11[%run_scoped3A_396, %dma_start3A_436, %dma_start3A_437] : memref<4x64x128xf32, #tpu.memory_space<vmem>> -> memref<1x64x128xf32, #tpu.memory_space<vmem>>
      %dma_start3A_439 = tpu.memref_squeeze %dma_start3A_438 : memref<1x64x128xf32, #tpu.memory_space<vmem>> -> memref<64x128xf32, #tpu.memory_space<vmem>>
      %dma_start3A_440 = arith.constant 0 : i32
      %dma_start3A_441 = tpu.memref_slice %arg13[%add3A_395, %dma_start3A_440] : memref<5120x128xf32, #tpu.memory_space<vmem_shared>> -> memref<64x128xf32, #tpu.memory_space<vmem_shared>>
      tpu.enqueue_dma source(%dma_start3A_441 : memref<64x128xf32, #tpu.memory_space<vmem_shared>>) target(%dma_start3A_439 : memref<64x128xf32, #tpu.memory_space<vmem>>) target_semaphore(%run_scoped3A_429 : memref<!tpu.dma_semaphore, #tpu.memory_space<semaphore_mem>>)
      %dma_wait3A_442 = arith.constant 0 : i32
      %dma_wait3A_443 = arith.constant 0 : i32
      %dma_wait3A_444 = tpu.memref_slice %arg11[%run_scoped3A_396, %dma_wait3A_442, %dma_wait3A_443] : memref<4x64x128xf32, #tpu.memory_space<vmem>> -> memref<1x64x128xf32, #tpu.memory_space<vmem>>
      %dma_wait3A_445 = tpu.memref_squeeze %dma_wait3A_444 : memref<1x64x128xf32, #tpu.memory_space<vmem>> -> memref<64x128xf32, #tpu.memory_space<vmem>>
      %dma_wait3A_446 = arith.constant 0 : i32
      %dma_wait3A_447 = tpu.memref_slice %arg13[%add3A_395, %dma_wait3A_446] : memref<5120x128xf32, #tpu.memory_space<vmem_shared>> -> memref<64x128xf32, #tpu.memory_space<vmem_shared>>
      %dma_wait3A_448 = arith.constant 0 : i32
      %dma_wait3A_449 = arith.constant 0 : i32
      %dma_wait3A_450 = tpu.memref_slice %arg11[%run_scoped3A_396, %dma_wait3A_448, %dma_wait3A_449] : memref<4x64x128xf32, #tpu.memory_space<vmem>> -> memref<1x64x128xf32, #tpu.memory_space<vmem>>
      %dma_wait3A_451 = tpu.memref_squeeze %dma_wait3A_450 : memref<1x64x128xf32, #tpu.memory_space<vmem>> -> memref<64x128xf32, #tpu.memory_space<vmem>>
      %dma_wait3A_452 = arith.constant 0 : i32
      %dma_wait3A_453 = tpu.memref_slice %arg13[%add3A_395, %dma_wait3A_452] : memref<5120x128xf32, #tpu.memory_space<vmem_shared>> -> memref<64x128xf32, #tpu.memory_space<vmem_shared>>
      tpu.wait_dma2 semaphore(%run_scoped3A_429 : memref<!tpu.dma_semaphore, #tpu.memory_space<semaphore_mem>>) src(%dma_wait3A_453 : memref<64x128xf32, #tpu.memory_space<vmem_shared>>) dst(%dma_wait3A_451 : memref<64x128xf32, #tpu.memory_space<vmem>>)
      tpu.yield
    }) : () -> ()
    %add3A_397 = arith.addi %mul3A_2, %mul3A_0 : i32
    %add3A_398 = arith.constant 0 : i32
    %add3A_399 = arith.addi %add3A_397, %add3A_398 : i32
    %run_scoped3A_400 = arith.constant 0 : i32
    "tpu.region"() ({
      %run_scoped3A_429 = tpu.sem_alloc : memref<!tpu.dma_semaphore, #tpu.memory_space<semaphore_mem>>
      %dma_start3A_430 = arith.constant 0 : i32
      %dma_start3A_431 = arith.constant 0 : i32
      %dma_start3A_432 = tpu.memref_slice %arg11[%run_scoped3A_400, %dma_start3A_430, %dma_start3A_431] : memref<4x64x128xf32, #tpu.memory_space<vmem>> -> memref<1x64x128xf32, #tpu.memory_space<vmem>>
      %dma_start3A_433 = tpu.memref_squeeze %dma_start3A_432 : memref<1x64x128xf32, #tpu.memory_space<vmem>> -> memref<64x128xf32, #tpu.memory_space<vmem>>
      %dma_start3A_434 = arith.constant 0 : i32
      %dma_start3A_435 = tpu.memref_slice %arg5[%add3A_399, %dma_start3A_434] : memref<10240x128xf32, #tpu.memory_space<hbm>> -> memref<64x128xf32, #tpu.memory_space<hbm>>
      %dma_start3A_436 = arith.constant 0 : i32
      %dma_start3A_437 = tpu.memref_slice %arg5[%add3A_399, %dma_start3A_436] : memref<10240x128xf32, #tpu.memory_space<hbm>> -> memref<64x128xf32, #tpu.memory_space<hbm>>
      %dma_start3A_438 = arith.constant 0 : i32
      %dma_start3A_439 = arith.constant 0 : i32
      %dma_start3A_440 = tpu.memref_slice %arg11[%run_scoped3A_400, %dma_start3A_438, %dma_start3A_439] : memref<4x64x128xf32, #tpu.memory_space<vmem>> -> memref<1x64x128xf32, #tpu.memory_space<vmem>>
      %dma_start3A_441 = tpu.memref_squeeze %dma_start3A_440 : memref<1x64x128xf32, #tpu.memory_space<vmem>> -> memref<64x128xf32, #tpu.memory_space<vmem>>
      tpu.enqueue_dma source(%dma_start3A_441 : memref<64x128xf32, #tpu.memory_space<vmem>>) target(%dma_start3A_437 : memref<64x128xf32, #tpu.memory_space<hbm>>) target_semaphore(%run_scoped3A_429 : memref<!tpu.dma_semaphore, #tpu.memory_space<semaphore_mem>>)
      %dma_wait3A_442 = arith.constant 0 : i32
      %dma_wait3A_443 = arith.constant 0 : i32
      %dma_wait3A_444 = tpu.memref_slice %arg11[%run_scoped3A_400, %dma_wait3A_442, %dma_wait3A_443] : memref<4x64x128xf32, #tpu.memory_space<vmem>> -> memref<1x64x128xf32, #tpu.memory_space<vmem>>
      %dma_wait3A_445 = tpu.memref_squeeze %dma_wait3A_444 : memref<1x64x128xf32, #tpu.memory_space<vmem>> -> memref<64x128xf32, #tpu.memory_space<vmem>>
      %dma_wait3A_446 = arith.constant 0 : i32
      %dma_wait3A_447 = tpu.memref_slice %arg5[%add3A_399, %dma_wait3A_446] : memref<10240x128xf32, #tpu.memory_space<hbm>> -> memref<64x128xf32, #tpu.memory_space<hbm>>
      %dma_wait3A_448 = arith.constant 0 : i32
      %dma_wait3A_449 = tpu.memref_slice %arg5[%add3A_399, %dma_wait3A_448] : memref<10240x128xf32, #tpu.memory_space<hbm>> -> memref<64x128xf32, #tpu.memory_space<hbm>>
      %dma_wait3A_450 = arith.constant 0 : i32
      %dma_wait3A_451 = arith.constant 0 : i32
      %dma_wait3A_452 = tpu.memref_slice %arg11[%run_scoped3A_400, %dma_wait3A_450, %dma_wait3A_451] : memref<4x64x128xf32, #tpu.memory_space<vmem>> -> memref<1x64x128xf32, #tpu.memory_space<vmem>>
      %dma_wait3A_453 = tpu.memref_squeeze %dma_wait3A_452 : memref<1x64x128xf32, #tpu.memory_space<vmem>> -> memref<64x128xf32, #tpu.memory_space<vmem>>
      tpu.wait_dma2 semaphore(%run_scoped3A_429 : memref<!tpu.dma_semaphore, #tpu.memory_space<semaphore_mem>>) src(%dma_wait3A_453 : memref<64x128xf32, #tpu.memory_space<vmem>>) dst(%dma_wait3A_449 : memref<64x128xf32, #tpu.memory_space<hbm>>)
      tpu.yield
    }) : () -> ()
    %add3A_401 = arith.constant 64 : i32
    %add3A_402 = arith.addi %mul3A_0, %add3A_401 : i32
    %run_scoped3A_403 = arith.constant 0 : i32
    "tpu.region"() ({
      %run_scoped3A_429 = tpu.sem_alloc : memref<!tpu.dma_semaphore, #tpu.memory_space<semaphore_mem>>
      %dma_start3A_430 = arith.constant 0 : i32
      %dma_start3A_431 = arith.constant 0 : i32
      %dma_start3A_432 = tpu.memref_slice %arg11[%run_scoped3A_403, %dma_start3A_430, %dma_start3A_431] : memref<4x64x128xf32, #tpu.memory_space<vmem>> -> memref<1x64x128xf32, #tpu.memory_space<vmem>>
      %dma_start3A_433 = tpu.memref_squeeze %dma_start3A_432 : memref<1x64x128xf32, #tpu.memory_space<vmem>> -> memref<64x128xf32, #tpu.memory_space<vmem>>
      %dma_start3A_434 = arith.constant 0 : i32
      %dma_start3A_435 = tpu.memref_slice %arg13[%add3A_402, %dma_start3A_434] : memref<5120x128xf32, #tpu.memory_space<vmem_shared>> -> memref<64x128xf32, #tpu.memory_space<vmem_shared>>
      %dma_start3A_436 = arith.constant 0 : i32
      %dma_start3A_437 = arith.constant 0 : i32
      %dma_start3A_438 = tpu.memref_slice %arg11[%run_scoped3A_403, %dma_start3A_436, %dma_start3A_437] : memref<4x64x128xf32, #tpu.memory_space<vmem>> -> memref<1x64x128xf32, #tpu.memory_space<vmem>>
      %dma_start3A_439 = tpu.memref_squeeze %dma_start3A_438 : memref<1x64x128xf32, #tpu.memory_space<vmem>> -> memref<64x128xf32, #tpu.memory_space<vmem>>
      %dma_start3A_440 = arith.constant 0 : i32
      %dma_start3A_441 = tpu.memref_slice %arg13[%add3A_402, %dma_start3A_440] : memref<5120x128xf32, #tpu.memory_space<vmem_shared>> -> memref<64x128xf32, #tpu.memory_space<vmem_shared>>
      tpu.enqueue_dma source(%dma_start3A_441 : memref<64x128xf32, #tpu.memory_space<vmem_shared>>) target(%dma_start3A_439 : memref<64x128xf32, #tpu.memory_space<vmem>>) target_semaphore(%run_scoped3A_429 : memref<!tpu.dma_semaphore, #tpu.memory_space<semaphore_mem>>)
      %dma_wait3A_442 = arith.constant 0 : i32
      %dma_wait3A_443 = arith.constant 0 : i32
      %dma_wait3A_444 = tpu.memref_slice %arg11[%run_scoped3A_403, %dma_wait3A_442, %dma_wait3A_443] : memref<4x64x128xf32, #tpu.memory_space<vmem>> -> memref<1x64x128xf32, #tpu.memory_space<vmem>>
      %dma_wait3A_445 = tpu.memref_squeeze %dma_wait3A_444 : memref<1x64x128xf32, #tpu.memory_space<vmem>> -> memref<64x128xf32, #tpu.memory_space<vmem>>
      %dma_wait3A_446 = arith.constant 0 : i32
      %dma_wait3A_447 = tpu.memref_slice %arg13[%add3A_402, %dma_wait3A_446] : memref<5120x128xf32, #tpu.memory_space<vmem_shared>> -> memref<64x128xf32, #tpu.memory_space<vmem_shared>>
      %dma_wait3A_448 = arith.constant 0 : i32
      %dma_wait3A_449 = arith.constant 0 : i32
      %dma_wait3A_450 = tpu.memref_slice %arg11[%run_scoped3A_403, %dma_wait3A_448, %dma_wait3A_449] : memref<4x64x128xf32, #tpu.memory_space<vmem>> -> memref<1x64x128xf32, #tpu.memory_space<vmem>>
      %dma_wait3A_451 = tpu.memref_squeeze %dma_wait3A_450 : memref<1x64x128xf32, #tpu.memory_space<vmem>> -> memref<64x128xf32, #tpu.memory_space<vmem>>
      %dma_wait3A_452 = arith.constant 0 : i32
      %dma_wait3A_453 = tpu.memref_slice %arg13[%add3A_402, %dma_wait3A_452] : memref<5120x128xf32, #tpu.memory_space<vmem_shared>> -> memref<64x128xf32, #tpu.memory_space<vmem_shared>>
      tpu.wait_dma2 semaphore(%run_scoped3A_429 : memref<!tpu.dma_semaphore, #tpu.memory_space<semaphore_mem>>) src(%dma_wait3A_453 : memref<64x128xf32, #tpu.memory_space<vmem_shared>>) dst(%dma_wait3A_451 : memref<64x128xf32, #tpu.memory_space<vmem>>)
      tpu.yield
    }) : () -> ()
    %add3A_404 = arith.addi %mul3A_2, %mul3A_0 : i32
    %add3A_405 = arith.constant 64 : i32
    %add3A_406 = arith.addi %add3A_404, %add3A_405 : i32
    %run_scoped3A_407 = arith.constant 0 : i32
    "tpu.region"() ({
      %run_scoped3A_429 = tpu.sem_alloc : memref<!tpu.dma_semaphore, #tpu.memory_space<semaphore_mem>>
      %dma_start3A_430 = arith.constant 0 : i32
      %dma_start3A_431 = arith.constant 0 : i32
      %dma_start3A_432 = tpu.memref_slice %arg11[%run_scoped3A_407, %dma_start3A_430, %dma_start3A_431] : memref<4x64x128xf32, #tpu.memory_space<vmem>> -> memref<1x64x128xf32, #tpu.memory_space<vmem>>
      %dma_start3A_433 = tpu.memref_squeeze %dma_start3A_432 : memref<1x64x128xf32, #tpu.memory_space<vmem>> -> memref<64x128xf32, #tpu.memory_space<vmem>>
      %dma_start3A_434 = arith.constant 0 : i32
      %dma_start3A_435 = tpu.memref_slice %arg5[%add3A_406, %dma_start3A_434] : memref<10240x128xf32, #tpu.memory_space<hbm>> -> memref<64x128xf32, #tpu.memory_space<hbm>>
      %dma_start3A_436 = arith.constant 0 : i32
      %dma_start3A_437 = tpu.memref_slice %arg5[%add3A_406, %dma_start3A_436] : memref<10240x128xf32, #tpu.memory_space<hbm>> -> memref<64x128xf32, #tpu.memory_space<hbm>>
      %dma_start3A_438 = arith.constant 0 : i32
      %dma_start3A_439 = arith.constant 0 : i32
      %dma_start3A_440 = tpu.memref_slice %arg11[%run_scoped3A_407, %dma_start3A_438, %dma_start3A_439] : memref<4x64x128xf32, #tpu.memory_space<vmem>> -> memref<1x64x128xf32, #tpu.memory_space<vmem>>
      %dma_start3A_441 = tpu.memref_squeeze %dma_start3A_440 : memref<1x64x128xf32, #tpu.memory_space<vmem>> -> memref<64x128xf32, #tpu.memory_space<vmem>>
      tpu.enqueue_dma source(%dma_start3A_441 : memref<64x128xf32, #tpu.memory_space<vmem>>) target(%dma_start3A_437 : memref<64x128xf32, #tpu.memory_space<hbm>>) target_semaphore(%run_scoped3A_429 : memref<!tpu.dma_semaphore, #tpu.memory_space<semaphore_mem>>)
      %dma_wait3A_442 = arith.constant 0 : i32
      %dma_wait3A_443 = arith.constant 0 : i32
      %dma_wait3A_444 = tpu.memref_slice %arg11[%run_scoped3A_407, %dma_wait3A_442, %dma_wait3A_443] : memref<4x64x128xf32, #tpu.memory_space<vmem>> -> memref<1x64x128xf32, #tpu.memory_space<vmem>>
      %dma_wait3A_445 = tpu.memref_squeeze %dma_wait3A_444 : memref<1x64x128xf32, #tpu.memory_space<vmem>> -> memref<64x128xf32, #tpu.memory_space<vmem>>
      %dma_wait3A_446 = arith.constant 0 : i32
      %dma_wait3A_447 = tpu.memref_slice %arg5[%add3A_406, %dma_wait3A_446] : memref<10240x128xf32, #tpu.memory_space<hbm>> -> memref<64x128xf32, #tpu.memory_space<hbm>>
      %dma_wait3A_448 = arith.constant 0 : i32
      %dma_wait3A_449 = tpu.memref_slice %arg5[%add3A_406, %dma_wait3A_448] : memref<10240x128xf32, #tpu.memory_space<hbm>> -> memref<64x128xf32, #tpu.memory_space<hbm>>
      %dma_wait3A_450 = arith.constant 0 : i32
      %dma_wait3A_451 = arith.constant 0 : i32
      %dma_wait3A_452 = tpu.memref_slice %arg11[%run_scoped3A_407, %dma_wait3A_450, %dma_wait3A_451] : memref<4x64x128xf32, #tpu.memory_space<vmem>> -> memref<1x64x128xf32, #tpu.memory_space<vmem>>
      %dma_wait3A_453 = tpu.memref_squeeze %dma_wait3A_452 : memref<1x64x128xf32, #tpu.memory_space<vmem>> -> memref<64x128xf32, #tpu.memory_space<vmem>>
      tpu.wait_dma2 semaphore(%run_scoped3A_429 : memref<!tpu.dma_semaphore, #tpu.memory_space<semaphore_mem>>) src(%dma_wait3A_453 : memref<64x128xf32, #tpu.memory_space<vmem>>) dst(%dma_wait3A_449 : memref<64x128xf32, #tpu.memory_space<hbm>>)
      tpu.yield
    }) : () -> ()
    %add3A_408 = arith.constant 128 : i32
    %add3A_409 = arith.addi %mul3A_0, %add3A_408 : i32
    %run_scoped3A_410 = arith.constant 0 : i32
    "tpu.region"() ({
      %run_scoped3A_429 = tpu.sem_alloc : memref<!tpu.dma_semaphore, #tpu.memory_space<semaphore_mem>>
      %dma_start3A_430 = arith.constant 0 : i32
      %dma_start3A_431 = arith.constant 0 : i32
      %dma_start3A_432 = tpu.memref_slice %arg11[%run_scoped3A_410, %dma_start3A_430, %dma_start3A_431] : memref<4x64x128xf32, #tpu.memory_space<vmem>> -> memref<1x64x128xf32, #tpu.memory_space<vmem>>
      %dma_start3A_433 = tpu.memref_squeeze %dma_start3A_432 : memref<1x64x128xf32, #tpu.memory_space<vmem>> -> memref<64x128xf32, #tpu.memory_space<vmem>>
      %dma_start3A_434 = arith.constant 0 : i32
      %dma_start3A_435 = tpu.memref_slice %arg13[%add3A_409, %dma_start3A_434] : memref<5120x128xf32, #tpu.memory_space<vmem_shared>> -> memref<64x128xf32, #tpu.memory_space<vmem_shared>>
      %dma_start3A_436 = arith.constant 0 : i32
      %dma_start3A_437 = arith.constant 0 : i32
      %dma_start3A_438 = tpu.memref_slice %arg11[%run_scoped3A_410, %dma_start3A_436, %dma_start3A_437] : memref<4x64x128xf32, #tpu.memory_space<vmem>> -> memref<1x64x128xf32, #tpu.memory_space<vmem>>
      %dma_start3A_439 = tpu.memref_squeeze %dma_start3A_438 : memref<1x64x128xf32, #tpu.memory_space<vmem>> -> memref<64x128xf32, #tpu.memory_space<vmem>>
      %dma_start3A_440 = arith.constant 0 : i32
      %dma_start3A_441 = tpu.memref_slice %arg13[%add3A_409, %dma_start3A_440] : memref<5120x128xf32, #tpu.memory_space<vmem_shared>> -> memref<64x128xf32, #tpu.memory_space<vmem_shared>>
      tpu.enqueue_dma source(%dma_start3A_441 : memref<64x128xf32, #tpu.memory_space<vmem_shared>>) target(%dma_start3A_439 : memref<64x128xf32, #tpu.memory_space<vmem>>) target_semaphore(%run_scoped3A_429 : memref<!tpu.dma_semaphore, #tpu.memory_space<semaphore_mem>>)
      %dma_wait3A_442 = arith.constant 0 : i32
      %dma_wait3A_443 = arith.constant 0 : i32
      %dma_wait3A_444 = tpu.memref_slice %arg11[%run_scoped3A_410, %dma_wait3A_442, %dma_wait3A_443] : memref<4x64x128xf32, #tpu.memory_space<vmem>> -> memref<1x64x128xf32, #tpu.memory_space<vmem>>
      %dma_wait3A_445 = tpu.memref_squeeze %dma_wait3A_444 : memref<1x64x128xf32, #tpu.memory_space<vmem>> -> memref<64x128xf32, #tpu.memory_space<vmem>>
      %dma_wait3A_446 = arith.constant 0 : i32
      %dma_wait3A_447 = tpu.memref_slice %arg13[%add3A_409, %dma_wait3A_446] : memref<5120x128xf32, #tpu.memory_space<vmem_shared>> -> memref<64x128xf32, #tpu.memory_space<vmem_shared>>
      %dma_wait3A_448 = arith.constant 0 : i32
      %dma_wait3A_449 = arith.constant 0 : i32
      %dma_wait3A_450 = tpu.memref_slice %arg11[%run_scoped3A_410, %dma_wait3A_448, %dma_wait3A_449] : memref<4x64x128xf32, #tpu.memory_space<vmem>> -> memref<1x64x128xf32, #tpu.memory_space<vmem>>
      %dma_wait3A_451 = tpu.memref_squeeze %dma_wait3A_450 : memref<1x64x128xf32, #tpu.memory_space<vmem>> -> memref<64x128xf32, #tpu.memory_space<vmem>>
      %dma_wait3A_452 = arith.constant 0 : i32
      %dma_wait3A_453 = tpu.memref_slice %arg13[%add3A_409, %dma_wait3A_452] : memref<5120x128xf32, #tpu.memory_space<vmem_shared>> -> memref<64x128xf32, #tpu.memory_space<vmem_shared>>
      tpu.wait_dma2 semaphore(%run_scoped3A_429 : memref<!tpu.dma_semaphore, #tpu.memory_space<semaphore_mem>>) src(%dma_wait3A_453 : memref<64x128xf32, #tpu.memory_space<vmem_shared>>) dst(%dma_wait3A_451 : memref<64x128xf32, #tpu.memory_space<vmem>>)
      tpu.yield
    }) : () -> ()
    %add3A_411 = arith.addi %mul3A_2, %mul3A_0 : i32
    %add3A_412 = arith.constant 128 : i32
    %add3A_413 = arith.addi %add3A_411, %add3A_412 : i32
    %run_scoped3A_414 = arith.constant 0 : i32
    "tpu.region"() ({
      %run_scoped3A_429 = tpu.sem_alloc : memref<!tpu.dma_semaphore, #tpu.memory_space<semaphore_mem>>
      %dma_start3A_430 = arith.constant 0 : i32
      %dma_start3A_431 = arith.constant 0 : i32
      %dma_start3A_432 = tpu.memref_slice %arg11[%run_scoped3A_414, %dma_start3A_430, %dma_start3A_431] : memref<4x64x128xf32, #tpu.memory_space<vmem>> -> memref<1x64x128xf32, #tpu.memory_space<vmem>>
      %dma_start3A_433 = tpu.memref_squeeze %dma_start3A_432 : memref<1x64x128xf32, #tpu.memory_space<vmem>> -> memref<64x128xf32, #tpu.memory_space<vmem>>
      %dma_start3A_434 = arith.constant 0 : i32
      %dma_start3A_435 = tpu.memref_slice %arg5[%add3A_413, %dma_start3A_434] : memref<10240x128xf32, #tpu.memory_space<hbm>> -> memref<64x128xf32, #tpu.memory_space<hbm>>
      %dma_start3A_436 = arith.constant 0 : i32
      %dma_start3A_437 = tpu.memref_slice %arg5[%add3A_413, %dma_start3A_436] : memref<10240x128xf32, #tpu.memory_space<hbm>> -> memref<64x128xf32, #tpu.memory_space<hbm>>
      %dma_start3A_438 = arith.constant 0 : i32
      %dma_start3A_439 = arith.constant 0 : i32
      %dma_start3A_440 = tpu.memref_slice %arg11[%run_scoped3A_414, %dma_start3A_438, %dma_start3A_439] : memref<4x64x128xf32, #tpu.memory_space<vmem>> -> memref<1x64x128xf32, #tpu.memory_space<vmem>>
      %dma_start3A_441 = tpu.memref_squeeze %dma_start3A_440 : memref<1x64x128xf32, #tpu.memory_space<vmem>> -> memref<64x128xf32, #tpu.memory_space<vmem>>
      tpu.enqueue_dma source(%dma_start3A_441 : memref<64x128xf32, #tpu.memory_space<vmem>>) target(%dma_start3A_437 : memref<64x128xf32, #tpu.memory_space<hbm>>) target_semaphore(%run_scoped3A_429 : memref<!tpu.dma_semaphore, #tpu.memory_space<semaphore_mem>>)
      %dma_wait3A_442 = arith.constant 0 : i32
      %dma_wait3A_443 = arith.constant 0 : i32
      %dma_wait3A_444 = tpu.memref_slice %arg11[%run_scoped3A_414, %dma_wait3A_442, %dma_wait3A_443] : memref<4x64x128xf32, #tpu.memory_space<vmem>> -> memref<1x64x128xf32, #tpu.memory_space<vmem>>
      %dma_wait3A_445 = tpu.memref_squeeze %dma_wait3A_444 : memref<1x64x128xf32, #tpu.memory_space<vmem>> -> memref<64x128xf32, #tpu.memory_space<vmem>>
      %dma_wait3A_446 = arith.constant 0 : i32
      %dma_wait3A_447 = tpu.memref_slice %arg5[%add3A_413, %dma_wait3A_446] : memref<10240x128xf32, #tpu.memory_space<hbm>> -> memref<64x128xf32, #tpu.memory_space<hbm>>
      %dma_wait3A_448 = arith.constant 0 : i32
      %dma_wait3A_449 = tpu.memref_slice %arg5[%add3A_413, %dma_wait3A_448] : memref<10240x128xf32, #tpu.memory_space<hbm>> -> memref<64x128xf32, #tpu.memory_space<hbm>>
      %dma_wait3A_450 = arith.constant 0 : i32
      %dma_wait3A_451 = arith.constant 0 : i32
      %dma_wait3A_452 = tpu.memref_slice %arg11[%run_scoped3A_414, %dma_wait3A_450, %dma_wait3A_451] : memref<4x64x128xf32, #tpu.memory_space<vmem>> -> memref<1x64x128xf32, #tpu.memory_space<vmem>>
      %dma_wait3A_453 = tpu.memref_squeeze %dma_wait3A_452 : memref<1x64x128xf32, #tpu.memory_space<vmem>> -> memref<64x128xf32, #tpu.memory_space<vmem>>
      tpu.wait_dma2 semaphore(%run_scoped3A_429 : memref<!tpu.dma_semaphore, #tpu.memory_space<semaphore_mem>>) src(%dma_wait3A_453 : memref<64x128xf32, #tpu.memory_space<vmem>>) dst(%dma_wait3A_449 : memref<64x128xf32, #tpu.memory_space<hbm>>)
      tpu.yield
    }) : () -> ()
    %add3A_415 = arith.constant 192 : i32
    %add3A_416 = arith.addi %mul3A_0, %add3A_415 : i32
    %run_scoped3A_417 = arith.constant 0 : i32
    "tpu.region"() ({
      %run_scoped3A_429 = tpu.sem_alloc : memref<!tpu.dma_semaphore, #tpu.memory_space<semaphore_mem>>
      %dma_start3A_430 = arith.constant 0 : i32
      %dma_start3A_431 = arith.constant 0 : i32
      %dma_start3A_432 = tpu.memref_slice %arg11[%run_scoped3A_417, %dma_start3A_430, %dma_start3A_431] : memref<4x64x128xf32, #tpu.memory_space<vmem>> -> memref<1x64x128xf32, #tpu.memory_space<vmem>>
      %dma_start3A_433 = tpu.memref_squeeze %dma_start3A_432 : memref<1x64x128xf32, #tpu.memory_space<vmem>> -> memref<64x128xf32, #tpu.memory_space<vmem>>
      %dma_start3A_434 = arith.constant 0 : i32
      %dma_start3A_435 = tpu.memref_slice %arg13[%add3A_416, %dma_start3A_434] : memref<5120x128xf32, #tpu.memory_space<vmem_shared>> -> memref<64x128xf32, #tpu.memory_space<vmem_shared>>
      %dma_start3A_436 = arith.constant 0 : i32
      %dma_start3A_437 = arith.constant 0 : i32
      %dma_start3A_438 = tpu.memref_slice %arg11[%run_scoped3A_417, %dma_start3A_436, %dma_start3A_437] : memref<4x64x128xf32, #tpu.memory_space<vmem>> -> memref<1x64x128xf32, #tpu.memory_space<vmem>>
      %dma_start3A_439 = tpu.memref_squeeze %dma_start3A_438 : memref<1x64x128xf32, #tpu.memory_space<vmem>> -> memref<64x128xf32, #tpu.memory_space<vmem>>
      %dma_start3A_440 = arith.constant 0 : i32
      %dma_start3A_441 = tpu.memref_slice %arg13[%add3A_416, %dma_start3A_440] : memref<5120x128xf32, #tpu.memory_space<vmem_shared>> -> memref<64x128xf32, #tpu.memory_space<vmem_shared>>
      tpu.enqueue_dma source(%dma_start3A_441 : memref<64x128xf32, #tpu.memory_space<vmem_shared>>) target(%dma_start3A_439 : memref<64x128xf32, #tpu.memory_space<vmem>>) target_semaphore(%run_scoped3A_429 : memref<!tpu.dma_semaphore, #tpu.memory_space<semaphore_mem>>)
      %dma_wait3A_442 = arith.constant 0 : i32
      %dma_wait3A_443 = arith.constant 0 : i32
      %dma_wait3A_444 = tpu.memref_slice %arg11[%run_scoped3A_417, %dma_wait3A_442, %dma_wait3A_443] : memref<4x64x128xf32, #tpu.memory_space<vmem>> -> memref<1x64x128xf32, #tpu.memory_space<vmem>>
      %dma_wait3A_445 = tpu.memref_squeeze %dma_wait3A_444 : memref<1x64x128xf32, #tpu.memory_space<vmem>> -> memref<64x128xf32, #tpu.memory_space<vmem>>
      %dma_wait3A_446 = arith.constant 0 : i32
      %dma_wait3A_447 = tpu.memref_slice %arg13[%add3A_416, %dma_wait3A_446] : memref<5120x128xf32, #tpu.memory_space<vmem_shared>> -> memref<64x128xf32, #tpu.memory_space<vmem_shared>>
      %dma_wait3A_448 = arith.constant 0 : i32
      %dma_wait3A_449 = arith.constant 0 : i32
      %dma_wait3A_450 = tpu.memref_slice %arg11[%run_scoped3A_417, %dma_wait3A_448, %dma_wait3A_449] : memref<4x64x128xf32, #tpu.memory_space<vmem>> -> memref<1x64x128xf32, #tpu.memory_space<vmem>>
      %dma_wait3A_451 = tpu.memref_squeeze %dma_wait3A_450 : memref<1x64x128xf32, #tpu.memory_space<vmem>> -> memref<64x128xf32, #tpu.memory_space<vmem>>
      %dma_wait3A_452 = arith.constant 0 : i32
      %dma_wait3A_453 = tpu.memref_slice %arg13[%add3A_416, %dma_wait3A_452] : memref<5120x128xf32, #tpu.memory_space<vmem_shared>> -> memref<64x128xf32, #tpu.memory_space<vmem_shared>>
      tpu.wait_dma2 semaphore(%run_scoped3A_429 : memref<!tpu.dma_semaphore, #tpu.memory_space<semaphore_mem>>) src(%dma_wait3A_453 : memref<64x128xf32, #tpu.memory_space<vmem_shared>>) dst(%dma_wait3A_451 : memref<64x128xf32, #tpu.memory_space<vmem>>)
      tpu.yield
    }) : () -> ()
    %add3A_418 = arith.addi %mul3A_2, %mul3A_0 : i32
    %add3A_419 = arith.constant 192 : i32
    %add3A_420 = arith.addi %add3A_418, %add3A_419 : i32
    %run_scoped3A_421 = arith.constant 0 : i32
    "tpu.region"() ({
      %run_scoped3A_429 = tpu.sem_alloc : memref<!tpu.dma_semaphore, #tpu.memory_space<semaphore_mem>>
      %dma_start3A_430 = arith.constant 0 : i32
      %dma_start3A_431 = arith.constant 0 : i32
      %dma_start3A_432 = tpu.memref_slice %arg11[%run_scoped3A_421, %dma_start3A_430, %dma_start3A_431] : memref<4x64x128xf32, #tpu.memory_space<vmem>> -> memref<1x64x128xf32, #tpu.memory_space<vmem>>
      %dma_start3A_433 = tpu.memref_squeeze %dma_start3A_432 : memref<1x64x128xf32, #tpu.memory_space<vmem>> -> memref<64x128xf32, #tpu.memory_space<vmem>>
      %dma_start3A_434 = arith.constant 0 : i32
      %dma_start3A_435 = tpu.memref_slice %arg5[%add3A_420, %dma_start3A_434] : memref<10240x128xf32, #tpu.memory_space<hbm>> -> memref<64x128xf32, #tpu.memory_space<hbm>>
      %dma_start3A_436 = arith.constant 0 : i32
      %dma_start3A_437 = tpu.memref_slice %arg5[%add3A_420, %dma_start3A_436] : memref<10240x128xf32, #tpu.memory_space<hbm>> -> memref<64x128xf32, #tpu.memory_space<hbm>>
      %dma_start3A_438 = arith.constant 0 : i32
      %dma_start3A_439 = arith.constant 0 : i32
      %dma_start3A_440 = tpu.memref_slice %arg11[%run_scoped3A_421, %dma_start3A_438, %dma_start3A_439] : memref<4x64x128xf32, #tpu.memory_space<vmem>> -> memref<1x64x128xf32, #tpu.memory_space<vmem>>
      %dma_start3A_441 = tpu.memref_squeeze %dma_start3A_440 : memref<1x64x128xf32, #tpu.memory_space<vmem>> -> memref<64x128xf32, #tpu.memory_space<vmem>>
      tpu.enqueue_dma source(%dma_start3A_441 : memref<64x128xf32, #tpu.memory_space<vmem>>) target(%dma_start3A_437 : memref<64x128xf32, #tpu.memory_space<hbm>>) target_semaphore(%run_scoped3A_429 : memref<!tpu.dma_semaphore, #tpu.memory_space<semaphore_mem>>)
      %dma_wait3A_442 = arith.constant 0 : i32
      %dma_wait3A_443 = arith.constant 0 : i32
      %dma_wait3A_444 = tpu.memref_slice %arg11[%run_scoped3A_421, %dma_wait3A_442, %dma_wait3A_443] : memref<4x64x128xf32, #tpu.memory_space<vmem>> -> memref<1x64x128xf32, #tpu.memory_space<vmem>>
      %dma_wait3A_445 = tpu.memref_squeeze %dma_wait3A_444 : memref<1x64x128xf32, #tpu.memory_space<vmem>> -> memref<64x128xf32, #tpu.memory_space<vmem>>
      %dma_wait3A_446 = arith.constant 0 : i32
      %dma_wait3A_447 = tpu.memref_slice %arg5[%add3A_420, %dma_wait3A_446] : memref<10240x128xf32, #tpu.memory_space<hbm>> -> memref<64x128xf32, #tpu.memory_space<hbm>>
      %dma_wait3A_448 = arith.constant 0 : i32
      %dma_wait3A_449 = tpu.memref_slice %arg5[%add3A_420, %dma_wait3A_448] : memref<10240x128xf32, #tpu.memory_space<hbm>> -> memref<64x128xf32, #tpu.memory_space<hbm>>
      %dma_wait3A_450 = arith.constant 0 : i32
      %dma_wait3A_451 = arith.constant 0 : i32
      %dma_wait3A_452 = tpu.memref_slice %arg11[%run_scoped3A_421, %dma_wait3A_450, %dma_wait3A_451] : memref<4x64x128xf32, #tpu.memory_space<vmem>> -> memref<1x64x128xf32, #tpu.memory_space<vmem>>
      %dma_wait3A_453 = tpu.memref_squeeze %dma_wait3A_452 : memref<1x64x128xf32, #tpu.memory_space<vmem>> -> memref<64x128xf32, #tpu.memory_space<vmem>>
      tpu.wait_dma2 semaphore(%run_scoped3A_429 : memref<!tpu.dma_semaphore, #tpu.memory_space<semaphore_mem>>) src(%dma_wait3A_453 : memref<64x128xf32, #tpu.memory_space<vmem>>) dst(%dma_wait3A_449 : memref<64x128xf32, #tpu.memory_space<hbm>>)
      tpu.yield
    }) : () -> ()
    %add3A_422 = arith.constant 256 : i32
    %add3A_423 = arith.addi %mul3A_0, %add3A_422 : i32
    %run_scoped3A_424 = arith.constant 0 : i32
    "tpu.region"() ({
      %run_scoped3A_429 = tpu.sem_alloc : memref<!tpu.dma_semaphore, #tpu.memory_space<semaphore_mem>>
      %dma_start3A_430 = arith.constant 0 : i32
      %dma_start3A_431 = arith.constant 0 : i32
      %dma_start3A_432 = tpu.memref_slice %arg11[%run_scoped3A_424, %dma_start3A_430, %dma_start3A_431] : memref<4x64x128xf32, #tpu.memory_space<vmem>> -> memref<1x64x128xf32, #tpu.memory_space<vmem>>
      %dma_start3A_433 = tpu.memref_squeeze %dma_start3A_432 : memref<1x64x128xf32, #tpu.memory_space<vmem>> -> memref<64x128xf32, #tpu.memory_space<vmem>>
      %dma_start3A_434 = arith.constant 0 : i32
      %dma_start3A_435 = tpu.memref_slice %arg13[%add3A_423, %dma_start3A_434] : memref<5120x128xf32, #tpu.memory_space<vmem_shared>> -> memref<64x128xf32, #tpu.memory_space<vmem_shared>>
      %dma_start3A_436 = arith.constant 0 : i32
      %dma_start3A_437 = arith.constant 0 : i32
      %dma_start3A_438 = tpu.memref_slice %arg11[%run_scoped3A_424, %dma_start3A_436, %dma_start3A_437] : memref<4x64x128xf32, #tpu.memory_space<vmem>> -> memref<1x64x128xf32, #tpu.memory_space<vmem>>
      %dma_start3A_439 = tpu.memref_squeeze %dma_start3A_438 : memref<1x64x128xf32, #tpu.memory_space<vmem>> -> memref<64x128xf32, #tpu.memory_space<vmem>>
      %dma_start3A_440 = arith.constant 0 : i32
      %dma_start3A_441 = tpu.memref_slice %arg13[%add3A_423, %dma_start3A_440] : memref<5120x128xf32, #tpu.memory_space<vmem_shared>> -> memref<64x128xf32, #tpu.memory_space<vmem_shared>>
      tpu.enqueue_dma source(%dma_start3A_441 : memref<64x128xf32, #tpu.memory_space<vmem_shared>>) target(%dma_start3A_439 : memref<64x128xf32, #tpu.memory_space<vmem>>) target_semaphore(%run_scoped3A_429 : memref<!tpu.dma_semaphore, #tpu.memory_space<semaphore_mem>>)
      %dma_wait3A_442 = arith.constant 0 : i32
      %dma_wait3A_443 = arith.constant 0 : i32
      %dma_wait3A_444 = tpu.memref_slice %arg11[%run_scoped3A_424, %dma_wait3A_442, %dma_wait3A_443] : memref<4x64x128xf32, #tpu.memory_space<vmem>> -> memref<1x64x128xf32, #tpu.memory_space<vmem>>
      %dma_wait3A_445 = tpu.memref_squeeze %dma_wait3A_444 : memref<1x64x128xf32, #tpu.memory_space<vmem>> -> memref<64x128xf32, #tpu.memory_space<vmem>>
      %dma_wait3A_446 = arith.constant 0 : i32
      %dma_wait3A_447 = tpu.memref_slice %arg13[%add3A_423, %dma_wait3A_446] : memref<5120x128xf32, #tpu.memory_space<vmem_shared>> -> memref<64x128xf32, #tpu.memory_space<vmem_shared>>
      %dma_wait3A_448 = arith.constant 0 : i32
      %dma_wait3A_449 = arith.constant 0 : i32
      %dma_wait3A_450 = tpu.memref_slice %arg11[%run_scoped3A_424, %dma_wait3A_448, %dma_wait3A_449] : memref<4x64x128xf32, #tpu.memory_space<vmem>> -> memref<1x64x128xf32, #tpu.memory_space<vmem>>
      %dma_wait3A_451 = tpu.memref_squeeze %dma_wait3A_450 : memref<1x64x128xf32, #tpu.memory_space<vmem>> -> memref<64x128xf32, #tpu.memory_space<vmem>>
      %dma_wait3A_452 = arith.constant 0 : i32
      %dma_wait3A_453 = tpu.memref_slice %arg13[%add3A_423, %dma_wait3A_452] : memref<5120x128xf32, #tpu.memory_space<vmem_shared>> -> memref<64x128xf32, #tpu.memory_space<vmem_shared>>
      tpu.wait_dma2 semaphore(%run_scoped3A_429 : memref<!tpu.dma_semaphore, #tpu.memory_space<semaphore_mem>>) src(%dma_wait3A_453 : memref<64x128xf32, #tpu.memory_space<vmem_shared>>) dst(%dma_wait3A_451 : memref<64x128xf32, #tpu.memory_space<vmem>>)
      tpu.yield
    }) : () -> ()
    %add3A_425 = arith.addi %mul3A_2, %mul3A_0 : i32
    %add3A_426 = arith.constant 256 : i32
    %add3A_427 = arith.addi %add3A_425, %add3A_426 : i32
    %run_scoped3A_428 = arith.constant 0 : i32
    "tpu.region"() ({
      %run_scoped3A_429 = tpu.sem_alloc : memref<!tpu.dma_semaphore, #tpu.memory_space<semaphore_mem>>
      %dma_start3A_430 = arith.constant 0 : i32
      %dma_start3A_431 = arith.constant 0 : i32
      %dma_start3A_432 = tpu.memref_slice %arg11[%run_scoped3A_428, %dma_start3A_430, %dma_start3A_431] : memref<4x64x128xf32, #tpu.memory_space<vmem>> -> memref<1x64x128xf32, #tpu.memory_space<vmem>>
      %dma_start3A_433 = tpu.memref_squeeze %dma_start3A_432 : memref<1x64x128xf32, #tpu.memory_space<vmem>> -> memref<64x128xf32, #tpu.memory_space<vmem>>
      %dma_start3A_434 = arith.constant 0 : i32
      %dma_start3A_435 = tpu.memref_slice %arg5[%add3A_427, %dma_start3A_434] : memref<10240x128xf32, #tpu.memory_space<hbm>> -> memref<64x128xf32, #tpu.memory_space<hbm>>
      %dma_start3A_436 = arith.constant 0 : i32
      %dma_start3A_437 = tpu.memref_slice %arg5[%add3A_427, %dma_start3A_436] : memref<10240x128xf32, #tpu.memory_space<hbm>> -> memref<64x128xf32, #tpu.memory_space<hbm>>
      %dma_start3A_438 = arith.constant 0 : i32
      %dma_start3A_439 = arith.constant 0 : i32
      %dma_start3A_440 = tpu.memref_slice %arg11[%run_scoped3A_428, %dma_start3A_438, %dma_start3A_439] : memref<4x64x128xf32, #tpu.memory_space<vmem>> -> memref<1x64x128xf32, #tpu.memory_space<vmem>>
      %dma_start3A_441 = tpu.memref_squeeze %dma_start3A_440 : memref<1x64x128xf32, #tpu.memory_space<vmem>> -> memref<64x128xf32, #tpu.memory_space<vmem>>
      tpu.enqueue_dma source(%dma_start3A_441 : memref<64x128xf32, #tpu.memory_space<vmem>>) target(%dma_start3A_437 : memref<64x128xf32, #tpu.memory_space<hbm>>) target_semaphore(%run_scoped3A_429 : memref<!tpu.dma_semaphore, #tpu.memory_space<semaphore_mem>>)
      %dma_wait3A_442 = arith.constant 0 : i32
      %dma_wait3A_443 = arith.constant 0 : i32
      %dma_wait3A_444 = tpu.memref_slice %arg11[%run_scoped3A_428, %dma_wait3A_442, %dma_wait3A_443] : memref<4x64x128xf32, #tpu.memory_space<vmem>> -> memref<1x64x128xf32, #tpu.memory_space<vmem>>
      %dma_wait3A_445 = tpu.memref_squeeze %dma_wait3A_444 : memref<1x64x128xf32, #tpu.memory_space<vmem>> -> memref<64x128xf32, #tpu.memory_space<vmem>>
      %dma_wait3A_446 = arith.constant 0 : i32
      %dma_wait3A_447 = tpu.memref_slice %arg5[%add3A_427, %dma_wait3A_446] : memref<10240x128xf32, #tpu.memory_space<hbm>> -> memref<64x128xf32, #tpu.memory_space<hbm>>
      %dma_wait3A_448 = arith.constant 0 : i32
      %dma_wait3A_449 = tpu.memref_slice %arg5[%add3A_427, %dma_wait3A_448] : memref<10240x128xf32, #tpu.memory_space<hbm>> -> memref<64x128xf32, #tpu.memory_space<hbm>>
      %dma_wait3A_450 = arith.constant 0 : i32
      %dma_wait3A_451 = arith.constant 0 : i32
      %dma_wait3A_452 = tpu.memref_slice %arg11[%run_scoped3A_428, %dma_wait3A_450, %dma_wait3A_451] : memref<4x64x128xf32, #tpu.memory_space<vmem>> -> memref<1x64x128xf32, #tpu.memory_space<vmem>>
      %dma_wait3A_453 = tpu.memref_squeeze %dma_wait3A_452 : memref<1x64x128xf32, #tpu.memory_space<vmem>> -> memref<64x128xf32, #tpu.memory_space<vmem>>
      tpu.wait_dma2 semaphore(%run_scoped3A_429 : memref<!tpu.dma_semaphore, #tpu.memory_space<semaphore_mem>>) src(%dma_wait3A_453 : memref<64x128xf32, #tpu.memory_space<vmem>>) dst(%dma_wait3A_449 : memref<64x128xf32, #tpu.memory_space<hbm>>)
      tpu.yield
    }) : () -> ()
    return
  }
}

module attributes {stable_mosaic.version = 14 : i64} {
  func.func @_pre_body(%arg0: i32, %arg1: memref<1000x128xf32, #tpu.memory_space<vmem>>, %arg2: memref<128x128xf32, #tpu.memory_space<vmem>>, %arg3: memref<1x128xf32, #tpu.memory_space<vmem>>, %arg4: memref<1x128xf32, #tpu.memory_space<vmem>>, %arg5: memref<1x128xf32, #tpu.memory_space<vmem>>, %arg6: memref<128x128xf32, #tpu.memory_space<vmem>>, %arg7: memref<1000x128xf32, #tpu.memory_space<vmem>>, %arg8: memref<1000x128xf32, #tpu.memory_space<vmem>>) attributes {dimension_semantics = [#tpu.dimension_semantics<arbitrary>], iteration_bounds = array<i64: 10>, scalar_prefetch = 0 : i64, scratch_operands = 0 : i64, tpu.core_type = #tpu.core_type<tc>, window_params = [{transform_indices = @transform_0, window_bounds = array<i64: 1000, 128>}, {pipeline_mode = #tpu.pipeline_mode<synchronous>, transform_indices = @transform_1, window_bounds = array<i64: 128, 128>}, {pipeline_mode = #tpu.pipeline_mode<synchronous>, transform_indices = @transform_2, window_bounds = array<i64: 1, 128>}, {pipeline_mode = #tpu.pipeline_mode<synchronous>, transform_indices = @transform_3, window_bounds = array<i64: 1, 128>}, {pipeline_mode = #tpu.pipeline_mode<synchronous>, transform_indices = @transform_4, window_bounds = array<i64: 1, 128>}, {pipeline_mode = #tpu.pipeline_mode<synchronous>, transform_indices = @transform_5, window_bounds = array<i64: 128, 128>}, {transform_indices = @transform_6, window_bounds = array<i64: 1000, 128>}, {transform_indices = @transform_7, window_bounds = array<i64: 1000, 128>}]} {
    %get3A = arith.constant 0 : index
    %get3A_0 = arith.constant 0 : index
    %get3A_1 = vector.load %arg1[%get3A, %get3A_0] : memref<1000x128xf32, #tpu.memory_space<vmem>>, vector<1000x128xf32>
    %get3A_2 = arith.constant 0 : index
    %get3A_3 = arith.constant 0 : index
    %get3A_4 = vector.load %arg2[%get3A_2, %get3A_3] : memref<128x128xf32, #tpu.memory_space<vmem>>, vector<128x128xf32>
    %dot_general3A = arith.constant dense<0.000000e+00> : vector<1000x128xf32>
    %dot_general3A_5 = tpu.matmul %get3A_1, %get3A_4, %dot_general3A {dimension_numbers = #tpu.dot_dimension_numbers<[1], [1], [0], [0], [0, 0, 1, 0], [], []>, transpose_lhs_hint = false} : vector<1000x128xf32>, vector<128x128xf32>, vector<1000x128xf32> -> vector<1000x128xf32>
    %get3A_6 = arith.constant 0 : index
    %get3A_7 = arith.constant 0 : index
    %get3A_8 = vector.load %arg3[%get3A_6, %get3A_7] : memref<1x128xf32, #tpu.memory_space<vmem>>, vector<1x128xf32>
    %add3A = vector.broadcast %get3A_8 : vector<1x128xf32> to vector<1000x128xf32>
    %add3A_9 = arith.addf %dot_general3A_5, %add3A : vector<1000x128xf32>
    %get3A_10 = arith.constant 0 : index
    %get3A_11 = arith.constant 0 : index
    %get3A_12 = vector.load %arg4[%get3A_10, %get3A_11] : memref<1x128xf32, #tpu.memory_space<vmem>>, vector<1x128xf32>
    %sqrt3A = arith.constant 1.000010e+00 : f32
    %sqrt3A_13 = math.sqrt %sqrt3A : f32
    %div3A = vector.broadcast %sqrt3A_13 : f32 to vector<1x128xf32>
    %div3A_14 = arith.divf %get3A_12, %div3A : vector<1x128xf32>
    %mul3A = vector.broadcast %div3A_14 : vector<1x128xf32> to vector<1000x128xf32>
    %mul3A_15 = arith.mulf %add3A_9, %mul3A : vector<1000x128xf32>
    %get3A_16 = arith.constant 0 : index
    %get3A_17 = arith.constant 0 : index
    %get3A_18 = vector.load %arg5[%get3A_16, %get3A_17] : memref<1x128xf32, #tpu.memory_space<vmem>>, vector<1x128xf32>
    %add3A_19 = vector.broadcast %get3A_18 : vector<1x128xf32> to vector<1000x128xf32>
    %add3A_20 = arith.addf %mul3A_15, %add3A_19 : vector<1000x128xf32>
    %swap3A = arith.constant 0 : index
    %swap3A_21 = arith.constant 0 : index
    %swap3A_22 = vector.load %arg7[%swap3A, %swap3A_21] : memref<1000x128xf32, #tpu.memory_space<vmem>>, vector<1000x128xf32>
    tpu.vector_store %arg7[%swap3A, %swap3A_21], %add3A_20 {strides = array<i32>} : memref<1000x128xf32, #tpu.memory_space<vmem>>, vector<1000x128xf32>,
    %get3A_23 = arith.constant 0 : index
    %get3A_24 = arith.constant 0 : index
    %get3A_25 = vector.load %arg6[%get3A_23, %get3A_24] : memref<128x128xf32, #tpu.memory_space<vmem>>, vector<128x128xf32>
    %dot_general3A_26 = arith.constant dense<0.000000e+00> : vector<1000x128xf32>
    %dot_general3A_27 = tpu.matmul %add3A_20, %get3A_25, %dot_general3A_26 {dimension_numbers = #tpu.dot_dimension_numbers<[1], [0], [0], [1], [0, 0, 1, 1], [], []>, transpose_lhs_hint = false} : vector<1000x128xf32>, vector<128x128xf32>, vector<1000x128xf32> -> vector<1000x128xf32>
    %swap3A_28 = arith.constant 0 : index
    %swap3A_29 = arith.constant 0 : index
    %swap3A_30 = vector.load %arg8[%swap3A_28, %swap3A_29] : memref<1000x128xf32, #tpu.memory_space<vmem>>, vector<1000x128xf32>
    tpu.vector_store %arg8[%swap3A_28, %swap3A_29], %dot_general3A_27 {strides = array<i32>} : memref<1000x128xf32, #tpu.memory_space<vmem>>, vector<1000x128xf32>,
    return
  }
  func.func @transform_0(%arg0: i32) -> (i32, i32) {
    %c0_i32 = arith.constant 0 : i32
    %c0_i32_0 = arith.constant 0 : i32
    return %arg0, %c0_i32 : i32, i32
  }
  func.func @transform_1(%arg0: i32) -> (i32, i32) {
    %c0_i32 = arith.constant 0 : i32
    %c0_i32_0 = arith.constant 0 : i32
    %c0_i32_1 = arith.constant 0 : i32
    return %c0_i32, %c0_i32_0 : i32, i32
  }
  func.func @transform_2(%arg0: i32) -> (i32, i32) {
    %c0_i32 = arith.constant 0 : i32
    %c0_i32_0 = arith.constant 0 : i32
    %c0_i32_1 = arith.constant 0 : i32
    return %c0_i32, %c0_i32_0 : i32, i32
  }
  func.func @transform_3(%arg0: i32) -> (i32, i32) {
    %c0_i32 = arith.constant 0 : i32
    %c0_i32_0 = arith.constant 0 : i32
    %c0_i32_1 = arith.constant 0 : i32
    return %c0_i32, %c0_i32_0 : i32, i32
  }
  func.func @transform_4(%arg0: i32) -> (i32, i32) {
    %c0_i32 = arith.constant 0 : i32
    %c0_i32_0 = arith.constant 0 : i32
    %c0_i32_1 = arith.constant 0 : i32
    return %c0_i32, %c0_i32_0 : i32, i32
  }
  func.func @transform_5(%arg0: i32) -> (i32, i32) {
    %c0_i32 = arith.constant 0 : i32
    %c0_i32_0 = arith.constant 0 : i32
    %c0_i32_1 = arith.constant 0 : i32
    return %c0_i32, %c0_i32_0 : i32, i32
  }
  func.func @transform_6(%arg0: i32) -> (i32, i32) {
    %c0_i32 = arith.constant 0 : i32
    %c0_i32_0 = arith.constant 0 : i32
    return %arg0, %c0_i32 : i32, i32
  }
  func.func @transform_7(%arg0: i32) -> (i32, i32) {
    %c0_i32 = arith.constant 0 : i32
    %c0_i32_0 = arith.constant 0 : i32
    return %arg0, %c0_i32 : i32, i32
  }
}

module attributes {stable_mosaic.version = 14 : i64} {
  func.func @_gru_body(%arg0: i32, %arg1: memref<1000x128xf32, #tpu.memory_space<vmem>>, %arg2: memref<1000x128xf32, #tpu.memory_space<vmem>>, %arg3: memref<384x128xf32, #tpu.memory_space<vmem>>, %arg4: memref<384x128xf32, #tpu.memory_space<vmem>>, %arg5: memref<1x384xf32, #tpu.memory_space<vmem>>, %arg6: memref<1x384xf32, #tpu.memory_space<vmem>>, %arg7: memref<128x128xf32, #tpu.memory_space<vmem>>, %arg8: memref<1000x128xf32, #tpu.memory_space<vmem>>, %arg9: memref<1000x128xf32, #tpu.memory_space<vmem>>) attributes {dimension_semantics = [#tpu.dimension_semantics<arbitrary>], iteration_bounds = array<i64: 10>, scalar_prefetch = 0 : i64, scratch_operands = 0 : i64, tpu.core_type = #tpu.core_type<tc>, window_params = [{transform_indices = @transform_0, window_bounds = array<i64: 1000, 128>}, {transform_indices = @transform_1, window_bounds = array<i64: 1000, 128>}, {pipeline_mode = #tpu.pipeline_mode<synchronous>, transform_indices = @transform_2, window_bounds = array<i64: 384, 128>}, {pipeline_mode = #tpu.pipeline_mode<synchronous>, transform_indices = @transform_3, window_bounds = array<i64: 384, 128>}, {pipeline_mode = #tpu.pipeline_mode<synchronous>, transform_indices = @transform_4, window_bounds = array<i64: 1, 384>}, {pipeline_mode = #tpu.pipeline_mode<synchronous>, transform_indices = @transform_5, window_bounds = array<i64: 1, 384>}, {pipeline_mode = #tpu.pipeline_mode<synchronous>, transform_indices = @transform_6, window_bounds = array<i64: 128, 128>}, {transform_indices = @transform_7, window_bounds = array<i64: 1000, 128>}, {transform_indices = @transform_8, window_bounds = array<i64: 1000, 128>}]} {
    %get3A = arith.constant 0 : index
    %get3A_0 = arith.constant 0 : index
    %get3A_1 = vector.load %arg1[%get3A, %get3A_0] : memref<1000x128xf32, #tpu.memory_space<vmem>>, vector<1000x128xf32>
    %get3A_2 = arith.constant 0 : index
    %get3A_3 = arith.constant 0 : index
    %get3A_4 = vector.load %arg2[%get3A_2, %get3A_3] : memref<1000x128xf32, #tpu.memory_space<vmem>>, vector<1000x128xf32>
    %get3A_5 = arith.constant 0 : index
    %get3A_6 = arith.constant 0 : index
    %get3A_7 = vector.load %arg3[%get3A_5, %get3A_6] : memref<384x128xf32, #tpu.memory_space<vmem>>, vector<384x128xf32>
    %dot_general3A = arith.constant dense<0.000000e+00> : vector<1000x384xf32>
    %dot_general3A_8 = tpu.matmul %get3A_1, %get3A_7, %dot_general3A {dimension_numbers = #tpu.dot_dimension_numbers<[1], [1], [0], [0], [0, 0, 1, 0], [], []>, transpose_lhs_hint = false} : vector<1000x128xf32>, vector<384x128xf32>, vector<1000x384xf32> -> vector<1000x384xf32>
    %get3A_9 = arith.constant 0 : index
    %get3A_10 = arith.constant 0 : index
    %get3A_11 = vector.load %arg5[%get3A_9, %get3A_10] : memref<1x384xf32, #tpu.memory_space<vmem>>, vector<1x384xf32>
    %add3A = vector.broadcast %get3A_11 : vector<1x384xf32> to vector<1000x384xf32>
    %add3A_12 = arith.addf %dot_general3A_8, %add3A : vector<1000x384xf32>
    %get3A_13 = arith.constant 0 : index
    %get3A_14 = arith.constant 0 : index
    %get3A_15 = vector.load %arg4[%get3A_13, %get3A_14] : memref<384x128xf32, #tpu.memory_space<vmem>>, vector<384x128xf32>
    %dot_general3A_16 = arith.constant dense<0.000000e+00> : vector<1000x384xf32>
    %dot_general3A_17 = tpu.matmul %get3A_4, %get3A_15, %dot_general3A_16 {dimension_numbers = #tpu.dot_dimension_numbers<[1], [1], [0], [0], [0, 0, 1, 0], [], []>, transpose_lhs_hint = false} : vector<1000x128xf32>, vector<384x128xf32>, vector<1000x384xf32> -> vector<1000x384xf32>
    %get3A_18 = arith.constant 0 : index
    %get3A_19 = arith.constant 0 : index
    %get3A_20 = vector.load %arg6[%get3A_18, %get3A_19] : memref<1x384xf32, #tpu.memory_space<vmem>>, vector<1x384xf32>
    %add3A_21 = vector.broadcast %get3A_20 : vector<1x384xf32> to vector<1000x384xf32>
    %add3A_22 = arith.addf %dot_general3A_17, %add3A_21 : vector<1000x384xf32>
    %slice3A = vector.extract_strided_slice %add3A_12 {offsets = [0, 0], sizes = [1000, 128], strides = [1, 1]} : vector<1000x384xf32> to vector<1000x128xf32>
    %slice3A_23 = vector.extract_strided_slice %add3A_22 {offsets = [0, 0], sizes = [1000, 128], strides = [1, 1]} : vector<1000x384xf32> to vector<1000x128xf32>
    %add3A_24 = arith.addf %slice3A, %slice3A_23 : vector<1000x128xf32>
    %logistic3A = arith.negf %add3A_24 : vector<1000x128xf32>
    %logistic3A_25 = math.exp %logistic3A : vector<1000x128xf32>
    %logistic3A_26 = arith.constant 1.000000e+00 : f32
    %logistic3A_27 = vector.broadcast %logistic3A_26 : f32 to vector<1000x128xf32>
    %logistic3A_28 = arith.addf %logistic3A_27, %logistic3A_25 : vector<1000x128xf32>
    %logistic3A_29 = arith.divf %logistic3A_27, %logistic3A_28 : vector<1000x128xf32>
    %slice3A_30 = vector.extract_strided_slice %add3A_12 {offsets = [0, 128], sizes = [1000, 128], strides = [1, 1]} : vector<1000x384xf32> to vector<1000x128xf32>
    %slice3A_31 = vector.extract_strided_slice %add3A_22 {offsets = [0, 128], sizes = [1000, 128], strides = [1, 1]} : vector<1000x384xf32> to vector<1000x128xf32>
    %add3A_32 = arith.addf %slice3A_30, %slice3A_31 : vector<1000x128xf32>
    %logistic3A_33 = arith.negf %add3A_32 : vector<1000x128xf32>
    %logistic3A_34 = math.exp %logistic3A_33 : vector<1000x128xf32>
    %logistic3A_35 = arith.constant 1.000000e+00 : f32
    %logistic3A_36 = vector.broadcast %logistic3A_35 : f32 to vector<1000x128xf32>
    %logistic3A_37 = arith.addf %logistic3A_36, %logistic3A_34 : vector<1000x128xf32>
    %logistic3A_38 = arith.divf %logistic3A_36, %logistic3A_37 : vector<1000x128xf32>
    %slice3A_39 = vector.extract_strided_slice %add3A_12 {offsets = [0, 256], sizes = [1000, 128], strides = [1, 1]} : vector<1000x384xf32> to vector<1000x128xf32>
    %slice3A_40 = vector.extract_strided_slice %add3A_22 {offsets = [0, 256], sizes = [1000, 128], strides = [1, 1]} : vector<1000x384xf32> to vector<1000x128xf32>
    %mul3A = arith.mulf %logistic3A_29, %slice3A_40 : vector<1000x128xf32>
    %add3A_41 = arith.addf %slice3A_39, %mul3A : vector<1000x128xf32>
    %tanh3A = math.tanh %add3A_41 : vector<1000x128xf32>
    %sub3A = arith.constant 1.000000e+00 : f32
    %sub3A_42 = vector.broadcast %sub3A : f32 to vector<1000x128xf32>
    %sub3A_43 = arith.subf %sub3A_42, %logistic3A_38 : vector<1000x128xf32>
    %mul3A_44 = arith.mulf %sub3A_43, %tanh3A : vector<1000x128xf32>
    %mul3A_45 = arith.mulf %logistic3A_38, %get3A_4 : vector<1000x128xf32>
    %add3A_46 = arith.addf %mul3A_44, %mul3A_45 : vector<1000x128xf32>
    %swap3A = arith.constant 0 : index
    %swap3A_47 = arith.constant 0 : index
    %swap3A_48 = vector.load %arg8[%swap3A, %swap3A_47] : memref<1000x128xf32, #tpu.memory_space<vmem>>, vector<1000x128xf32>
    tpu.vector_store %arg8[%swap3A, %swap3A_47], %add3A_46 {strides = array<i32>} : memref<1000x128xf32, #tpu.memory_space<vmem>>, vector<1000x128xf32>,
    %get3A_49 = arith.constant 0 : index
    %get3A_50 = arith.constant 0 : index
    %get3A_51 = vector.load %arg7[%get3A_49, %get3A_50] : memref<128x128xf32, #tpu.memory_space<vmem>>, vector<128x128xf32>
    %dot_general3A_52 = arith.constant dense<0.000000e+00> : vector<1000x128xf32>
    %dot_general3A_53 = tpu.matmul %add3A_46, %get3A_51, %dot_general3A_52 {dimension_numbers = #tpu.dot_dimension_numbers<[1], [0], [0], [1], [0, 0, 1, 1], [], []>, transpose_lhs_hint = false} : vector<1000x128xf32>, vector<128x128xf32>, vector<1000x128xf32> -> vector<1000x128xf32>
    %swap3A_54 = arith.constant 0 : index
    %swap3A_55 = arith.constant 0 : index
    %swap3A_56 = vector.load %arg9[%swap3A_54, %swap3A_55] : memref<1000x128xf32, #tpu.memory_space<vmem>>, vector<1000x128xf32>
    tpu.vector_store %arg9[%swap3A_54, %swap3A_55], %dot_general3A_53 {strides = array<i32>} : memref<1000x128xf32, #tpu.memory_space<vmem>>, vector<1000x128xf32>,
    return
  }
  func.func @transform_0(%arg0: i32) -> (i32, i32) {
    %c0_i32 = arith.constant 0 : i32
    %c0_i32_0 = arith.constant 0 : i32
    return %arg0, %c0_i32 : i32, i32
  }
  func.func @transform_1(%arg0: i32) -> (i32, i32) {
    %c0_i32 = arith.constant 0 : i32
    %c0_i32_0 = arith.constant 0 : i32
    return %arg0, %c0_i32 : i32, i32
  }
  func.func @transform_2(%arg0: i32) -> (i32, i32) {
    %c0_i32 = arith.constant 0 : i32
    %c0_i32_0 = arith.constant 0 : i32
    %c0_i32_1 = arith.constant 0 : i32
    return %c0_i32, %c0_i32_0 : i32, i32
  }
  func.func @transform_3(%arg0: i32) -> (i32, i32) {
    %c0_i32 = arith.constant 0 : i32
    %c0_i32_0 = arith.constant 0 : i32
    %c0_i32_1 = arith.constant 0 : i32
    return %c0_i32, %c0_i32_0 : i32, i32
  }
  func.func @transform_4(%arg0: i32) -> (i32, i32) {
    %c0_i32 = arith.constant 0 : i32
    %c0_i32_0 = arith.constant 0 : i32
    %c0_i32_1 = arith.constant 0 : i32
    return %c0_i32, %c0_i32_0 : i32, i32
  }
  func.func @transform_5(%arg0: i32) -> (i32, i32) {
    %c0_i32 = arith.constant 0 : i32
    %c0_i32_0 = arith.constant 0 : i32
    %c0_i32_1 = arith.constant 0 : i32
    return %c0_i32, %c0_i32_0 : i32, i32
  }
  func.func @transform_6(%arg0: i32) -> (i32, i32) {
    %c0_i32 = arith.constant 0 : i32
    %c0_i32_0 = arith.constant 0 : i32
    %c0_i32_1 = arith.constant 0 : i32
    return %c0_i32, %c0_i32_0 : i32, i32
  }
  func.func @transform_7(%arg0: i32) -> (i32, i32) {
    %c0_i32 = arith.constant 0 : i32
    %c0_i32_0 = arith.constant 0 : i32
    return %arg0, %c0_i32 : i32, i32
  }
  func.func @transform_8(%arg0: i32) -> (i32, i32) {
    %c0_i32 = arith.constant 0 : i32
    %c0_i32_0 = arith.constant 0 : i32
    return %arg0, %c0_i32 : i32, i32
  }
}

module attributes {stable_mosaic.version = 14 : i64} {
  func.func @_fin_body(%arg0: i32, %arg1: memref<1000x128xf32, #tpu.memory_space<vmem>>, %arg2: memref<1x128xf32, #tpu.memory_space<vmem>>, %arg3: memref<1x128xf32, #tpu.memory_space<vmem>>, %arg4: memref<128x128xf32, #tpu.memory_space<vmem>>, %arg5: memref<1x128xf32, #tpu.memory_space<vmem>>, %arg6: memref<1000x128xf32, #tpu.memory_space<vmem>>, %arg7: memref<1000x128xf32, #tpu.memory_space<vmem>>) attributes {dimension_semantics = [#tpu.dimension_semantics<arbitrary>], iteration_bounds = array<i64: 10>, scalar_prefetch = 0 : i64, scratch_operands = 0 : i64, tpu.core_type = #tpu.core_type<tc>, window_params = [{transform_indices = @transform_0, window_bounds = array<i64: 1000, 128>}, {pipeline_mode = #tpu.pipeline_mode<synchronous>, transform_indices = @transform_1, window_bounds = array<i64: 1, 128>}, {pipeline_mode = #tpu.pipeline_mode<synchronous>, transform_indices = @transform_2, window_bounds = array<i64: 1, 128>}, {pipeline_mode = #tpu.pipeline_mode<synchronous>, transform_indices = @transform_3, window_bounds = array<i64: 128, 128>}, {pipeline_mode = #tpu.pipeline_mode<synchronous>, transform_indices = @transform_4, window_bounds = array<i64: 1, 128>}, {transform_indices = @transform_5, window_bounds = array<i64: 1000, 128>}, {transform_indices = @transform_6, window_bounds = array<i64: 1000, 128>}]} {
    %get3A = arith.constant 0 : index
    %get3A_0 = arith.constant 0 : index
    %get3A_1 = vector.load %arg1[%get3A, %get3A_0] : memref<1000x128xf32, #tpu.memory_space<vmem>>, vector<1000x128xf32>
    %get3A_2 = arith.constant 0 : index
    %get3A_3 = arith.constant 0 : index
    %get3A_4 = vector.load %arg2[%get3A_2, %get3A_3] : memref<1x128xf32, #tpu.memory_space<vmem>>, vector<1x128xf32>
    %sqrt3A = arith.constant 1.000010e+00 : f32
    %sqrt3A_5 = math.sqrt %sqrt3A : f32
    %div3A = vector.broadcast %sqrt3A_5 : f32 to vector<1x128xf32>
    %div3A_6 = arith.divf %get3A_4, %div3A : vector<1x128xf32>
    %mul3A = vector.broadcast %div3A_6 : vector<1x128xf32> to vector<1000x128xf32>
    %mul3A_7 = arith.mulf %get3A_1, %mul3A : vector<1000x128xf32>
    %get3A_8 = arith.constant 0 : index
    %get3A_9 = arith.constant 0 : index
    %get3A_10 = vector.load %arg3[%get3A_8, %get3A_9] : memref<1x128xf32, #tpu.memory_space<vmem>>, vector<1x128xf32>
    %add3A = vector.broadcast %get3A_10 : vector<1x128xf32> to vector<1000x128xf32>
    %add3A_11 = arith.addf %mul3A_7, %add3A : vector<1000x128xf32>
    %get3A_12 = arith.constant 0 : index
    %get3A_13 = arith.constant 0 : index
    %get3A_14 = vector.load %arg4[%get3A_12, %get3A_13] : memref<128x128xf32, #tpu.memory_space<vmem>>, vector<128x128xf32>
    %dot_general3A = arith.constant dense<0.000000e+00> : vector<1000x128xf32>
    %dot_general3A_15 = tpu.matmul %add3A_11, %get3A_14, %dot_general3A {dimension_numbers = #tpu.dot_dimension_numbers<[1], [1], [0], [0], [0, 0, 1, 0], [], []>, transpose_lhs_hint = false} : vector<1000x128xf32>, vector<128x128xf32>, vector<1000x128xf32> -> vector<1000x128xf32>
    %get3A_16 = arith.constant 0 : index
    %get3A_17 = arith.constant 0 : index
    %get3A_18 = vector.load %arg5[%get3A_16, %get3A_17] : memref<1x128xf32, #tpu.memory_space<vmem>>, vector<1x128xf32>
    %add3A_19 = vector.broadcast %get3A_18 : vector<1x128xf32> to vector<1000x128xf32>
    %add3A_20 = arith.addf %dot_general3A_15, %add3A_19 : vector<1000x128xf32>
    %swap3A = arith.constant 0 : index
    %swap3A_21 = arith.constant 0 : index
    %swap3A_22 = vector.load %arg7[%swap3A, %swap3A_21] : memref<1000x128xf32, #tpu.memory_space<vmem>>, vector<1000x128xf32>
    tpu.vector_store %arg7[%swap3A, %swap3A_21], %add3A_20 {strides = array<i32>} : memref<1000x128xf32, #tpu.memory_space<vmem>>, vector<1000x128xf32>,
    %reduce_max3A = arith.constant dense<0xFF800000> : vector<1000xf32>
    %reduce_max3A_23 = vector.multi_reduction <maximumf>, %add3A_20, %reduce_max3A [1] : vector<1000x128xf32> to vector<1000xf32>
    %broadcast_in_dim3A = vector.shape_cast %reduce_max3A_23 : vector<1000xf32> to vector<1000x1xf32>
    %sub3A = vector.broadcast %broadcast_in_dim3A : vector<1000x1xf32> to vector<1000x128xf32>
    %sub3A_24 = arith.subf %add3A_20, %sub3A : vector<1000x128xf32>
    %exp3A = math.exp %sub3A_24 : vector<1000x128xf32>
    %reduce_sum3A = arith.constant dense<0.000000e+00> : vector<1000xf32>
    %reduce_sum3A_25 = vector.multi_reduction <add>, %exp3A, %reduce_sum3A [1] : vector<1000x128xf32> to vector<1000xf32>
    %broadcast_in_dim3A_26 = vector.shape_cast %reduce_sum3A_25 : vector<1000xf32> to vector<1000x1xf32>
    %log3A = math.log %broadcast_in_dim3A_26 : vector<1000x1xf32>
    %sub3A_27 = vector.broadcast %log3A : vector<1000x1xf32> to vector<1000x128xf32>
    %sub3A_28 = arith.subf %sub3A_24, %sub3A_27 : vector<1000x128xf32>
    %swap3A_29 = arith.constant 0 : index
    %swap3A_30 = arith.constant 0 : index
    %swap3A_31 = vector.load %arg6[%swap3A_29, %swap3A_30] : memref<1000x128xf32, #tpu.memory_space<vmem>>, vector<1000x128xf32>
    tpu.vector_store %arg6[%swap3A_29, %swap3A_30], %sub3A_28 {strides = array<i32>} : memref<1000x128xf32, #tpu.memory_space<vmem>>, vector<1000x128xf32>,
    return
  }
  func.func @transform_0(%arg0: i32) -> (i32, i32) {
    %c0_i32 = arith.constant 0 : i32
    %c0_i32_0 = arith.constant 0 : i32
    return %arg0, %c0_i32 : i32, i32
  }
  func.func @transform_1(%arg0: i32) -> (i32, i32) {
    %c0_i32 = arith.constant 0 : i32
    %c0_i32_0 = arith.constant 0 : i32
    %c0_i32_1 = arith.constant 0 : i32
    return %c0_i32, %c0_i32_0 : i32, i32
  }
  func.func @transform_2(%arg0: i32) -> (i32, i32) {
    %c0_i32 = arith.constant 0 : i32
    %c0_i32_0 = arith.constant 0 : i32
    %c0_i32_1 = arith.constant 0 : i32
    return %c0_i32, %c0_i32_0 : i32, i32
  }
  func.func @transform_3(%arg0: i32) -> (i32, i32) {
    %c0_i32 = arith.constant 0 : i32
    %c0_i32_0 = arith.constant 0 : i32
    %c0_i32_1 = arith.constant 0 : i32
    return %c0_i32, %c0_i32_0 : i32, i32
  }
  func.func @transform_4(%arg0: i32) -> (i32, i32) {
    %c0_i32 = arith.constant 0 : i32
    %c0_i32_0 = arith.constant 0 : i32
    %c0_i32_1 = arith.constant 0 : i32
    return %c0_i32, %c0_i32_0 : i32, i32
  }
  func.func @transform_5(%arg0: i32) -> (i32, i32) {
    %c0_i32 = arith.constant 0 : i32
    %c0_i32_0 = arith.constant 0 : i32
    return %arg0, %c0_i32 : i32, i32
  }
  func.func @transform_6(%arg0: i32) -> (i32, i32) {
    %c0_i32 = arith.constant 0 : i32
    %c0_i32_0 = arith.constant 0 : i32
    return %arg0, %c0_i32 : i32, i32
  }
}

</mosaic_0001>

<sc_bundles>
// kernel: closed_call.13.cloned.1.call-start
scs
__scs_entry_jumppad:
0x0: {  	(pc) =	sbr.rel $0x88, $3  }
0x1: {  	(tag) =	ssettag $0x0;
	lr =	simm.s32 $0x1  }
0x2: {  	[smem:$0x3F92] =	sst lr;
	_ =	strace $0xD0000000  }
0x3: {  	_ = 	snop  }
0x4: {  	_ = 	snop  }
0x5: {  	_ = 	snop  }
0x6: {  	_ = 	snop  }
0x7: {  	_ = 	snop  }
__scs_overlays_trampoline_lowered:
0x8: {  	[smem:$0x3FA1] =	sst s0  }
0x9: {  	[smem:$0x3FA2] =	sst s1  }
0xa: {  	[smem:$0x3FA3] =	sst s2  }
0xb: {  	[smem:$0x3FA4] =	sst s3  }
0xc: {  	[smem:$0x3FA5] =	sst s4  }
0xd: {  	[smem:$0x3FA6] =	sst s5  }
0xe: {  	[smem:$0x3FA7] =	sst s6  }
0xf: {  	[smem:$0x3FA8] =	sst s7  }
0x10: {  	[smem:$0x3FA9] =	sst s8  }
0x11: {  	[smem:$0x3FAA] =	sst s9;
	s0 =	simm.s32 @!p0 $0x0  }
0x12: {  	s1 =	sld [smem:$0x3F90];
	s0 =	simm.s32 @p0 $0x1  }
0x13: {  	[smem:$0x3FAB] =	sst s0;
	s0 =	simm.s32 @!p1 $0x0  }
0x14: {  	s2 =	sld [smem:$0x3F8F];
	s0 =	simm.s32 @p1 $0x1  }
0x15: {  	[smem:$0x3FAC] =	sst s0;
	s0 =	simm.s32 @!p2 $0x0  }
0x16: {  	s3 =	sld [smem:$0x3FDB];
	s0 =	simm.s32 @p2 $0x1  }
0x17: {  	s4 =	simm.s32 $0x1BF5;
	[smem:$0x3FAE] =	sst s0  }
0x18: {  	s0 =	sld [smem:$0x3F91];
	_ =	swait.ge [sflag:s4], $0x0  }
0x19: {  	s7 =	sld [smem:$0x3F92]  }
0x1a: {  	s8 =	sadd.s32 $0xFFFFE003, lr  }
0x1b: {  	s9 =	sadd.s32 $0xFFFFFEF7, lr;
	s5 =	simm.s32 $0xFFFFFFFF;
	p2 =	slt.u32 s8, $0xFFFFF086  }
0x1c: {  	p1 =	slt.u32 s9, $0xF7A;
	s5 =	simm.s32 @!p2 $0x0  }
0x1d: {  	s5 =	simm.s32 @p1 $0x1;
	p0 =	seq.s32 s7, s2  }
0x1e: {  	s7 =	smul.u32 @!p0 $0xF7A, s2;
	p2 =	seq.s32 @!p0 s5, $0x0  }
0x1f: {  	s9 =	smul.u32 $0xF7A, s1;
	s8 =	simm.s32 @!p0 $0x1BF5;
	p2 =	por !p2, p0  }
0x20: {  	[sflag:s8] =	ssyncset.s32 @!p0 $0xFFFFF086;
	s6 =	sadd.s32 @!p0 s3, s7;
	s7 =	simm.s32 @!p0 $0x108  }
0x21: {  	s3 =	sadd.s32 s3, s9;
	s6 =	sadd.s32 @!p0 $0x88, s6;
	s7 =	simm.s32 @p2 $0x1082  }
0x22: {  	[simem:s7], [sflag:s8] =	dma.local @!p0 [hbm:s6], $0xF7A  }
0x23: {  	s9 =	sor.u32 $0xD0000000, s2;
	s6 =	simm.s32 $0x108;
	_ =	swait.ge @!p0 [sflag:s8], $0x0  }
0x24: {  	s3 =	sadd.s32 $0x88, s3;
	s6 =	simm.s32 @!p1 $0x1082;
	[sflag:s4] =	ssyncset.s32 $0xFFFFF086  }
0x25: {  	[simem:s6], [sflag:s4] =	dma.local [hbm:s3], $0xF7A  }
0x26: {  	[smem:$0x3F92] =	sst s1;
	(tag) =	ssettag s2;
	_ =	strace s9  }
0x27: {  	s1 =	sld [smem:$0x3FA2]  }
0x28: {  	s2 =	sld [smem:$0x3FA3]  }
0x29: {  	s4 =	sld [smem:$0x3FA5]  }
0x2a: {  	p0 =	seq.s32 s5, $0x0;
	s5 =	sld [smem:$0x3FA6]  }
0x2b: {  	s6 =	sld [smem:$0x3FA7]  }
0x2c: {  	s7 =	sld [smem:$0x3FA8]  }
0x2d: {  	s3 =	simm.s32 $0x108;
	s8 =	sld [smem:$0x3FA9]  }
0x2e: {  	s3 =	simm.s32 @!p0 $0x1082;
	s9 =	sld [smem:$0x3FAA]  }
0x2f: {  	lr =	sadd.s32 s0, s3;
	s0 =	sld [smem:$0x3FA1]  }
0x30: {  	s3 =	sld [smem:$0x3FA4]  }
0x31: {  	[smem:$0x3FAD] =	sst s10  }
0x32: {  	s10 =	sld [smem:$0x3FAB];
	_ =	sdelay $0x3  }
0x33: {  	p0 =	seq.s32 s10, $0x1;
	s10 =	sld [smem:$0x3FAD];
	_ =	sdelay $0x3  }
0x34: {  	[smem:$0x3FAD] =	sst s10  }
0x35: {  	s10 =	sld [smem:$0x3FAC];
	_ =	sdelay $0x3  }
0x36: {  	p1 =	seq.s32 s10, $0x1;
	s10 =	sld [smem:$0x3FAD];
	_ =	sdelay $0x3  }
0x37: {  	[smem:$0x3FAD] =	sst s10  }
0x38: {  	s10 =	sld [smem:$0x3FAE]  }
0x39: {  	_ = 	snop;
	(pc) =	sbr.ind lr, $3  }
0x3a: {  	_ = 	snop  }
0x3b: {  	_ = 	snop  }
0x3c: {  	p2 =	seq.s32 s10, $0x1;
	s10 =	sld [smem:$0x3FAD]  }
0x3d: {  	_ =	shalt  }
0x3e: {  	_ =	shalt  }
0x3f: {  	_ =	shalt  }
0x40: {  	_ =	shalt  }
0x41: {  	_ =	shalt  }
0x42: {  	_ =	shalt  }
0x43: {  	_ =	shalt  }
0x44: {  	_ =	shalt  }
0x45: {  	_ =	shalt  }
0x46: {  	_ =	shalt  }
0x47: {  	_ =	shalt  }
0x48: {  	_ =	shalt  }
0x49: {  	_ =	shalt  }
0x4a: {  	_ =	shalt  }
0x4b: {  	_ =	shalt  }
0x4c: {  	_ =	shalt  }
0x4d: {  	_ =	shalt  }
0x4e: {  	_ =	shalt  }
0x4f: {  	_ =	shalt  }
0x50: {  	_ =	shalt  }
0x51: {  	_ =	shalt  }
0x52: {  	_ =	shalt  }
0x53: {  	_ =	shalt  }
0x54: {  	_ =	shalt  }
0x55: {  	_ =	shalt  }
0x56: {  	_ =	shalt  }
0x57: {  	_ =	shalt  }
0x58: {  	_ =	shalt  }
0x59: {  	_ =	shalt  }
0x5a: {  	_ =	shalt  }
0x5b: {  	_ =	shalt  }
0x5c: {  	_ =	shalt  }
0x5d: {  	_ =	shalt  }
0x5e: {  	_ =	shalt  }
0x5f: {  	_ =	shalt  }
0x60: {  	_ =	shalt  }
0x61: {  	_ =	shalt  }
0x62: {  	_ =	shalt  }
0x63: {  	_ =	shalt  }
0x64: {  	_ =	shalt  }
0x65: {  	_ =	shalt  }
0x66: {  	_ =	shalt  }
0x67: {  	_ =	shalt  }
0x68: {  	_ =	shalt  }
0x69: {  	_ =	shalt  }
0x6a: {  	_ =	shalt  }
0x6b: {  	_ =	shalt  }
0x6c: {  	_ =	shalt  }
0x6d: {  	_ =	shalt  }
0x6e: {  	_ =	shalt  }
0x6f: {  	_ =	shalt  }
0x70: {  	_ =	shalt  }
0x71: {  	_ =	shalt  }
0x72: {  	_ =	shalt  }
0x73: {  	_ =	shalt  }
0x74: {  	_ =	shalt  }
0x75: {  	_ =	shalt  }
0x76: {  	_ =	shalt  }
0x77: {  	_ =	shalt  }
0x78: {  	_ =	shalt  }
0x79: {  	_ =	shalt  }
0x7a: {  	_ =	shalt  }
0x7b: {  	_ =	shalt  }
0x7c: {  	_ =	shalt  }
0x7d: {  	_ =	shalt  }
0x7e: {  	_ =	shalt  }
0x7f: {  	_ =	shalt  }
0x80: {  	_ =	shalt  }
0x81: {  	_ =	shalt  }
0x82: {  	_ =	shalt  }
0x83: {  	_ =	shalt  }
0x84: {  	_ =	shalt  }
0x85: {  	_ =	shalt  }
0x86: {  	_ =	shalt  }
0x87: {  	_ =	shalt  }
.Lfunc_end0:
.L_simem_size_0:
called_computation_lowered:
.L_overlay_start_0:
0x88: {  	s2 =	sld [smem:$0x3FD9]  }
0x89: {  	s3 =	sld [smem:$0x3FFE];
	_ =	sdelay $0x1  }
0x8a: {  	s1 =	srdreg.scid  }
0x8b: {  	s0 =	sand.u32 $0x1, s1  }
0x8c: {  	s14 =	sshll.u32 s0, $0xA;
	s2 =	sadd.s32 s3, s2  }
0x8d: {  	s2 =	sadd.s32 s2, s14  }
0x8e: {  	[smem:$0x3FB9] =	sst s2  }
0x8f: {  	_ = 	snop  }
0x90: {  	s2 =	sld [smem:$0x3FD0];
	_ =	sdelay $0x2  }
0x91: {  	s15 =	simm.s32 $0xA;
	s4 =	simm.s32 $0x10  }
0x92: {  	[smem:s4], [sflag:s15] =	dma.local [hbm:s2], $0x1  }
0x93: {  	_ =	swait.eq [sflag:s15], $0x1  }
0x94: {  	[sflag:s15] =	ssyncset.done $0x0  }
0x95: {  	s16 =	sld [smem:$0x10];
	[sflag:s15] =	ssyncadd.s32 $0xFFFFFFFF  }
0x96: {  	s17 =	sld [smem:$0x11];
	(tm) =	ssettm $0x1  }
0x97: {  	s18 =	sld [smem:$0x3FFB];
	_ =	sdelay $0x3  }
0x98: {  	_ =	strace s18  }
0x99: {  	s4 =	sld [smem:$0x3FFC];
	_ =	sdelay $0x3  }
0x9a: {  	_ =	strace s4  }
0x9b: {  	s4 =	sld [smem:$0x3FFD];
	_ =	sdelay $0x3  }
0x9c: {  	_ =	strace s4  }
0x9d: {  	_ =	strace $0x8FFFFFFF  }
0x9e: {  	s19 =	sld [smem:$0x3FDB];
	_ =	sdelay $0x1  }
0x9f: {  	s5 =	simm.s32 $_scs_section_size  }
0xa0: {  	s6 =	simm.s32 $_size__tile_overlayer_lowered;
	s7 =	simm.s32 $_tile_overlayer_lowered  }
0xa1: {  	s22 =	simm.s32 $0x1BFF;
	s21 =	sshll.u32 s7, $0x1;
	s4 =	sadd.s32 s5, s19  }
0xa2: {  	s8 =	simm.s32 $0x0;
	s20 =	sshll.u32 s6, $0x1;
	s6 =	sadd.s32 s21, s4  }
0xa3: {  	[timem:s8], [sflag:s22] =	dma.local [hbm:s6], s20  }
0xa4: {  	_ =	swait.ge [sflag:s22], s20  }
0xa5: {  	s5 =	ssub.s32 $0x0, s20;
	[sflag:s22] =	ssyncset.done $0x0  }
0xa6: {  	[sflag:s22] =	ssyncadd.s32 s5;
	_ =	sdelay $0x1  }
0xa7: {  	s23 =	simm.s32 $0x1B8B  }
0xa8: {  	_ =	swait.ge [sflag:s23], $0x1  }
0xa9: {  	[sflag:s23] =	ssyncset.done $0x0  }
0xaa: {  	s25 =	simm.s32 $0x1B8E;
	s24 =	sld [smem:$0x3FFE];
	[sflag:s23] =	ssyncadd.s32 $0xFFFFFFFF  }
0xab: {  	s26 =	simm.s32 $execute0_lowered;
	[smem:$0x3FD2] =	sst s25  }
0xac: {  	s6 =	sshll.u32 s26, $0x1;
	_ =	strace $0x80000046;
	[dreg:$0x1] =	wrdreg $0xFFFFFFFF  }
0xad: {  	s28 =	simm.s32 $_size_execute0_lowered;
	s4 =	sadd.s32 s4, s6;
	[dreg:$0x0] =	wrdreg $0x0  }
0xae: {  	s6 =	sshll.u32 s28, $0x1;
	[dreg:$0x2] =	wrdreg s4  }
0xaf: {  	[dreg:$0x3] =	wrdreg s6  }
0xb0: {  	[dreg:$0x4] =	wrdreg $0xC0  }
0xb1: {  	_ =	task [dreg:s8], $0x5FFFF  }
0xb2: {  	[dreg:$0x1] =	wrdreg $0xFFFFFFFF  }
0xb3: {  	[dreg:$0x0] =	wrdreg $0x60  }
0xb4: {  	[dreg:$0x2] =	wrdreg s17  }
0xb5: {  	[dreg:$0x3] =	wrdreg s16  }
0xb6: {  	[dreg:$0x4] =	wrdreg s24  }
0xb7: {  	[dreg:$0x5] =	wrdreg $0x132000  }
0xb8: {  	[dreg:$0x6] =	wrdreg $0x9  }
0xb9: {  	_ =	task.clear_ibuf [dreg:s8], $0x7FFFF;
	_ =	strace $0x90000046  }
0xba: {  	s29 =	simm.s32 $0x9;
	_ =	strace $0x80000048  }
0xbb: {  	_ =	swait.ge [sflag:s29], $0x1  }
0xbc: {  	[sflag:s29] =	ssyncadd.s32 $0xFFFFFFFF  }
0xbd: {  	_ =	strace $0x90000048  }
0xbe: {  	_ =	sfence  }
0xbf: {  	s30 =	sld [smem:$0x0];
	_ =	sdelay $0x2  }
0xc0: {  	s31 =	sshll.u32 s1, $0xD;
	s1 =	sshrl.u32 s1, $0x2  }
0xc1: {  	s3 =	sand.u32 $0x4000, s31;
	s1 =	sadd.s32 s1, s30  }
0xc2: {  	s0 =	sor.u32 s3, s0;
	s1 =	sshll.u32 s1, $0x11  }
0xc3: {  	s0 =	sor.u32 s1, s0  }
0xc4: {  	s0 =	sadd.s32 $0x8F2B, s0  }
0xc5: {  	[sflag:s0] =	ssyncadd.remote.s32 $0x1  }
0xc6: {  	_ =	sfence.sel $0xFFFF  }
0xc7: {  	[dreg:$0x0] =	wrdreg $0xFFFFFFFF;
	(pc) =	sbr.abs _section_cstart, $3  }
0xc8: {  	[dreg:$0x1] =	wrdreg $0xFFFFFFFF  }
0xc9: {  	_ =	task.clear_ibuf [dreg:s8], $0x2FFFF;
	_ =	strace $0x9FFFFFFF  }
0xca: {  	(tm) =	ssettm $0x7FFFFFFF  }
0xcb: {  	_ =	shalt  }
tec
execute0_lowered:
.L_overlay_start_1:
0x0: {  	(tag) =	ssettag $0x1  }
0x1: {  	s1 =	rddreg [dreg:$0x0]  }
0x2: {  	s0 =	rddreg [dreg:$0x1]  }
0x3: {  	s2 =	rddreg [dreg:$0x2];
	s8 =	stileid.u32  }
0x4: {  	s4 =	srdreg.scid;
	s3 =	rddreg [dreg:$0x3];
	s28 =	simm.s32 $0x9E00  }
0x5: {  	s29 =	simm.s32 $0xE200;
	s30 =	simm.s32 $0x2;
	s31 =	simm.s32 $0x9F80  }
0x6: {  	s12 =	simm.s32 $0x6;
	s13 =	simm.s32 $0x4;
	s6 =	smul.u32 $0x9C4, s8  }
0x7: {  	s5 =	sand.u32 $0x1, s4;
	s7 =	smul.u32 $0x140, s8;
	s4 =	simm.s32 $0x0  }
0x8: {  	s14 =	simm.s32 $0xA080;
	s8 =	smul.u32 $0x28000, s8;
	[smem:$0x7FF] =	sst s4  }
0x9: {  	s15 =	smul.u32 $0x1400, s5;
	s9 =	ssub.s32 $0x2, s5;
	_ =	strace $0x80000047  }
0xa: {  	s10 =	sadd.s32 s6, s2;
	s16 =	sshrl.u32 s8, $0x2;
	s17 =	sshrl.u32 s9, $0x1  }
0xb: {  	s0 =	sadd.s32 s0, s6;
	s7 =	sadd.s32 s7, s15;
	s5 =	sadd.s32 s16, s3  }
0xc: {  	s11 =	ssub.s32 s9, s17;
	[dreg:$0x7] =	wrdreg s0;
	s20 =	sadd.s32 $0x2600, s10  }
0xd: {  	s0 =	simm.s32 $0x10200;
	s10 =	simm.s32 $0x3;
	s17 =	simm.s32 $0x0  }
0xe: {  	s7 =	sshll.u32 s7, $0x4;
	s16 =	sadd.s32 $0x4000, s5;
	s18 =	sadd.s32 $0x6000, s5  }
0xf: {  	s19 =	sadd.s32 $0x8000, s5;
	[dreg:$0x8] =	wrdreg s20;
	s26 =	smax.u32 s11, $0x1  }
0x10: {  	s20 =	simm.s32 $0x5;
	s11 =	simm.s32 $0xA000;
	[dreg:$0x5] =	wrdreg s18  }
0x11: {  	s2 =	sadd.s32 s7, s2;
	s7 =	sadd.s32 $0x2000, s5;
	[dreg:$0x6] =	wrdreg s19  }
0x12: {  	[dreg:$0xe] =	wrdreg s26;
	s18 =	simm.s32 $0xA200;
	s21 =	sadd.s32 $0xC400, s2  }
0x13: {  	s19 =	simm.s32 $0x9;
	s22 =	sadd.s32 $0xC800, s2;
	[dreg:$0x9] =	wrdreg s21  }
.Ltmp0:
0x14: {  	s23 =	sadd.s32 $0xCC00, s2;
	[dreg:$0xa] =	wrdreg s22;
	(pc) =	sbr.rel .LBB2_1-.Ltmp0, $4  }
0x15: {  	s26 =	simm.s32 $0x9F00;
	s24 =	sadd.s32 $0xD000, s2;
	[dreg:$0xb] =	wrdreg s23  }
0x16: {  	s25 =	sadd.s32 $0xD400, s2;
	s2 =	simm.s32 $0x9E80;
	[dreg:$0xc] =	wrdreg s24  }
0x17: {  	[dreg:$0xd] =	wrdreg s25;
	s21 =	simm.s32 $0x40;
	s22 =	simm.s32 $0x9D00  }
0x18: {  	v1 =	vimm.f32 $0.0e+00;
	v0 =	vmov s15;
	s23 =	simm.s32 $0x9D80;
	s24 =	simm.s32 $0xC200;
	s25 =	simm.s32 $0x1  }
.LBB2_6:
0x19: {  	_ =	swait.ge [sflag:s10], $0x2000  }
0x1a: {  	[sflag:s10] =	ssyncset.done $0x0  }
0x1b: {  	[sflag:s10] =	ssyncadd.s32 $0xFFFFE000;
	(ifvalue) =	ssetifvalue $0xFFFFFFFF  }
0x1c: {  	[spmem:s3] =	stream.indirect.scatter.add.f32 [tilespmem:s29], [sflag:$0x7], $0x80, s11, s21, $0x40b8;
	[tilespmem:$0x1D200] =	vst v63  }
0x1d: {  	_ =	swait.ge [sflag:s12], $0x2000  }
0x1e: {  	[sflag:s12] =	ssyncset.done $0x0  }
0x1f: {  	[sflag:s12] =	ssyncadd.s32 $0xFFFFE000  }
0x20: {  	_ =	swait.ge [sflag:s13], $0x2000  }
0x21: {  	[sflag:s13] =	ssyncset.done $0x0  }
0x22: {  	s6 =	simm.s32 $0x7;
	[sflag:s13] =	ssyncadd.s32 $0xFFFFE000;
	(ifvalue) =	ssetifvalue $0xFFFFFFFF  }
0x23: {  	[spmem:s3] =	stream.indirect.scatter.add.f32 [tilespmem:s0], [sflag:$0x8], $0x80, s14, s21, $0x40b8;
	[tilespmem:$0x1D200] =	vst v63  }
0x24: {  	_ =	swait.ge [sflag:s6], $0x2000  }
0x25: {  	[sflag:s6] =	ssyncset.done $0x0  }
0x26: {  	s15 =	simm.s32 $0x8;
	[sflag:s6] =	ssyncadd.s32 $0xFFFFE000  }
0x27: {  	_ =	swait.ge [sflag:s15], $0x2000  }
0x28: {  	[sflag:s15] =	ssyncset.done $0x0  }
0x29: {  	[sflag:s15] =	ssyncadd.s32 $0xFFFFE000  }
0x2a: {  	v2 =	vld [tilespmem:$0x9C80]  }
0x2b: {  	v3 =	vld [tilespmem:$0x4E00]  }
0x2c: {  	v4 =	vld [tilespmem:$0x9C90];
	_ =	sdelay $0x1  }
0x2d: {  	v5 =	vld [tilespmem:$0x4E10]  }
0x2e: {  	v2 =	vsub.s32 v2, v0  }
0x2f: {  	vm0 =	vlt.u32 v2, $0x1400  }
0x30: {  	v4 =	vsub.s32 v4, v0;
	v3 =	vnsel vm0, $0xFFFFFFFF, v3  }
0x31: {  	vm15 =	vlt.u32 v4, $0x1400;
	v2 =	vnsel vm0, $0xFFFFFFFF, v2;
	[tilespmem:$0xA100] =	vst v3  }
0x32: {  	[tilespmem:$0xA180] =	vst v2;
	v2 =	vnsel vm15, $0xFFFFFFFF, v5  }
0x33: {  	[tilespmem:$0xA110] =	vst v2;
	v2 =	vnsel vm15, $0xFFFFFFFF, v4  }
0x34: {  	s7 =	simm.s32 $0xA100;
	[tilespmem:$0xA190] =	vst v2;
	(ifvalue) =	ssetifvalue $0xFFFFFFFF  }
0x35: {  	s6 =	simm.s32 $0x20;
	s15 =	simm.s32 $0x12200;
	(ifvalue) =	ssetifvalue $0xFFFFFFFF  }
0x36: {  	[tilespmem:s15], [sflag:$0x1] =	stream.indirect.gather [hbm4b:s1+s6], $0x80, s7, s6, $0x40b8;
	[tilespmem:$0x1D200] =	vst v63  }
0x37: {  	_ =	swait.ge [sflag:s25], $0x1000  }
0x38: {  	[sflag:s25] =	ssyncset.done $0x0  }
0x39: {  	s16 =	simm.s32 $0xA180;
	[sflag:s25] =	ssyncadd.s32 $0xFFFFF000;
	(ifvalue) =	ssetifvalue $0xFFFFFFFF  }
0x3a: {  	[spmem:s3] =	stream.indirect.scatter.add.f32 [tilespmem:s15], [sflag:$0x5], $0x80, s16, s6, $0x40b8;
	[tilespmem:$0x1D200] =	vst v63  }
0x3b: {  	_ =	swait.ge [sflag:s20], $0x1000  }
0x3c: {  	[sflag:s20] =	ssyncset.done $0x0  }
0x3d: {  	[sflag:s20] =	ssyncadd.s32 $0xFFFFF000  }
0x3e: {  	[bflag:$0x0] =	sbarrier.arrive $0xFFFF  }
0x3f: {  	[tilespmem:s18], [sflag:$0x9] =	stream.linear.gather [spmem:s5], $0x2000, $0x38;
	[tilespmem:$0x1D200] =	vst v63  }
0x40: {  	_ =	swait.ge [sflag:s19], $0x2000  }
0x41: {  	[sflag:s19] =	ssyncset.done $0x0  }
0x42: {  	s15 =	rddreg [dreg:$0x9];
	[sflag:s19] =	ssyncadd.s32 $0xFFFFE000  }
0x43: {  	[hbm4b:s15+s4] =	stream.linear.scatter [tilespmem:s18], [sflag:$0x9], $0x2000, $0x38;
	[tilespmem:$0x1D200] =	vst v63  }
0x44: {  	_ =	swait.ge [sflag:s19], $0x2000  }
0x45: {  	[sflag:s19] =	ssyncset.done $0x0  }
0x46: {  	[sflag:s19] =	ssyncadd.s32 $0xFFFFE000  }
0x47: {  	[tilespmem:s18], [sflag:$0x9] =	stream.linear.gather [spmem:s8], $0x2000, $0x38;
	[tilespmem:$0x1D200] =	vst v63  }
0x48: {  	_ =	swait.ge [sflag:s19], $0x2000  }
0x49: {  	[sflag:s19] =	ssyncset.done $0x0  }
0x4a: {  	s16 =	rddreg [dreg:$0xa];
	[sflag:s19] =	ssyncadd.s32 $0xFFFFE000  }
0x4b: {  	[hbm4b:s16+s4] =	stream.linear.scatter [tilespmem:s18], [sflag:$0x9], $0x2000, $0x38;
	[tilespmem:$0x1D200] =	vst v63  }
0x4c: {  	_ =	swait.ge [sflag:s19], $0x2000  }
0x4d: {  	[sflag:s19] =	ssyncset.done $0x0  }
0x4e: {  	[sflag:s19] =	ssyncadd.s32 $0xFFFFE000  }
0x4f: {  	[tilespmem:s18], [sflag:$0x9] =	stream.linear.gather [spmem:s9], $0x2000, $0x38;
	[tilespmem:$0x1D200] =	vst v63  }
0x50: {  	_ =	swait.ge [sflag:s19], $0x2000  }
0x51: {  	[sflag:s19] =	ssyncset.done $0x0  }
0x52: {  	s7 =	smov.u32 s8;
	s8 =	rddreg [dreg:$0xb];
	[sflag:s19] =	ssyncadd.s32 $0xFFFFE000  }
0x53: {  	[hbm4b:s8+s4] =	stream.linear.scatter [tilespmem:s18], [sflag:$0x9], $0x2000, $0x38;
	[tilespmem:$0x1D200] =	vst v63  }
0x54: {  	_ =	swait.ge [sflag:s19], $0x2000  }
0x55: {  	[sflag:s19] =	ssyncset.done $0x0  }
0x56: {  	s16 =	smov.u32 s9;
	s9 =	rddreg [dreg:$0x5];
	[sflag:s19] =	ssyncadd.s32 $0xFFFFE000  }
0x57: {  	[tilespmem:s18], [sflag:$0x9] =	stream.linear.gather [spmem:s9], $0x2000, $0x38;
	[tilespmem:$0x1D200] =	vst v63  }
0x58: {  	_ =	swait.ge [sflag:s19], $0x2000  }
0x59: {  	[sflag:s19] =	ssyncset.done $0x0  }
0x5a: {  	s15 =	rddreg [dreg:$0xc];
	[sflag:s19] =	ssyncadd.s32 $0xFFFFE000  }
0x5b: {  	[hbm4b:s15+s4] =	stream.linear.scatter [tilespmem:s18], [sflag:$0x9], $0x2000, $0x38;
	[tilespmem:$0x1D200] =	vst v63  }
0x5c: {  	_ =	swait.ge [sflag:s19], $0x2000  }
0x5d: {  	[sflag:s19] =	ssyncset.done $0x0  }
0x5e: {  	s8 =	rddreg [dreg:$0x6];
	[sflag:s19] =	ssyncadd.s32 $0xFFFFE000  }
0x5f: {  	[tilespmem:s18], [sflag:$0x9] =	stream.linear.gather [spmem:s8], $0x2000, $0x38;
	[tilespmem:$0x1D200] =	vst v63  }
0x60: {  	_ =	swait.ge [sflag:s19], $0x2000  }
0x61: {  	[sflag:s19] =	ssyncset.done $0x0  }
0x62: {  	s9 =	rddreg [dreg:$0xd];
	[sflag:s19] =	ssyncadd.s32 $0xFFFFE000  }
0x63: {  	[hbm4b:s9+s4] =	stream.linear.scatter [tilespmem:s18], [sflag:$0x9], $0x2000, $0x38;
	[tilespmem:$0x1D200] =	vst v63  }
0x64: {  	_ =	swait.ge [sflag:s19], $0x2000  }
0x65: {  	s17 =	sadd.s32 $0x1, s17;
	s15 =	rddreg [dreg:$0xe]  }
0x66: {  	p0 =	sne.s32 s17, s15  }
.Ltmp1:
0x67: {  	_ = 	snop;
	(pc) =	sbr.rel @!p0 .LBB2_7-.Ltmp1, $3  }
0x68: {  	_ =	sdelay $0x1  }
0x69: {  	[sflag:s19] =	ssyncset.done $0x0  }
0x6a: {  	[sflag:s19] =	ssyncadd.s32 $0xFFFFE000  }
.LBB2_1:
0x6b: {  	s6 =	simm.s32 $0x0;
	s15 =	simm.s32 $0x200  }
.LBB2_2:
0x6c: {  	p0 =	sne.s32 s15, $0x7E00;
	[tilespmem:s6+$0xA270] =	vst v1  }
0x6d: {  	[tilespmem:s6+$0xA200] =	vst v1  }
0x6e: {  	[tilespmem:s6+$0xA210] =	vst v1  }
.Ltmp2:
0x6f: {  	[tilespmem:s6+$0xA220] =	vst v1;
	(pc) =	sbr.rel @p0 .LBB2_2-.Ltmp2, $4  }
0x70: {  	[tilespmem:s6+$0xA230] =	vst v1  }
0x71: {  	[tilespmem:s6+$0xA240] =	vst v1  }
0x72: {  	[tilespmem:s6+$0xA250] =	vst v1  }
0x73: {  	[tilespmem:s6+$0xA260] =	vst v1;
	s6 =	sshra.s32 s15, $0x2;
	s15 =	sadd.s32 $0x200, s15  }
0x74: {  	[tilespmem:s6+$0xA270] =	vst v1  }
0x75: {  	[tilespmem:s6+$0xA200] =	vst v1  }
0x76: {  	[tilespmem:s6+$0xA210] =	vst v1  }
0x77: {  	[tilespmem:s6+$0xA220] =	vst v1  }
0x78: {  	[tilespmem:s6+$0xA230] =	vst v1  }
0x79: {  	[tilespmem:s6+$0xA240] =	vst v1  }
0x7a: {  	[tilespmem:s6+$0xA250] =	vst v1  }
0x7b: {  	[tilespmem:s6+$0xA260] =	vst v1  }
0x7c: {  	[spmem:s5] =	stream.linear.scatter [tilespmem:s18], [sflag:$0x9], $0x2000, $0x38;
	[tilespmem:$0x1D200] =	vst v63  }
0x7d: {  	_ =	swait.ge [sflag:s19], $0x2000  }
0x7e: {  	[sflag:s19] =	ssyncset.done $0x0  }
0x7f: {  	[sflag:s19] =	ssyncadd.s32 $0xFFFFE000  }
0x80: {  	[spmem:s7] =	stream.linear.scatter [tilespmem:s18], [sflag:$0x9], $0x2000, $0x38;
	[tilespmem:$0x1D200] =	vst v63  }
0x81: {  	_ =	swait.ge [sflag:s19], $0x2000  }
0x82: {  	[sflag:s19] =	ssyncset.done $0x0  }
0x83: {  	[sflag:s19] =	ssyncadd.s32 $0xFFFFE000  }
0x84: {  	[spmem:s16] =	stream.linear.scatter [tilespmem:s18], [sflag:$0x9], $0x2000, $0x38;
	[tilespmem:$0x1D200] =	vst v63  }
0x85: {  	_ =	swait.ge [sflag:s19], $0x2000  }
0x86: {  	[sflag:s19] =	ssyncset.done $0x0  }
0x87: {  	s15 =	rddreg [dreg:$0x5];
	[sflag:s19] =	ssyncadd.s32 $0xFFFFE000  }
0x88: {  	[spmem:s15] =	stream.linear.scatter [tilespmem:s18], [sflag:$0x9], $0x2000, $0x38;
	[tilespmem:$0x1D200] =	vst v63  }
0x89: {  	_ =	swait.ge [sflag:s19], $0x2000  }
0x8a: {  	[sflag:s19] =	ssyncset.done $0x0  }
0x8b: {  	s9 =	smov.u32 s16;
	s16 =	rddreg [dreg:$0x6];
	[sflag:s19] =	ssyncadd.s32 $0xFFFFE000  }
0x8c: {  	[spmem:s16] =	stream.linear.scatter [tilespmem:s18], [sflag:$0x9], $0x2000, $0x38;
	[tilespmem:$0x1D200] =	vst v63  }
0x8d: {  	_ =	swait.ge [sflag:s19], $0x2000  }
0x8e: {  	[sflag:s19] =	ssyncset.done $0x0  }
0x8f: {  	s8 =	smov.u32 s7;
	s7 =	rddreg [dreg:$0x7];
	[sflag:s19] =	ssyncadd.s32 $0xFFFFE000  }
0x90: {  	[tilespmem:s4], [sflag:$0x9] =	stream.linear.gather [hbm4b:s7+s4], $0x4E20, $0x38;
	[tilespmem:$0x1D200] =	vst v63  }
0x91: {  	_ =	swait.ge [sflag:s19], $0x4E20  }
0x92: {  	[sflag:s19] =	ssyncset.done $0x0  }
0x93: {  	s16 =	simm.s32 $0x4E80;
	s15 =	rddreg [dreg:$0x8];
	[sflag:s19] =	ssyncadd.s32 $0xFFFFB1E0  }
0x94: {  	[tilespmem:s16], [sflag:$0x9] =	stream.linear.gather [hbm4b:s15+s4], $0x4E20, $0x38;
	[tilespmem:$0x1D200] =	vst v63  }
0x95: {  	_ =	swait.ge [sflag:s19], $0x4E20  }
0x96: {  	[sflag:s19] =	ssyncset.done $0x0  }
0x97: {  	[sflag:s19] =	ssyncadd.s32 $0xFFFFB1E0  }
0x98: {  	v2 =	vld [tilespmem:$0x4E80]  }
0x99: {  	v3 =	vld [tilespmem:$0x0]  }
0x9a: {  	v4 =	vld [tilespmem:$0x4E90]  }
0x9b: {  	v5 =	vld [tilespmem:$0x10]  }
0x9c: {  	v6 =	vld [tilespmem:$0x4EA0]  }
0x9d: {  	v7 =	vld [tilespmem:$0x20];
	v2 =	vsub.s32 v2, v0  }
0x9e: {  	v8 =	vld [tilespmem:$0x4EB0];
	vm0 =	vlt.u32 v2, $0x1400  }
0x9f: {  	v4 =	vsub.s32 v4, v0;
	v3 =	vnsel vm0, $0xFFFFFFFF, v3  }
0xa0: {  	vm9 =	vlt.u32 v4, $0x1400;
	v2 =	vnsel vm0, $0xFFFFFFFF, v2;
	[tilespmem:$0x9D00] =	vst v3;
	v3 =	vld [tilespmem:$0x30]  }
0xa1: {  	v55 =	vsub.s32 v6, v0;
	[tilespmem:$0x9F00] =	vst v2;
	v2 =	vnsel vm9, $0xFFFFFFFF, v5  }
0xa2: {  	vm10 =	vlt.u32 v55, $0x1400;
	[tilespmem:$0x9D10] =	vst v2;
	v2 =	vnsel vm9, $0xFFFFFFFF, v4  }
0xa3: {  	v56 =	vsub.s32 v8, v0;
	[tilespmem:$0x9F10] =	vst v2;
	v2 =	vnsel vm10, $0xFFFFFFFF, v7  }
0xa4: {  	vm11 =	vlt.u32 v56, $0x1400;
	[tilespmem:$0x9D20] =	vst v2;
	v2 =	vnsel vm10, $0xFFFFFFFF, v55  }
0xa5: {  	[tilespmem:$0x9F20] =	vst v2;
	v2 =	vnsel vm11, $0xFFFFFFFF, v3  }
0xa6: {  	[tilespmem:$0x9D30] =	vst v2;
	v2 =	vnsel vm11, $0xFFFFFFFF, v56  }
0xa7: {  	[tilespmem:$0x9F30] =	vst v2;
	(ifvalue) =	ssetifvalue $0xFFFFFFFF  }
0xa8: {  	(ifvalue) =	ssetifvalue $0xFFFFFFFF  }
0xa9: {  	[tilespmem:s18], [sflag:$0x1] =	stream.indirect.gather [hbm4b:s1+s21], $0x80, s22, s21, $0x40b8;
	[tilespmem:$0x1D200] =	vst v63  }
0xaa: {  	v2 =	vld [tilespmem:$0x4EC0]  }
0xab: {  	v3 =	vld [tilespmem:$0x40]  }
0xac: {  	v57 =	vld [tilespmem:$0x4ED0]  }
0xad: {  	v58 =	vld [tilespmem:$0x50]  }
0xae: {  	v59 =	vld [tilespmem:$0x4EE0]  }
0xaf: {  	v60 =	vld [tilespmem:$0x60];
	v2 =	vsub.s32 v2, v0  }
0xb0: {  	v61 =	vld [tilespmem:$0x4EF0];
	vm12 =	vlt.u32 v2, $0x1400  }
0xb1: {  	v4 =	vsub.s32 v57, v0;
	v3 =	vnsel vm12, $0xFFFFFFFF, v3  }
0xb2: {  	vm13 =	vlt.u32 v4, $0x1400;
	v2 =	vnsel vm12, $0xFFFFFFFF, v2;
	[tilespmem:$0x9D80] =	vst v3;
	v3 =	vld [tilespmem:$0x70]  }
0xb3: {  	v62 =	vsub.s32 v59, v0;
	[tilespmem:$0x9F80] =	vst v2;
	v2 =	vnsel vm13, $0xFFFFFFFF, v58  }
0xb4: {  	vm14 =	vlt.u32 v62, $0x1400;
	[tilespmem:$0x9D90] =	vst v2;
	v2 =	vnsel vm13, $0xFFFFFFFF, v4  }
0xb5: {  	v63 =	vsub.s32 v61, v0;
	[tilespmem:$0x9F90] =	vst v2;
	v2 =	vnsel vm14, $0xFFFFFFFF, v60  }
0xb6: {  	vm15 =	vlt.u32 v63, $0x1400;
	[tilespmem:$0x9DA0] =	vst v2;
	v2 =	vnsel vm14, $0xFFFFFFFF, v62  }
0xb7: {  	[tilespmem:$0x9FA0] =	vst v2;
	v2 =	vnsel vm15, $0xFFFFFFFF, v3  }
0xb8: {  	[tilespmem:$0x9DB0] =	vst v2;
	v2 =	vnsel vm15, $0xFFFFFFFF, v63  }
0xb9: {  	[tilespmem:$0x9FB0] =	vst v2;
	(ifvalue) =	ssetifvalue $0xFFFFFFFF  }
0xba: {  	s6 =	simm.s32 $0x4F20;
	(ifvalue) =	ssetifvalue $0xFFFFFFFF  }
0xbb: {  	[tilespmem:s24], [sflag:$0x2] =	stream.indirect.gather [hbm4b:s1+s21], $0x80, s23, s21, $0x40b8;
	[tilespmem:$0x1D200] =	vst v63  }
0xbc: {  	s15 =	simm.s32 $0x140;
	s16 =	simm.s32 $0xA0;
	[bflag:$0x0] =	sbarrier.arrive $0xFFFF  }
.LBB2_4:
0xbd: {  	p0 =	seq.s32 s15, $0x140  }
0xbe: {  	s7 =	simm.s32 @!p0 $0x7  }
0xbf: {  	_ =	swait.ge @!p0 [sflag:s7], $0x2000  }
0xc0: {  	[sflag:s7] =	ssyncset.done @!p0 $0x0  }
0xc1: {  	[sflag:s7] =	ssyncadd.s32 @!p0 $0xFFFFE000  }
0xc2: {  	v2 =	vld [tilespmem:s6+$0xFFFFFFE0];
	_ =	sdelay $0x1  }
0xc3: {  	v3 =	vld [tilespmem:s16+$0xFFFFFFE0];
	_ =	sdelay $0x2  }
0xc4: {  	v2 =	vsub.s32 v2, v0  }
0xc5: {  	vm0 =	vlt.u32 v2, $0x1400  }
0xc6: {  	v3 =	vnsel vm0, $0xFFFFFFFF, v3  }
0xc7: {  	v2 =	vnsel vm0, $0xFFFFFFFF, v2;
	[tilespmem:$0x9E00] =	vst v3  }
0xc8: {  	[tilespmem:$0xA000] =	vst v2  }
0xc9: {  	v2 =	vld [tilespmem:s6+$0xFFFFFFF0];
	_ =	sdelay $0x1  }
0xca: {  	v3 =	vld [tilespmem:s16+$0xFFFFFFF0];
	_ =	sdelay $0x2  }
0xcb: {  	v2 =	vsub.s32 v2, v0  }
0xcc: {  	vm9 =	vlt.u32 v2, $0x1400  }
0xcd: {  	v3 =	vnsel vm9, $0xFFFFFFFF, v3  }
0xce: {  	v2 =	vnsel vm9, $0xFFFFFFFF, v2;
	[tilespmem:$0x9E10] =	vst v3  }
0xcf: {  	[tilespmem:$0xA010] =	vst v2  }
0xd0: {  	v2 =	vld [tilespmem:s6+$0x0];
	_ =	sdelay $0x1  }
0xd1: {  	v3 =	vld [tilespmem:s16+$0x0];
	_ =	sdelay $0x2  }
0xd2: {  	v2 =	vsub.s32 v2, v0  }
0xd3: {  	vm10 =	vlt.u32 v2, $0x1400  }
0xd4: {  	v3 =	vnsel vm10, $0xFFFFFFFF, v3  }
0xd5: {  	v2 =	vnsel vm10, $0xFFFFFFFF, v2;
	[tilespmem:$0x9E20] =	vst v3  }
0xd6: {  	[tilespmem:$0xA020] =	vst v2  }
0xd7: {  	v2 =	vld [tilespmem:s6+$0x10];
	_ =	sdelay $0x1  }
0xd8: {  	v3 =	vld [tilespmem:s16+$0x10];
	_ =	sdelay $0x2  }
0xd9: {  	v2 =	vsub.s32 v2, v0  }
0xda: {  	vm11 =	vlt.u32 v2, $0x1400  }
0xdb: {  	v3 =	vnsel vm11, $0xFFFFFFFF, v3  }
0xdc: {  	v2 =	vnsel vm11, $0xFFFFFFFF, v2;
	[tilespmem:$0x9E30] =	vst v3  }
0xdd: {  	[tilespmem:$0xA030] =	vst v2  }
0xde: {  	_ =	swait.ge [sflag:s25], $0x2000  }
0xdf: {  	[sflag:s25] =	ssyncset.done $0x0  }
0xe0: {  	[sflag:s25] =	ssyncadd.s32 $0xFFFFE000;
	(ifvalue) =	ssetifvalue $0xFFFFFFFF  }
0xe1: {  	[spmem:s3] =	stream.indirect.scatter.add.f32 [tilespmem:s18], [sflag:$0x5], $0x80, s26, s21, $0x40b8;
	[tilespmem:$0x1D200] =	vst v63  }
0xe2: {  	(ifvalue) =	ssetifvalue $0xFFFFFFFF  }
0xe3: {  	s7 =	simm.s32 @!p0 $0x8;
	(ifvalue) =	ssetifvalue $0xFFFFFFFF  }
0xe4: {  	[tilespmem:s29], [sflag:$0x3] =	stream.indirect.gather [hbm4b:s1+s21], $0x80, s28, s21, $0x40b8;
	[tilespmem:$0x1D200] =	vst v63  }
0xe5: {  	_ =	swait.ge @!p0 [sflag:s7], $0x2000  }
0xe6: {  	[sflag:s7] =	ssyncset.done @!p0 $0x0  }
0xe7: {  	[sflag:s7] =	ssyncadd.s32 @!p0 $0xFFFFE000  }
0xe8: {  	v2 =	vld [tilespmem:s6+$0x20];
	_ =	sdelay $0x1  }
0xe9: {  	v3 =	vld [tilespmem:s16+$0x20];
	_ =	sdelay $0x2  }
0xea: {  	v2 =	vsub.s32 v2, v0  }
0xeb: {  	vm12 =	vlt.u32 v2, $0x1400  }
0xec: {  	v3 =	vnsel vm12, $0xFFFFFFFF, v3  }
0xed: {  	v2 =	vnsel vm12, $0xFFFFFFFF, v2;
	[tilespmem:$0x9E80] =	vst v3  }
0xee: {  	[tilespmem:$0xA080] =	vst v2  }
0xef: {  	v2 =	vld [tilespmem:s6+$0x30];
	_ =	sdelay $0x1  }
0xf0: {  	v3 =	vld [tilespmem:s16+$0x30];
	_ =	sdelay $0x2  }
0xf1: {  	v2 =	vsub.s32 v2, v0  }
0xf2: {  	vm13 =	vlt.u32 v2, $0x1400  }
0xf3: {  	v3 =	vnsel vm13, $0xFFFFFFFF, v3  }
0xf4: {  	v2 =	vnsel vm13, $0xFFFFFFFF, v2;
	[tilespmem:$0x9E90] =	vst v3  }
0xf5: {  	[tilespmem:$0xA090] =	vst v2  }
0xf6: {  	v2 =	vld [tilespmem:s6+$0x40];
	_ =	sdelay $0x1  }
0xf7: {  	v3 =	vld [tilespmem:s16+$0x40];
	_ =	sdelay $0x2  }
0xf8: {  	v2 =	vsub.s32 v2, v0  }
0xf9: {  	vm14 =	vlt.u32 v2, $0x1400  }
0xfa: {  	v3 =	vnsel vm14, $0xFFFFFFFF, v3  }
0xfb: {  	v2 =	vnsel vm14, $0xFFFFFFFF, v2;
	[tilespmem:$0x9EA0] =	vst v3  }
0xfc: {  	[tilespmem:$0xA0A0] =	vst v2  }
0xfd: {  	v2 =	vld [tilespmem:s6+$0x50];
	_ =	sdelay $0x1  }
0xfe: {  	v3 =	vld [tilespmem:s16+$0x50];
	_ =	sdelay $0x2  }
0xff: {  	v2 =	vsub.s32 v2, v0  }
0x100: {  	vm15 =	vlt.u32 v2, $0x1400  }
0x101: {  	v3 =	vnsel vm15, $0xFFFFFFFF, v3  }
0x102: {  	v2 =	vnsel vm15, $0xFFFFFFFF, v2;
	[tilespmem:$0x9EB0] =	vst v3  }
0x103: {  	[tilespmem:$0xA0B0] =	vst v2  }
0x104: {  	_ =	swait.ge [sflag:s30], $0x2000  }
0x105: {  	[sflag:s30] =	ssyncset.done $0x0  }
0x106: {  	[sflag:s30] =	ssyncadd.s32 $0xFFFFE000;
	(ifvalue) =	ssetifvalue $0xFFFFFFFF  }
0x107: {  	[spmem:s3] =	stream.indirect.scatter.add.f32 [tilespmem:s24], [sflag:$0x6], $0x80, s31, s21, $0x40b8;
	[tilespmem:$0x1D200] =	vst v63  }
0x108: {  	p0 =	seq.s32 s15, $0x4E40;
	(ifvalue) =	ssetifvalue $0xFFFFFFFF  }
.Ltmp3:
0x109: {  	(ifvalue) =	ssetifvalue $0xFFFFFFFF;
	(pc) =	sbr.rel @p0 .LBB2_6-.Ltmp3, $4  }
0x10a: {  	[tilespmem:s0], [sflag:$0x4] =	stream.indirect.gather [hbm4b:s1+s21], $0x80, s2, s21, $0x40b8;
	[tilespmem:$0x1D200] =	vst v63  }
0x10b: {  	_ =	swait.ge [sflag:s20], $0x2000  }
0x10c: {  	[sflag:s20] =	ssyncset.done $0x0  }
0x10d: {  	[sflag:s20] =	ssyncadd.s32 $0xFFFFE000  }
0x10e: {  	v2 =	vld [tilespmem:s6+$0x60];
	_ =	sdelay $0x1  }
0x10f: {  	v3 =	vld [tilespmem:s16+$0x60];
	_ =	sdelay $0x2  }
0x110: {  	v2 =	vsub.s32 v2, v0  }
0x111: {  	vm0 =	vlt.u32 v2, $0x1400  }
0x112: {  	v3 =	vnsel vm0, $0xFFFFFFFF, v3  }
0x113: {  	v2 =	vnsel vm0, $0xFFFFFFFF, v2;
	[tilespmem:$0x9D00] =	vst v3  }
0x114: {  	[tilespmem:$0x9F00] =	vst v2  }
0x115: {  	v2 =	vld [tilespmem:s6+$0x70];
	_ =	sdelay $0x1  }
0x116: {  	v3 =	vld [tilespmem:s16+$0x70];
	_ =	sdelay $0x2  }
0x117: {  	v2 =	vsub.s32 v2, v0  }
0x118: {  	vm9 =	vlt.u32 v2, $0x1400  }
0x119: {  	v3 =	vnsel vm9, $0xFFFFFFFF, v3  }
0x11a: {  	v2 =	vnsel vm9, $0xFFFFFFFF, v2;
	[tilespmem:$0x9D10] =	vst v3  }
0x11b: {  	[tilespmem:$0x9F10] =	vst v2  }
0x11c: {  	v2 =	vld [tilespmem:s6+$0x80];
	_ =	sdelay $0x1  }
0x11d: {  	v3 =	vld [tilespmem:s16+$0x80];
	_ =	sdelay $0x2  }
0x11e: {  	v2 =	vsub.s32 v2, v0  }
0x11f: {  	vm10 =	vlt.u32 v2, $0x1400  }
0x120: {  	v3 =	vnsel vm10, $0xFFFFFFFF, v3  }
0x121: {  	v2 =	vnsel vm10, $0xFFFFFFFF, v2;
	[tilespmem:$0x9D20] =	vst v3  }
0x122: {  	[tilespmem:$0x9F20] =	vst v2  }
0x123: {  	v2 =	vld [tilespmem:s6+$0x90];
	_ =	sdelay $0x1  }
0x124: {  	v3 =	vld [tilespmem:s16+$0x90];
	_ =	sdelay $0x2  }
0x125: {  	v2 =	vsub.s32 v2, v0  }
0x126: {  	vm11 =	vlt.u32 v2, $0x1400  }
0x127: {  	v3 =	vnsel vm11, $0xFFFFFFFF, v3  }
0x128: {  	v2 =	vnsel vm11, $0xFFFFFFFF, v2;
	[tilespmem:$0x9D30] =	vst v3  }
0x129: {  	[tilespmem:$0x9F30] =	vst v2  }
0x12a: {  	_ =	swait.ge [sflag:s10], $0x2000  }
0x12b: {  	[sflag:s10] =	ssyncset.done $0x0  }
0x12c: {  	[sflag:s10] =	ssyncadd.s32 $0xFFFFE000;
	(ifvalue) =	ssetifvalue $0xFFFFFFFF  }
0x12d: {  	[spmem:s3] =	stream.indirect.scatter.add.f32 [tilespmem:s29], [sflag:$0x7], $0x80, s11, s21, $0x40b8;
	[tilespmem:$0x1D200] =	vst v63  }
0x12e: {  	(ifvalue) =	ssetifvalue $0xFFFFFFFF  }
0x12f: {  	(ifvalue) =	ssetifvalue $0xFFFFFFFF  }
0x130: {  	[tilespmem:s18], [sflag:$0x1] =	stream.indirect.gather [hbm4b:s1+s21], $0x80, s22, s21, $0x40b8;
	[tilespmem:$0x1D200] =	vst v63  }
0x131: {  	_ =	swait.ge [sflag:s12], $0x2000  }
0x132: {  	[sflag:s12] =	ssyncset.done $0x0  }
0x133: {  	[sflag:s12] =	ssyncadd.s32 $0xFFFFE000  }
0x134: {  	v2 =	vld [tilespmem:s6+$0xA0];
	_ =	sdelay $0x1  }
0x135: {  	v3 =	vld [tilespmem:s16+$0xA0];
	_ =	sdelay $0x2  }
0x136: {  	v2 =	vsub.s32 v2, v0  }
0x137: {  	vm12 =	vlt.u32 v2, $0x1400  }
0x138: {  	v3 =	vnsel vm12, $0xFFFFFFFF, v3  }
0x139: {  	v2 =	vnsel vm12, $0xFFFFFFFF, v2;
	[tilespmem:$0x9D80] =	vst v3  }
0x13a: {  	s7 =	sor.u32 $0x50, s15;
	[tilespmem:$0x9F80] =	vst v2  }
0x13b: {  	v2 =	vld [tilespmem:s7+$0x4E80];
	_ =	sdelay $0x1  }
0x13c: {  	v3 =	vld [tilespmem:s7+$0x0];
	_ =	sdelay $0x2  }
0x13d: {  	v2 =	vsub.s32 v2, v0  }
0x13e: {  	vm13 =	vlt.u32 v2, $0x1400  }
0x13f: {  	v3 =	vnsel vm13, $0xFFFFFFFF, v3  }
0x140: {  	v2 =	vnsel vm13, $0xFFFFFFFF, v2;
	[tilespmem:$0x9D90] =	vst v3  }
0x141: {  	s7 =	sor.u32 $0x60, s15;
	[tilespmem:$0x9F90] =	vst v2  }
0x142: {  	v2 =	vld [tilespmem:s7+$0x4E80];
	_ =	sdelay $0x1  }
0x143: {  	v3 =	vld [tilespmem:s7+$0x0];
	_ =	sdelay $0x2  }
0x144: {  	v2 =	vsub.s32 v2, v0  }
0x145: {  	vm14 =	vlt.u32 v2, $0x1400  }
0x146: {  	v3 =	vnsel vm14, $0xFFFFFFFF, v3  }
0x147: {  	v2 =	vnsel vm14, $0xFFFFFFFF, v2;
	[tilespmem:$0x9DA0] =	vst v3  }
0x148: {  	s7 =	sor.u32 $0x70, s15;
	[tilespmem:$0x9FA0] =	vst v2  }
0x149: {  	v2 =	vld [tilespmem:s7+$0x4E80];
	_ =	sdelay $0x1  }
0x14a: {  	v3 =	vld [tilespmem:s7+$0x0];
	_ =	sdelay $0x2  }
0x14b: {  	v2 =	vsub.s32 v2, v0  }
0x14c: {  	vm15 =	vlt.u32 v2, $0x1400  }
0x14d: {  	v3 =	vnsel vm15, $0xFFFFFFFF, v3  }
0x14e: {  	v2 =	vnsel vm15, $0xFFFFFFFF, v2;
	[tilespmem:$0x9DB0] =	vst v3  }
0x14f: {  	[tilespmem:$0x9FB0] =	vst v2  }
0x150: {  	_ =	swait.ge [sflag:s13], $0x2000  }
0x151: {  	[sflag:s13] =	ssyncset.done $0x0  }
.Ltmp4:
0x152: {  	[sflag:s13] =	ssyncadd.s32 $0xFFFFE000;
	(ifvalue) =	ssetifvalue $0xFFFFFFFF;
	(pc) =	sbr.rel .LBB2_4-.Ltmp4, $4  }
0x153: {  	[spmem:s3] =	stream.indirect.scatter.add.f32 [tilespmem:s0], [sflag:$0x8], $0x80, s14, s21, $0x40b8;
	[tilespmem:$0x1D200] =	vst v63  }
0x154: {  	s16 =	sadd.s32 $0x100, s16;
	(ifvalue) =	ssetifvalue $0xFFFFFFFF  }
0x155: {  	s6 =	sadd.s32 $0x100, s6;
	s15 =	sadd.s32 $0x100, s15;
	(ifvalue) =	ssetifvalue $0xFFFFFFFF  }
0x156: {  	[tilespmem:s24], [sflag:$0x2] =	stream.indirect.gather [hbm4b:s1+s21], $0x80, s23, s21, $0x40b8;
	[tilespmem:$0x1D200] =	vst v63  }
.LBB2_7:
0x157: {  	_ =	sfence.sel $0x180000  }
0x158: {  	[bflag:$0x0] =	sbarrier.arrive $0xFFFF  }
0x159: {  	_ =	strace $0x90000047  }
0x15a: {  	s0 =	stileid.u32;
	[bflag:$0x2] =	sbarrier.arrive $0xFFFF  }
0x15b: {  	p0 =	sne.s32 s0, $0x0;
	s0 =	rddreg [dreg:$0x4]  }
0x15c: {  	s0 =	sadd.s32 @!p0 $0x100000, s0  }
0x15d: {  	[sflag:s0] =	ssyncadd.tile.s32 @!p0 $0x1;
	_ =	shalt  }
.Lfunc_end2:
_tile_overlayer_lowered:
.L_overlay_start_2:
0x15e: {  	(tag) =	ssettag $0x2  }
0x15f: {  	s0 =	rddreg [dreg:$0x0];
	s2 =	stileid.u32  }
0x160: {  	s1 =	rddreg [dreg:$0x1];
	p0 =	sne.s32 s2, $0x0  }
0x161: {  	s3 =	rddreg [dreg:$0x2];
	[bflag:$0x3] =	sbarrier.arrive $0xFFFF;
	s2 =	simm.s32 @!p0 $0x1C09  }
0x162: {  	[timem:s3], [sflag:s2] =	dma.local @!p0 [hbm:s0], s1  }
0x163: {  	s0 =	simm.s32 @!p0 $0x9  }
0x164: {  	_ =	swait.ge @!p0 [sflag:s0], s1  }
0x165: {  	s1 =	ssub.s32 @!p0 $0x0, s1;
	[sflag:s0] =	ssyncset.done @!p0 $0x0  }
0x166: {  	[sflag:s0] =	ssyncadd.s32 @!p0 s1  }
0x167: {  	[bflag:$0x3] =	sbarrier.arrive $0xFFFF  }
0x168: {  	_ =	shalt  }

</sc_bundles>
